<compile_context>
chip_gen: v7x
topology: tpu7x:2x2x1
jax: 0.10.2.dev20260603
libtpu: 0.0.44.dev20260713+nightly
codegen_flags: <defaults>
</compile_context>

<pallas_src>
import functools

import jax
import jax.numpy as jnp
from jax import lax
from jax.experimental import pallas as pl
from jax.experimental.pallas import tpu as pltpu
from jax.experimental.pallas import tpu_sc as plsc

MAXLEN = 200
EMBED_DIM = 32
BATCH = 4096

NC, NS, L = 2, 16, 16
NW = NC * NS
ROWS_PER_W = BATCH // NW
ROWS_PER_CHUNK = 4
IDX_PER_CHUNK = ROWS_PER_CHUNK * MAXLEN
SPLIT_OFFS = (0, 96)
SPLIT_LENS = (96, 104)
NBUF = 3
CHUNKS_PER_W = ROWS_PER_W // ROWS_PER_CHUNK


def _body(idx_hbm, table_hbm, pos_hbm, out_hbm, idx_v, rows_v, pos_v, gsems, osems):
    wid = lax.axis_index("s") * NC + lax.axis_index("c")
    row0 = wid * ROWS_PER_W

    pltpu.sync_copy(idx_hbm.at[pl.ds(row0, ROWS_PER_W), :], idx_v)
    pltpu.sync_copy(pos_hbm, pos_v)

    def fire(b, t):
        for r in range(ROWS_PER_CHUNK):
            for off, ln in zip(SPLIT_OFFS, SPLIT_LENS):
                idx = idx_v.at[t * ROWS_PER_CHUNK + r, pl.ds(off, ln)]
                dst = rows_v.at[b, r, pl.ds(off, ln), :]
                pltpu.async_copy(table_hbm.at[idx], dst, gsems[b])

    def refire(b, t):
        pltpu.make_async_copy(
            rows_v.at[b], out_hbm.at[pl.ds(0, ROWS_PER_CHUNK), :, :], osems[b]
        ).wait()
        fire(b, t)

    def consume(b, t):
        pltpu.make_async_copy(
            out_hbm.at[pl.ds(0, ROWS_PER_CHUNK), :, :], rows_v.at[b], gsems[b]
        ).wait()

        @pl.loop(0, MAXLEN)
        def _pos(p):
            pv0 = pos_v[p, pl.ds(0, L)]
            pv1 = pos_v[p, pl.ds(L, L)]
            for r in range(ROWS_PER_CHUNK):
                plsc.addupdate(rows_v.at[b, r, p, pl.ds(0, L)], pv0)
                plsc.addupdate(rows_v.at[b, r, p, pl.ds(L, L)], pv1)

        pltpu.async_copy(
            rows_v.at[b],
            out_hbm.at[pl.ds(row0 + t * ROWS_PER_CHUNK, ROWS_PER_CHUNK), :, :],
            osems[b],
        )

    for b in range(NBUF):
        fire(b, b)

    @pl.loop(0, CHUNKS_PER_W - 2, step=NBUF)
    def _chunk(t):
        for b in range(NBUF):
            consume(b, t + b)

            @pl.when(t + b + NBUF < CHUNKS_PER_W)
            def _():
                refire(b, t + b + NBUF)

    consume(0, CHUNKS_PER_W - 2)
    consume(1, CHUNKS_PER_W - 1)

    for b in range(NBUF):
        pltpu.make_async_copy(
            rows_v.at[b], out_hbm.at[pl.ds(0, ROWS_PER_CHUNK), :, :], osems[b]
        ).wait()


@jax.jit
def _embed(inputs, token_table, pos_table):
    mesh = plsc.VectorSubcoreMesh(core_axis_name="c", subcore_axis_name="s")
    return pl.kernel(
        _body,
        out_type=jax.ShapeDtypeStruct((BATCH, MAXLEN, EMBED_DIM), jnp.float32),
        mesh=mesh,
        scratch_types=[
            pltpu.VMEM((ROWS_PER_W, MAXLEN), jnp.int32),
            pltpu.VMEM((NBUF, ROWS_PER_CHUNK, MAXLEN, EMBED_DIM), jnp.float32),
            pltpu.VMEM((MAXLEN, EMBED_DIM), jnp.float32),
            [pltpu.SemaphoreType.DMA] * NBUF,
            [pltpu.SemaphoreType.DMA] * NBUF,
        ],
        compiler_params=pltpu.CompilerParams(use_tc_tiling_on_sc=False),
    )(inputs, token_table, pos_table)


def kernel(inputs, token_table, pos_table):
    return _embed(inputs, token_table, pos_table)

# --- scband reference (transcript-rebuilt; emitter-appended) ---
"""Pipeline reference for scband-token-and-position-embedding-17952963297447 (READ-ONLY COPY).

The authoritative reference and input builder live on the scoring server;
editing this copy changes nothing except your own understanding.
"""

import jax, jax.numpy as jnp
import numpy as np

MAXLEN = 200
VOCAB_SIZE = 1000000
EMBED_DIM = 32
BATCH = 4096


def setup_inputs(seed: int = 0) -> dict:
    key = jax.random.key(seed)
    k1, k2, k3 = jax.random.split(key, 3)
    inputs = jax.random.randint(k1, (BATCH, MAXLEN), 0, VOCAB_SIZE, dtype=jnp.int64 if jax.config.jax_enable_x64 else jnp.int32)
    token_table = jax.random.normal(k2, (VOCAB_SIZE, EMBED_DIM), dtype=jnp.float32) * 0.05
    pos_table = jax.random.normal(k3, (MAXLEN, EMBED_DIM), dtype=jnp.float32) * 0.05
    return {"inputs": inputs, "token_table": token_table, "pos_table": pos_table}


def reference(inputs, token_table, pos_table):
    # positions = range(0, maxlen); pos_emb(positions) -> pos_table[0:maxlen]
    positions = jnp.arange(MAXLEN)
    pos = jnp.take(pos_table, positions, axis=0)  # [maxlen, embed_dim]
    # token embedding lookup (token_identity=False)
    tok = jnp.take(token_table, inputs, axis=0)  # [B, maxlen, embed_dim]
    return tok + pos[None, :, :]

if __name__ == "__main__":
    import jax
    _d = setup_inputs()
    print(jax.jit(kernel)(*tuple(_d.values())))

</pallas_src>

<mosaic_0001>
#map = affine_map<(d0, d1) -> (0, 0)>
#map1 = affine_map<(d0, d1) -> (0, 0, 0)>
module attributes {stable_mosaic.version = 14 : i64} {
  func.func @_body(%arg0: i32, %arg1: i32, %arg2: memref<4096x200xi32, #tpu.memory_space<hbm>>, %arg3: memref<1000000x32xf32, #tpu.memory_space<hbm>>, %arg4: memref<200x32xf32, #tpu.memory_space<hbm>>, %arg5: memref<4096x200x32xf32, #tpu.memory_space<hbm>>, %arg6: memref<128x200xi32, #tpu.memory_space<vmem>>, %arg7: memref<3x4x200x32xf32, #tpu.memory_space<vmem>>, %arg8: memref<200x32xf32, #tpu.memory_space<vmem>>, %arg9: memref<!tpu.dma_semaphore, #tpu.memory_space<semaphore_mem>>, %arg10: memref<!tpu.dma_semaphore, #tpu.memory_space<semaphore_mem>>, %arg11: memref<!tpu.dma_semaphore, #tpu.memory_space<semaphore_mem>>, %arg12: memref<!tpu.dma_semaphore, #tpu.memory_space<semaphore_mem>>, %arg13: memref<!tpu.dma_semaphore, #tpu.memory_space<semaphore_mem>>, %arg14: memref<!tpu.dma_semaphore, #tpu.memory_space<semaphore_mem>>) attributes {dimension_semantics = [#tpu.dimension_semantics<core_parallel>, #tpu.dimension_semantics<subcore_parallel>], iteration_bounds = array<i64: 2, 16>, scalar_prefetch = 0 : i64, scratch_operands = 9 : i64, tpu.core_type = #tpu.core_type<sc_vector_subcore>, window_params = [{transform_indices = #map}, {transform_indices = #map}, {transform_indices = #map}, {transform_indices = #map1}]} {
    %mul3A = arith.constant 2 : i32
    %mul3A_0 = arith.muli %arg1, %mul3A : i32
    %add3A = arith.addi %mul3A_0, %arg0 : i32
    %mul3A_1 = arith.constant 128 : i32
    %mul3A_2 = arith.muli %add3A, %mul3A_1 : i32
    "tpu.region"() ({
      %run_scoped3A = tpu.sem_alloc : memref<!tpu.dma_semaphore, #tpu.memory_space<semaphore_mem>>
      %dma_start3A_460 = arith.constant 0 : i32
      %dma_start3A_461 = tpu.memref_slice %arg2[%mul3A_2, %dma_start3A_460] : memref<4096x200xi32, #tpu.memory_space<hbm>> -> memref<128x200xi32, #tpu.memory_space<hbm>>
      %dma_start3A_462 = arith.constant 0 : i32
      %dma_start3A_463 = tpu.memref_slice %arg2[%mul3A_2, %dma_start3A_462] : memref<4096x200xi32, #tpu.memory_space<hbm>> -> memref<128x200xi32, #tpu.memory_space<hbm>>
      tpu.enqueue_dma source(%dma_start3A_463 : memref<128x200xi32, #tpu.memory_space<hbm>>) target(%arg6 : memref<128x200xi32, #tpu.memory_space<vmem>>) target_semaphore(%run_scoped3A : memref<!tpu.dma_semaphore, #tpu.memory_space<semaphore_mem>>)
      %dma_wait3A_464 = arith.constant 0 : i32
      %dma_wait3A_465 = tpu.memref_slice %arg2[%mul3A_2, %dma_wait3A_464] : memref<4096x200xi32, #tpu.memory_space<hbm>> -> memref<128x200xi32, #tpu.memory_space<hbm>>
      %dma_wait3A_466 = arith.constant 0 : i32
      %dma_wait3A_467 = tpu.memref_slice %arg2[%mul3A_2, %dma_wait3A_466] : memref<4096x200xi32, #tpu.memory_space<hbm>> -> memref<128x200xi32, #tpu.memory_space<hbm>>
      tpu.wait_dma2 semaphore(%run_scoped3A : memref<!tpu.dma_semaphore, #tpu.memory_space<semaphore_mem>>) src(%dma_wait3A_467 : memref<128x200xi32, #tpu.memory_space<hbm>>) dst(%arg6 : memref<128x200xi32, #tpu.memory_space<vmem>>)
      tpu.yield
    }) : () -> ()
    "tpu.region"() ({
      %run_scoped3A = tpu.sem_alloc : memref<!tpu.dma_semaphore, #tpu.memory_space<semaphore_mem>>
      tpu.enqueue_dma source(%arg4 : memref<200x32xf32, #tpu.memory_space<hbm>>) target(%arg8 : memref<200x32xf32, #tpu.memory_space<vmem>>) target_semaphore(%run_scoped3A : memref<!tpu.dma_semaphore, #tpu.memory_space<semaphore_mem>>)
      tpu.wait_dma2 semaphore(%run_scoped3A : memref<!tpu.dma_semaphore, #tpu.memory_space<semaphore_mem>>) src(%arg4 : memref<200x32xf32, #tpu.memory_space<hbm>>) dst(%arg8 : memref<200x32xf32, #tpu.memory_space<vmem>>)
      tpu.yield
    }) : () -> ()
    %dma_start3A = arith.constant 0 : i32
    %dma_start3A_3 = arith.constant 0 : i32
    %dma_start3A_4 = arith.constant 0 : i32
    %dma_start3A_5 = arith.constant 0 : i32
    %dma_start3A_6 = arith.constant 0 : i32
    %dma_start3A_7 = tpu.memref_slice %arg7[%dma_start3A_3, %dma_start3A_4, %dma_start3A_5, %dma_start3A_6] : memref<3x4x200x32xf32, #tpu.memory_space<vmem>> -> memref<1x1x96x32xf32, #tpu.memory_space<vmem>>
    %dma_start3A_8 = tpu.memref_squeeze %dma_start3A_7 : memref<1x1x96x32xf32, #tpu.memory_space<vmem>> -> memref<96x32xf32, #tpu.memory_space<vmem>>
    %dma_start3A_9 = arith.constant 0 : i32
    %dma_start3A_10 = tpu.memref_slice %arg6[%dma_start3A, %dma_start3A_9] : memref<128x200xi32, #tpu.memory_space<vmem>> -> memref<1x96xi32, #tpu.memory_space<vmem>>
    %dma_start3A_11 = tpu.memref_squeeze %dma_start3A_10 : memref<1x96xi32, #tpu.memory_space<vmem>> -> memref<96xi32, #tpu.memory_space<vmem>>
    %dma_start3A_12 = arith.constant 0 : i32
    %dma_start3A_13 = arith.constant 0 : i32
    %dma_start3A_14 = tpu.memref_slice %arg3[%dma_start3A_12, %dma_start3A_13] : memref<1000000x32xf32, #tpu.memory_space<hbm>> -> memref<1000000x32xf32, #tpu.memory_space<hbm>>
    tpu.enqueue_indirect_dma source(%dma_start3A_14 : memref<1000000x32xf32, #tpu.memory_space<hbm>>) target(%dma_start3A_8 : memref<96x32xf32, #tpu.memory_space<vmem>>) offsets(%dma_start3A_11 : memref<96xi32, #tpu.memory_space<vmem>>) semaphore(%arg9 : memref<!tpu.dma_semaphore, #tpu.memory_space<semaphore_mem>>)
    %dma_start3A_15 = arith.constant 0 : i32
    %dma_start3A_16 = arith.constant 0 : i32
    %dma_start3A_17 = arith.constant 0 : i32
    %dma_start3A_18 = arith.constant 96 : i32
    %dma_start3A_19 = arith.constant 0 : i32
    %dma_start3A_20 = tpu.memref_slice %arg7[%dma_start3A_16, %dma_start3A_17, %dma_start3A_18, %dma_start3A_19] : memref<3x4x200x32xf32, #tpu.memory_space<vmem>> -> memref<1x1x104x32xf32, #tpu.memory_space<vmem>>
    %dma_start3A_21 = tpu.memref_squeeze %dma_start3A_20 : memref<1x1x104x32xf32, #tpu.memory_space<vmem>> -> memref<104x32xf32, #tpu.memory_space<vmem>>
    %dma_start3A_22 = arith.constant 96 : i32
    %dma_start3A_23 = tpu.memref_slice %arg6[%dma_start3A_15, %dma_start3A_22] : memref<128x200xi32, #tpu.memory_space<vmem>> -> memref<1x104xi32, #tpu.memory_space<vmem>>
    %dma_start3A_24 = tpu.memref_squeeze %dma_start3A_23 : memref<1x104xi32, #tpu.memory_space<vmem>> -> memref<104xi32, #tpu.memory_space<vmem>>
    %dma_start3A_25 = arith.constant 0 : i32
    %dma_start3A_26 = arith.constant 0 : i32
    %dma_start3A_27 = tpu.memref_slice %arg3[%dma_start3A_25, %dma_start3A_26] : memref<1000000x32xf32, #tpu.memory_space<hbm>> -> memref<1000000x32xf32, #tpu.memory_space<hbm>>
    tpu.enqueue_indirect_dma source(%dma_start3A_27 : memref<1000000x32xf32, #tpu.memory_space<hbm>>) target(%dma_start3A_21 : memref<104x32xf32, #tpu.memory_space<vmem>>) offsets(%dma_start3A_24 : memref<104xi32, #tpu.memory_space<vmem>>) semaphore(%arg9 : memref<!tpu.dma_semaphore, #tpu.memory_space<semaphore_mem>>)
    %dma_start3A_28 = arith.constant 1 : i32
    %dma_start3A_29 = arith.constant 0 : i32
    %dma_start3A_30 = arith.constant 1 : i32
    %dma_start3A_31 = arith.constant 0 : i32
    %dma_start3A_32 = arith.constant 0 : i32
    %dma_start3A_33 = tpu.memref_slice %arg7[%dma_start3A_29, %dma_start3A_30, %dma_start3A_31, %dma_start3A_32] : memref<3x4x200x32xf32, #tpu.memory_space<vmem>> -> memref<1x1x96x32xf32, #tpu.memory_space<vmem>>
    %dma_start3A_34 = tpu.memref_squeeze %dma_start3A_33 : memref<1x1x96x32xf32, #tpu.memory_space<vmem>> -> memref<96x32xf32, #tpu.memory_space<vmem>>
    %dma_start3A_35 = arith.constant 0 : i32
    %dma_start3A_36 = tpu.memref_slice %arg6[%dma_start3A_28, %dma_start3A_35] : memref<128x200xi32, #tpu.memory_space<vmem>> -> memref<1x96xi32, #tpu.memory_space<vmem>>
    %dma_start3A_37 = tpu.memref_squeeze %dma_start3A_36 : memref<1x96xi32, #tpu.memory_space<vmem>> -> memref<96xi32, #tpu.memory_space<vmem>>
    %dma_start3A_38 = arith.constant 0 : i32
    %dma_start3A_39 = arith.constant 0 : i32
    %dma_start3A_40 = tpu.memref_slice %arg3[%dma_start3A_38, %dma_start3A_39] : memref<1000000x32xf32, #tpu.memory_space<hbm>> -> memref<1000000x32xf32, #tpu.memory_space<hbm>>
    tpu.enqueue_indirect_dma source(%dma_start3A_40 : memref<1000000x32xf32, #tpu.memory_space<hbm>>) target(%dma_start3A_34 : memref<96x32xf32, #tpu.memory_space<vmem>>) offsets(%dma_start3A_37 : memref<96xi32, #tpu.memory_space<vmem>>) semaphore(%arg9 : memref<!tpu.dma_semaphore, #tpu.memory_space<semaphore_mem>>)
    %dma_start3A_41 = arith.constant 1 : i32
    %dma_start3A_42 = arith.constant 0 : i32
    %dma_start3A_43 = arith.constant 1 : i32
    %dma_start3A_44 = arith.constant 96 : i32
    %dma_start3A_45 = arith.constant 0 : i32
    %dma_start3A_46 = tpu.memref_slice %arg7[%dma_start3A_42, %dma_start3A_43, %dma_start3A_44, %dma_start3A_45] : memref<3x4x200x32xf32, #tpu.memory_space<vmem>> -> memref<1x1x104x32xf32, #tpu.memory_space<vmem>>
    %dma_start3A_47 = tpu.memref_squeeze %dma_start3A_46 : memref<1x1x104x32xf32, #tpu.memory_space<vmem>> -> memref<104x32xf32, #tpu.memory_space<vmem>>
    %dma_start3A_48 = arith.constant 96 : i32
    %dma_start3A_49 = tpu.memref_slice %arg6[%dma_start3A_41, %dma_start3A_48] : memref<128x200xi32, #tpu.memory_space<vmem>> -> memref<1x104xi32, #tpu.memory_space<vmem>>
    %dma_start3A_50 = tpu.memref_squeeze %dma_start3A_49 : memref<1x104xi32, #tpu.memory_space<vmem>> -> memref<104xi32, #tpu.memory_space<vmem>>
    %dma_start3A_51 = arith.constant 0 : i32
    %dma_start3A_52 = arith.constant 0 : i32
    %dma_start3A_53 = tpu.memref_slice %arg3[%dma_start3A_51, %dma_start3A_52] : memref<1000000x32xf32, #tpu.memory_space<hbm>> -> memref<1000000x32xf32, #tpu.memory_space<hbm>>
    tpu.enqueue_indirect_dma source(%dma_start3A_53 : memref<1000000x32xf32, #tpu.memory_space<hbm>>) target(%dma_start3A_47 : memref<104x32xf32, #tpu.memory_space<vmem>>) offsets(%dma_start3A_50 : memref<104xi32, #tpu.memory_space<vmem>>) semaphore(%arg9 : memref<!tpu.dma_semaphore, #tpu.memory_space<semaphore_mem>>)
    %dma_start3A_54 = arith.constant 2 : i32
    %dma_start3A_55 = arith.constant 0 : i32
    %dma_start3A_56 = arith.constant 2 : i32
    %dma_start3A_57 = arith.constant 0 : i32
    %dma_start3A_58 = arith.constant 0 : i32
    %dma_start3A_59 = tpu.memref_slice %arg7[%dma_start3A_55, %dma_start3A_56, %dma_start3A_57, %dma_start3A_58] : memref<3x4x200x32xf32, #tpu.memory_space<vmem>> -> memref<1x1x96x32xf32, #tpu.memory_space<vmem>>
    %dma_start3A_60 = tpu.memref_squeeze %dma_start3A_59 : memref<1x1x96x32xf32, #tpu.memory_space<vmem>> -> memref<96x32xf32, #tpu.memory_space<vmem>>
    %dma_start3A_61 = arith.constant 0 : i32
    %dma_start3A_62 = tpu.memref_slice %arg6[%dma_start3A_54, %dma_start3A_61] : memref<128x200xi32, #tpu.memory_space<vmem>> -> memref<1x96xi32, #tpu.memory_space<vmem>>
    %dma_start3A_63 = tpu.memref_squeeze %dma_start3A_62 : memref<1x96xi32, #tpu.memory_space<vmem>> -> memref<96xi32, #tpu.memory_space<vmem>>
    %dma_start3A_64 = arith.constant 0 : i32
    %dma_start3A_65 = arith.constant 0 : i32
    %dma_start3A_66 = tpu.memref_slice %arg3[%dma_start3A_64, %dma_start3A_65] : memref<1000000x32xf32, #tpu.memory_space<hbm>> -> memref<1000000x32xf32, #tpu.memory_space<hbm>>
    tpu.enqueue_indirect_dma source(%dma_start3A_66 : memref<1000000x32xf32, #tpu.memory_space<hbm>>) target(%dma_start3A_60 : memref<96x32xf32, #tpu.memory_space<vmem>>) offsets(%dma_start3A_63 : memref<96xi32, #tpu.memory_space<vmem>>) semaphore(%arg9 : memref<!tpu.dma_semaphore, #tpu.memory_space<semaphore_mem>>)
    %dma_start3A_67 = arith.constant 2 : i32
    %dma_start3A_68 = arith.constant 0 : i32
    %dma_start3A_69 = arith.constant 2 : i32
    %dma_start3A_70 = arith.constant 96 : i32
    %dma_start3A_71 = arith.constant 0 : i32
    %dma_start3A_72 = tpu.memref_slice %arg7[%dma_start3A_68, %dma_start3A_69, %dma_start3A_70, %dma_start3A_71] : memref<3x4x200x32xf32, #tpu.memory_space<vmem>> -> memref<1x1x104x32xf32, #tpu.memory_space<vmem>>
    %dma_start3A_73 = tpu.memref_squeeze %dma_start3A_72 : memref<1x1x104x32xf32, #tpu.memory_space<vmem>> -> memref<104x32xf32, #tpu.memory_space<vmem>>
    %dma_start3A_74 = arith.constant 96 : i32
    %dma_start3A_75 = tpu.memref_slice %arg6[%dma_start3A_67, %dma_start3A_74] : memref<128x200xi32, #tpu.memory_space<vmem>> -> memref<1x104xi32, #tpu.memory_space<vmem>>
    %dma_start3A_76 = tpu.memref_squeeze %dma_start3A_75 : memref<1x104xi32, #tpu.memory_space<vmem>> -> memref<104xi32, #tpu.memory_space<vmem>>
    %dma_start3A_77 = arith.constant 0 : i32
    %dma_start3A_78 = arith.constant 0 : i32
    %dma_start3A_79 = tpu.memref_slice %arg3[%dma_start3A_77, %dma_start3A_78] : memref<1000000x32xf32, #tpu.memory_space<hbm>> -> memref<1000000x32xf32, #tpu.memory_space<hbm>>
    tpu.enqueue_indirect_dma source(%dma_start3A_79 : memref<1000000x32xf32, #tpu.memory_space<hbm>>) target(%dma_start3A_73 : memref<104x32xf32, #tpu.memory_space<vmem>>) offsets(%dma_start3A_76 : memref<104xi32, #tpu.memory_space<vmem>>) semaphore(%arg9 : memref<!tpu.dma_semaphore, #tpu.memory_space<semaphore_mem>>)
    %dma_start3A_80 = arith.constant 3 : i32
    %dma_start3A_81 = arith.constant 0 : i32
    %dma_start3A_82 = arith.constant 3 : i32
    %dma_start3A_83 = arith.constant 0 : i32
    %dma_start3A_84 = arith.constant 0 : i32
    %dma_start3A_85 = tpu.memref_slice %arg7[%dma_start3A_81, %dma_start3A_82, %dma_start3A_83, %dma_start3A_84] : memref<3x4x200x32xf32, #tpu.memory_space<vmem>> -> memref<1x1x96x32xf32, #tpu.memory_space<vmem>>
    %dma_start3A_86 = tpu.memref_squeeze %dma_start3A_85 : memref<1x1x96x32xf32, #tpu.memory_space<vmem>> -> memref<96x32xf32, #tpu.memory_space<vmem>>
    %dma_start3A_87 = arith.constant 0 : i32
    %dma_start3A_88 = tpu.memref_slice %arg6[%dma_start3A_80, %dma_start3A_87] : memref<128x200xi32, #tpu.memory_space<vmem>> -> memref<1x96xi32, #tpu.memory_space<vmem>>
    %dma_start3A_89 = tpu.memref_squeeze %dma_start3A_88 : memref<1x96xi32, #tpu.memory_space<vmem>> -> memref<96xi32, #tpu.memory_space<vmem>>
    %dma_start3A_90 = arith.constant 0 : i32
    %dma_start3A_91 = arith.constant 0 : i32
    %dma_start3A_92 = tpu.memref_slice %arg3[%dma_start3A_90, %dma_start3A_91] : memref<1000000x32xf32, #tpu.memory_space<hbm>> -> memref<1000000x32xf32, #tpu.memory_space<hbm>>
    tpu.enqueue_indirect_dma source(%dma_start3A_92 : memref<1000000x32xf32, #tpu.memory_space<hbm>>) target(%dma_start3A_86 : memref<96x32xf32, #tpu.memory_space<vmem>>) offsets(%dma_start3A_89 : memref<96xi32, #tpu.memory_space<vmem>>) semaphore(%arg9 : memref<!tpu.dma_semaphore, #tpu.memory_space<semaphore_mem>>)
    %dma_start3A_93 = arith.constant 3 : i32
    %dma_start3A_94 = arith.constant 0 : i32
    %dma_start3A_95 = arith.constant 3 : i32
    %dma_start3A_96 = arith.constant 96 : i32
    %dma_start3A_97 = arith.constant 0 : i32
    %dma_start3A_98 = tpu.memref_slice %arg7[%dma_start3A_94, %dma_start3A_95, %dma_start3A_96, %dma_start3A_97] : memref<3x4x200x32xf32, #tpu.memory_space<vmem>> -> memref<1x1x104x32xf32, #tpu.memory_space<vmem>>
    %dma_start3A_99 = tpu.memref_squeeze %dma_start3A_98 : memref<1x1x104x32xf32, #tpu.memory_space<vmem>> -> memref<104x32xf32, #tpu.memory_space<vmem>>
    %dma_start3A_100 = arith.constant 96 : i32
    %dma_start3A_101 = tpu.memref_slice %arg6[%dma_start3A_93, %dma_start3A_100] : memref<128x200xi32, #tpu.memory_space<vmem>> -> memref<1x104xi32, #tpu.memory_space<vmem>>
    %dma_start3A_102 = tpu.memref_squeeze %dma_start3A_101 : memref<1x104xi32, #tpu.memory_space<vmem>> -> memref<104xi32, #tpu.memory_space<vmem>>
    %dma_start3A_103 = arith.constant 0 : i32
    %dma_start3A_104 = arith.constant 0 : i32
    %dma_start3A_105 = tpu.memref_slice %arg3[%dma_start3A_103, %dma_start3A_104] : memref<1000000x32xf32, #tpu.memory_space<hbm>> -> memref<1000000x32xf32, #tpu.memory_space<hbm>>
    tpu.enqueue_indirect_dma source(%dma_start3A_105 : memref<1000000x32xf32, #tpu.memory_space<hbm>>) target(%dma_start3A_99 : memref<104x32xf32, #tpu.memory_space<vmem>>) offsets(%dma_start3A_102 : memref<104xi32, #tpu.memory_space<vmem>>) semaphore(%arg9 : memref<!tpu.dma_semaphore, #tpu.memory_space<semaphore_mem>>)
    %dma_start3A_106 = arith.constant 4 : i32
    %dma_start3A_107 = arith.constant 1 : i32
    %dma_start3A_108 = arith.constant 0 : i32
    %dma_start3A_109 = arith.constant 0 : i32
    %dma_start3A_110 = arith.constant 0 : i32
    %dma_start3A_111 = tpu.memref_slice %arg7[%dma_start3A_107, %dma_start3A_108, %dma_start3A_109, %dma_start3A_110] : memref<3x4x200x32xf32, #tpu.memory_space<vmem>> -> memref<1x1x96x32xf32, #tpu.memory_space<vmem>>
    %dma_start3A_112 = tpu.memref_squeeze %dma_start3A_111 : memref<1x1x96x32xf32, #tpu.memory_space<vmem>> -> memref<96x32xf32, #tpu.memory_space<vmem>>
    %dma_start3A_113 = arith.constant 0 : i32
    %dma_start3A_114 = tpu.memref_slice %arg6[%dma_start3A_106, %dma_start3A_113] : memref<128x200xi32, #tpu.memory_space<vmem>> -> memref<1x96xi32, #tpu.memory_space<vmem>>
    %dma_start3A_115 = tpu.memref_squeeze %dma_start3A_114 : memref<1x96xi32, #tpu.memory_space<vmem>> -> memref<96xi32, #tpu.memory_space<vmem>>
    %dma_start3A_116 = arith.constant 0 : i32
    %dma_start3A_117 = arith.constant 0 : i32
    %dma_start3A_118 = tpu.memref_slice %arg3[%dma_start3A_116, %dma_start3A_117] : memref<1000000x32xf32, #tpu.memory_space<hbm>> -> memref<1000000x32xf32, #tpu.memory_space<hbm>>
    tpu.enqueue_indirect_dma source(%dma_start3A_118 : memref<1000000x32xf32, #tpu.memory_space<hbm>>) target(%dma_start3A_112 : memref<96x32xf32, #tpu.memory_space<vmem>>) offsets(%dma_start3A_115 : memref<96xi32, #tpu.memory_space<vmem>>) semaphore(%arg10 : memref<!tpu.dma_semaphore, #tpu.memory_space<semaphore_mem>>)
    %dma_start3A_119 = arith.constant 4 : i32
    %dma_start3A_120 = arith.constant 1 : i32
    %dma_start3A_121 = arith.constant 0 : i32
    %dma_start3A_122 = arith.constant 96 : i32
    %dma_start3A_123 = arith.constant 0 : i32
    %dma_start3A_124 = tpu.memref_slice %arg7[%dma_start3A_120, %dma_start3A_121, %dma_start3A_122, %dma_start3A_123] : memref<3x4x200x32xf32, #tpu.memory_space<vmem>> -> memref<1x1x104x32xf32, #tpu.memory_space<vmem>>
    %dma_start3A_125 = tpu.memref_squeeze %dma_start3A_124 : memref<1x1x104x32xf32, #tpu.memory_space<vmem>> -> memref<104x32xf32, #tpu.memory_space<vmem>>
    %dma_start3A_126 = arith.constant 96 : i32
    %dma_start3A_127 = tpu.memref_slice %arg6[%dma_start3A_119, %dma_start3A_126] : memref<128x200xi32, #tpu.memory_space<vmem>> -> memref<1x104xi32, #tpu.memory_space<vmem>>
    %dma_start3A_128 = tpu.memref_squeeze %dma_start3A_127 : memref<1x104xi32, #tpu.memory_space<vmem>> -> memref<104xi32, #tpu.memory_space<vmem>>
    %dma_start3A_129 = arith.constant 0 : i32
    %dma_start3A_130 = arith.constant 0 : i32
    %dma_start3A_131 = tpu.memref_slice %arg3[%dma_start3A_129, %dma_start3A_130] : memref<1000000x32xf32, #tpu.memory_space<hbm>> -> memref<1000000x32xf32, #tpu.memory_space<hbm>>
    tpu.enqueue_indirect_dma source(%dma_start3A_131 : memref<1000000x32xf32, #tpu.memory_space<hbm>>) target(%dma_start3A_125 : memref<104x32xf32, #tpu.memory_space<vmem>>) offsets(%dma_start3A_128 : memref<104xi32, #tpu.memory_space<vmem>>) semaphore(%arg10 : memref<!tpu.dma_semaphore, #tpu.memory_space<semaphore_mem>>)
    %dma_start3A_132 = arith.constant 5 : i32
    %dma_start3A_133 = arith.constant 1 : i32
    %dma_start3A_134 = arith.constant 1 : i32
    %dma_start3A_135 = arith.constant 0 : i32
    %dma_start3A_136 = arith.constant 0 : i32
    %dma_start3A_137 = tpu.memref_slice %arg7[%dma_start3A_133, %dma_start3A_134, %dma_start3A_135, %dma_start3A_136] : memref<3x4x200x32xf32, #tpu.memory_space<vmem>> -> memref<1x1x96x32xf32, #tpu.memory_space<vmem>>
    %dma_start3A_138 = tpu.memref_squeeze %dma_start3A_137 : memref<1x1x96x32xf32, #tpu.memory_space<vmem>> -> memref<96x32xf32, #tpu.memory_space<vmem>>
    %dma_start3A_139 = arith.constant 0 : i32
    %dma_start3A_140 = tpu.memref_slice %arg6[%dma_start3A_132, %dma_start3A_139] : memref<128x200xi32, #tpu.memory_space<vmem>> -> memref<1x96xi32, #tpu.memory_space<vmem>>
    %dma_start3A_141 = tpu.memref_squeeze %dma_start3A_140 : memref<1x96xi32, #tpu.memory_space<vmem>> -> memref<96xi32, #tpu.memory_space<vmem>>
    %dma_start3A_142 = arith.constant 0 : i32
    %dma_start3A_143 = arith.constant 0 : i32
    %dma_start3A_144 = tpu.memref_slice %arg3[%dma_start3A_142, %dma_start3A_143] : memref<1000000x32xf32, #tpu.memory_space<hbm>> -> memref<1000000x32xf32, #tpu.memory_space<hbm>>
    tpu.enqueue_indirect_dma source(%dma_start3A_144 : memref<1000000x32xf32, #tpu.memory_space<hbm>>) target(%dma_start3A_138 : memref<96x32xf32, #tpu.memory_space<vmem>>) offsets(%dma_start3A_141 : memref<96xi32, #tpu.memory_space<vmem>>) semaphore(%arg10 : memref<!tpu.dma_semaphore, #tpu.memory_space<semaphore_mem>>)
    %dma_start3A_145 = arith.constant 5 : i32
    %dma_start3A_146 = arith.constant 1 : i32
    %dma_start3A_147 = arith.constant 1 : i32
    %dma_start3A_148 = arith.constant 96 : i32
    %dma_start3A_149 = arith.constant 0 : i32
    %dma_start3A_150 = tpu.memref_slice %arg7[%dma_start3A_146, %dma_start3A_147, %dma_start3A_148, %dma_start3A_149] : memref<3x4x200x32xf32, #tpu.memory_space<vmem>> -> memref<1x1x104x32xf32, #tpu.memory_space<vmem>>
    %dma_start3A_151 = tpu.memref_squeeze %dma_start3A_150 : memref<1x1x104x32xf32, #tpu.memory_space<vmem>> -> memref<104x32xf32, #tpu.memory_space<vmem>>
    %dma_start3A_152 = arith.constant 96 : i32
    %dma_start3A_153 = tpu.memref_slice %arg6[%dma_start3A_145, %dma_start3A_152] : memref<128x200xi32, #tpu.memory_space<vmem>> -> memref<1x104xi32, #tpu.memory_space<vmem>>
    %dma_start3A_154 = tpu.memref_squeeze %dma_start3A_153 : memref<1x104xi32, #tpu.memory_space<vmem>> -> memref<104xi32, #tpu.memory_space<vmem>>
    %dma_start3A_155 = arith.constant 0 : i32
    %dma_start3A_156 = arith.constant 0 : i32
    %dma_start3A_157 = tpu.memref_slice %arg3[%dma_start3A_155, %dma_start3A_156] : memref<1000000x32xf32, #tpu.memory_space<hbm>> -> memref<1000000x32xf32, #tpu.memory_space<hbm>>
    tpu.enqueue_indirect_dma source(%dma_start3A_157 : memref<1000000x32xf32, #tpu.memory_space<hbm>>) target(%dma_start3A_151 : memref<104x32xf32, #tpu.memory_space<vmem>>) offsets(%dma_start3A_154 : memref<104xi32, #tpu.memory_space<vmem>>) semaphore(%arg10 : memref<!tpu.dma_semaphore, #tpu.memory_space<semaphore_mem>>)
    %dma_start3A_158 = arith.constant 6 : i32
    %dma_start3A_159 = arith.constant 1 : i32
    %dma_start3A_160 = arith.constant 2 : i32
    %dma_start3A_161 = arith.constant 0 : i32
    %dma_start3A_162 = arith.constant 0 : i32
    %dma_start3A_163 = tpu.memref_slice %arg7[%dma_start3A_159, %dma_start3A_160, %dma_start3A_161, %dma_start3A_162] : memref<3x4x200x32xf32, #tpu.memory_space<vmem>> -> memref<1x1x96x32xf32, #tpu.memory_space<vmem>>
    %dma_start3A_164 = tpu.memref_squeeze %dma_start3A_163 : memref<1x1x96x32xf32, #tpu.memory_space<vmem>> -> memref<96x32xf32, #tpu.memory_space<vmem>>
    %dma_start3A_165 = arith.constant 0 : i32
    %dma_start3A_166 = tpu.memref_slice %arg6[%dma_start3A_158, %dma_start3A_165] : memref<128x200xi32, #tpu.memory_space<vmem>> -> memref<1x96xi32, #tpu.memory_space<vmem>>
    %dma_start3A_167 = tpu.memref_squeeze %dma_start3A_166 : memref<1x96xi32, #tpu.memory_space<vmem>> -> memref<96xi32, #tpu.memory_space<vmem>>
    %dma_start3A_168 = arith.constant 0 : i32
    %dma_start3A_169 = arith.constant 0 : i32
    %dma_start3A_170 = tpu.memref_slice %arg3[%dma_start3A_168, %dma_start3A_169] : memref<1000000x32xf32, #tpu.memory_space<hbm>> -> memref<1000000x32xf32, #tpu.memory_space<hbm>>
    tpu.enqueue_indirect_dma source(%dma_start3A_170 : memref<1000000x32xf32, #tpu.memory_space<hbm>>) target(%dma_start3A_164 : memref<96x32xf32, #tpu.memory_space<vmem>>) offsets(%dma_start3A_167 : memref<96xi32, #tpu.memory_space<vmem>>) semaphore(%arg10 : memref<!tpu.dma_semaphore, #tpu.memory_space<semaphore_mem>>)
    %dma_start3A_171 = arith.constant 6 : i32
    %dma_start3A_172 = arith.constant 1 : i32
    %dma_start3A_173 = arith.constant 2 : i32
    %dma_start3A_174 = arith.constant 96 : i32
    %dma_start3A_175 = arith.constant 0 : i32
    %dma_start3A_176 = tpu.memref_slice %arg7[%dma_start3A_172, %dma_start3A_173, %dma_start3A_174, %dma_start3A_175] : memref<3x4x200x32xf32, #tpu.memory_space<vmem>> -> memref<1x1x104x32xf32, #tpu.memory_space<vmem>>
    %dma_start3A_177 = tpu.memref_squeeze %dma_start3A_176 : memref<1x1x104x32xf32, #tpu.memory_space<vmem>> -> memref<104x32xf32, #tpu.memory_space<vmem>>
    %dma_start3A_178 = arith.constant 96 : i32
    %dma_start3A_179 = tpu.memref_slice %arg6[%dma_start3A_171, %dma_start3A_178] : memref<128x200xi32, #tpu.memory_space<vmem>> -> memref<1x104xi32, #tpu.memory_space<vmem>>
    %dma_start3A_180 = tpu.memref_squeeze %dma_start3A_179 : memref<1x104xi32, #tpu.memory_space<vmem>> -> memref<104xi32, #tpu.memory_space<vmem>>
    %dma_start3A_181 = arith.constant 0 : i32
    %dma_start3A_182 = arith.constant 0 : i32
    %dma_start3A_183 = tpu.memref_slice %arg3[%dma_start3A_181, %dma_start3A_182] : memref<1000000x32xf32, #tpu.memory_space<hbm>> -> memref<1000000x32xf32, #tpu.memory_space<hbm>>
    tpu.enqueue_indirect_dma source(%dma_start3A_183 : memref<1000000x32xf32, #tpu.memory_space<hbm>>) target(%dma_start3A_177 : memref<104x32xf32, #tpu.memory_space<vmem>>) offsets(%dma_start3A_180 : memref<104xi32, #tpu.memory_space<vmem>>) semaphore(%arg10 : memref<!tpu.dma_semaphore, #tpu.memory_space<semaphore_mem>>)
    %dma_start3A_184 = arith.constant 7 : i32
    %dma_start3A_185 = arith.constant 1 : i32
    %dma_start3A_186 = arith.constant 3 : i32
    %dma_start3A_187 = arith.constant 0 : i32
    %dma_start3A_188 = arith.constant 0 : i32
    %dma_start3A_189 = tpu.memref_slice %arg7[%dma_start3A_185, %dma_start3A_186, %dma_start3A_187, %dma_start3A_188] : memref<3x4x200x32xf32, #tpu.memory_space<vmem>> -> memref<1x1x96x32xf32, #tpu.memory_space<vmem>>
    %dma_start3A_190 = tpu.memref_squeeze %dma_start3A_189 : memref<1x1x96x32xf32, #tpu.memory_space<vmem>> -> memref<96x32xf32, #tpu.memory_space<vmem>>
    %dma_start3A_191 = arith.constant 0 : i32
    %dma_start3A_192 = tpu.memref_slice %arg6[%dma_start3A_184, %dma_start3A_191] : memref<128x200xi32, #tpu.memory_space<vmem>> -> memref<1x96xi32, #tpu.memory_space<vmem>>
    %dma_start3A_193 = tpu.memref_squeeze %dma_start3A_192 : memref<1x96xi32, #tpu.memory_space<vmem>> -> memref<96xi32, #tpu.memory_space<vmem>>
    %dma_start3A_194 = arith.constant 0 : i32
    %dma_start3A_195 = arith.constant 0 : i32
    %dma_start3A_196 = tpu.memref_slice %arg3[%dma_start3A_194, %dma_start3A_195] : memref<1000000x32xf32, #tpu.memory_space<hbm>> -> memref<1000000x32xf32, #tpu.memory_space<hbm>>
    tpu.enqueue_indirect_dma source(%dma_start3A_196 : memref<1000000x32xf32, #tpu.memory_space<hbm>>) target(%dma_start3A_190 : memref<96x32xf32, #tpu.memory_space<vmem>>) offsets(%dma_start3A_193 : memref<96xi32, #tpu.memory_space<vmem>>) semaphore(%arg10 : memref<!tpu.dma_semaphore, #tpu.memory_space<semaphore_mem>>)
    %dma_start3A_197 = arith.constant 7 : i32
    %dma_start3A_198 = arith.constant 1 : i32
    %dma_start3A_199 = arith.constant 3 : i32
    %dma_start3A_200 = arith.constant 96 : i32
    %dma_start3A_201 = arith.constant 0 : i32
    %dma_start3A_202 = tpu.memref_slice %arg7[%dma_start3A_198, %dma_start3A_199, %dma_start3A_200, %dma_start3A_201] : memref<3x4x200x32xf32, #tpu.memory_space<vmem>> -> memref<1x1x104x32xf32, #tpu.memory_space<vmem>>
    %dma_start3A_203 = tpu.memref_squeeze %dma_start3A_202 : memref<1x1x104x32xf32, #tpu.memory_space<vmem>> -> memref<104x32xf32, #tpu.memory_space<vmem>>
    %dma_start3A_204 = arith.constant 96 : i32
    %dma_start3A_205 = tpu.memref_slice %arg6[%dma_start3A_197, %dma_start3A_204] : memref<128x200xi32, #tpu.memory_space<vmem>> -> memref<1x104xi32, #tpu.memory_space<vmem>>
    %dma_start3A_206 = tpu.memref_squeeze %dma_start3A_205 : memref<1x104xi32, #tpu.memory_space<vmem>> -> memref<104xi32, #tpu.memory_space<vmem>>
    %dma_start3A_207 = arith.constant 0 : i32
    %dma_start3A_208 = arith.constant 0 : i32
    %dma_start3A_209 = tpu.memref_slice %arg3[%dma_start3A_207, %dma_start3A_208] : memref<1000000x32xf32, #tpu.memory_space<hbm>> -> memref<1000000x32xf32, #tpu.memory_space<hbm>>
    tpu.enqueue_indirect_dma source(%dma_start3A_209 : memref<1000000x32xf32, #tpu.memory_space<hbm>>) target(%dma_start3A_203 : memref<104x32xf32, #tpu.memory_space<vmem>>) offsets(%dma_start3A_206 : memref<104xi32, #tpu.memory_space<vmem>>) semaphore(%arg10 : memref<!tpu.dma_semaphore, #tpu.memory_space<semaphore_mem>>)
    %dma_start3A_210 = arith.constant 8 : i32
    %dma_start3A_211 = arith.constant 2 : i32
    %dma_start3A_212 = arith.constant 0 : i32
    %dma_start3A_213 = arith.constant 0 : i32
    %dma_start3A_214 = arith.constant 0 : i32
    %dma_start3A_215 = tpu.memref_slice %arg7[%dma_start3A_211, %dma_start3A_212, %dma_start3A_213, %dma_start3A_214] : memref<3x4x200x32xf32, #tpu.memory_space<vmem>> -> memref<1x1x96x32xf32, #tpu.memory_space<vmem>>
    %dma_start3A_216 = tpu.memref_squeeze %dma_start3A_215 : memref<1x1x96x32xf32, #tpu.memory_space<vmem>> -> memref<96x32xf32, #tpu.memory_space<vmem>>
    %dma_start3A_217 = arith.constant 0 : i32
    %dma_start3A_218 = tpu.memref_slice %arg6[%dma_start3A_210, %dma_start3A_217] : memref<128x200xi32, #tpu.memory_space<vmem>> -> memref<1x96xi32, #tpu.memory_space<vmem>>
    %dma_start3A_219 = tpu.memref_squeeze %dma_start3A_218 : memref<1x96xi32, #tpu.memory_space<vmem>> -> memref<96xi32, #tpu.memory_space<vmem>>
    %dma_start3A_220 = arith.constant 0 : i32
    %dma_start3A_221 = arith.constant 0 : i32
    %dma_start3A_222 = tpu.memref_slice %arg3[%dma_start3A_220, %dma_start3A_221] : memref<1000000x32xf32, #tpu.memory_space<hbm>> -> memref<1000000x32xf32, #tpu.memory_space<hbm>>
    tpu.enqueue_indirect_dma source(%dma_start3A_222 : memref<1000000x32xf32, #tpu.memory_space<hbm>>) target(%dma_start3A_216 : memref<96x32xf32, #tpu.memory_space<vmem>>) offsets(%dma_start3A_219 : memref<96xi32, #tpu.memory_space<vmem>>) semaphore(%arg11 : memref<!tpu.dma_semaphore, #tpu.memory_space<semaphore_mem>>)
    %dma_start3A_223 = arith.constant 8 : i32
    %dma_start3A_224 = arith.constant 2 : i32
    %dma_start3A_225 = arith.constant 0 : i32
    %dma_start3A_226 = arith.constant 96 : i32
    %dma_start3A_227 = arith.constant 0 : i32
    %dma_start3A_228 = tpu.memref_slice %arg7[%dma_start3A_224, %dma_start3A_225, %dma_start3A_226, %dma_start3A_227] : memref<3x4x200x32xf32, #tpu.memory_space<vmem>> -> memref<1x1x104x32xf32, #tpu.memory_space<vmem>>
    %dma_start3A_229 = tpu.memref_squeeze %dma_start3A_228 : memref<1x1x104x32xf32, #tpu.memory_space<vmem>> -> memref<104x32xf32, #tpu.memory_space<vmem>>
    %dma_start3A_230 = arith.constant 96 : i32
    %dma_start3A_231 = tpu.memref_slice %arg6[%dma_start3A_223, %dma_start3A_230] : memref<128x200xi32, #tpu.memory_space<vmem>> -> memref<1x104xi32, #tpu.memory_space<vmem>>
    %dma_start3A_232 = tpu.memref_squeeze %dma_start3A_231 : memref<1x104xi32, #tpu.memory_space<vmem>> -> memref<104xi32, #tpu.memory_space<vmem>>
    %dma_start3A_233 = arith.constant 0 : i32
    %dma_start3A_234 = arith.constant 0 : i32
    %dma_start3A_235 = tpu.memref_slice %arg3[%dma_start3A_233, %dma_start3A_234] : memref<1000000x32xf32, #tpu.memory_space<hbm>> -> memref<1000000x32xf32, #tpu.memory_space<hbm>>
    tpu.enqueue_indirect_dma source(%dma_start3A_235 : memref<1000000x32xf32, #tpu.memory_space<hbm>>) target(%dma_start3A_229 : memref<104x32xf32, #tpu.memory_space<vmem>>) offsets(%dma_start3A_232 : memref<104xi32, #tpu.memory_space<vmem>>) semaphore(%arg11 : memref<!tpu.dma_semaphore, #tpu.memory_space<semaphore_mem>>)
    %dma_start3A_236 = arith.constant 9 : i32
    %dma_start3A_237 = arith.constant 2 : i32
    %dma_start3A_238 = arith.constant 1 : i32
    %dma_start3A_239 = arith.constant 0 : i32
    %dma_start3A_240 = arith.constant 0 : i32
    %dma_start3A_241 = tpu.memref_slice %arg7[%dma_start3A_237, %dma_start3A_238, %dma_start3A_239, %dma_start3A_240] : memref<3x4x200x32xf32, #tpu.memory_space<vmem>> -> memref<1x1x96x32xf32, #tpu.memory_space<vmem>>
    %dma_start3A_242 = tpu.memref_squeeze %dma_start3A_241 : memref<1x1x96x32xf32, #tpu.memory_space<vmem>> -> memref<96x32xf32, #tpu.memory_space<vmem>>
    %dma_start3A_243 = arith.constant 0 : i32
    %dma_start3A_244 = tpu.memref_slice %arg6[%dma_start3A_236, %dma_start3A_243] : memref<128x200xi32, #tpu.memory_space<vmem>> -> memref<1x96xi32, #tpu.memory_space<vmem>>
    %dma_start3A_245 = tpu.memref_squeeze %dma_start3A_244 : memref<1x96xi32, #tpu.memory_space<vmem>> -> memref<96xi32, #tpu.memory_space<vmem>>
    %dma_start3A_246 = arith.constant 0 : i32
    %dma_start3A_247 = arith.constant 0 : i32
    %dma_start3A_248 = tpu.memref_slice %arg3[%dma_start3A_246, %dma_start3A_247] : memref<1000000x32xf32, #tpu.memory_space<hbm>> -> memref<1000000x32xf32, #tpu.memory_space<hbm>>
    tpu.enqueue_indirect_dma source(%dma_start3A_248 : memref<1000000x32xf32, #tpu.memory_space<hbm>>) target(%dma_start3A_242 : memref<96x32xf32, #tpu.memory_space<vmem>>) offsets(%dma_start3A_245 : memref<96xi32, #tpu.memory_space<vmem>>) semaphore(%arg11 : memref<!tpu.dma_semaphore, #tpu.memory_space<semaphore_mem>>)
    %dma_start3A_249 = arith.constant 9 : i32
    %dma_start3A_250 = arith.constant 2 : i32
    %dma_start3A_251 = arith.constant 1 : i32
    %dma_start3A_252 = arith.constant 96 : i32
    %dma_start3A_253 = arith.constant 0 : i32
    %dma_start3A_254 = tpu.memref_slice %arg7[%dma_start3A_250, %dma_start3A_251, %dma_start3A_252, %dma_start3A_253] : memref<3x4x200x32xf32, #tpu.memory_space<vmem>> -> memref<1x1x104x32xf32, #tpu.memory_space<vmem>>
    %dma_start3A_255 = tpu.memref_squeeze %dma_start3A_254 : memref<1x1x104x32xf32, #tpu.memory_space<vmem>> -> memref<104x32xf32, #tpu.memory_space<vmem>>
    %dma_start3A_256 = arith.constant 96 : i32
    %dma_start3A_257 = tpu.memref_slice %arg6[%dma_start3A_249, %dma_start3A_256] : memref<128x200xi32, #tpu.memory_space<vmem>> -> memref<1x104xi32, #tpu.memory_space<vmem>>
    %dma_start3A_258 = tpu.memref_squeeze %dma_start3A_257 : memref<1x104xi32, #tpu.memory_space<vmem>> -> memref<104xi32, #tpu.memory_space<vmem>>
    %dma_start3A_259 = arith.constant 0 : i32
    %dma_start3A_260 = arith.constant 0 : i32
    %dma_start3A_261 = tpu.memref_slice %arg3[%dma_start3A_259, %dma_start3A_260] : memref<1000000x32xf32, #tpu.memory_space<hbm>> -> memref<1000000x32xf32, #tpu.memory_space<hbm>>
    tpu.enqueue_indirect_dma source(%dma_start3A_261 : memref<1000000x32xf32, #tpu.memory_space<hbm>>) target(%dma_start3A_255 : memref<104x32xf32, #tpu.memory_space<vmem>>) offsets(%dma_start3A_258 : memref<104xi32, #tpu.memory_space<vmem>>) semaphore(%arg11 : memref<!tpu.dma_semaphore, #tpu.memory_space<semaphore_mem>>)
    %dma_start3A_262 = arith.constant 10 : i32
    %dma_start3A_263 = arith.constant 2 : i32
    %dma_start3A_264 = arith.constant 2 : i32
    %dma_start3A_265 = arith.constant 0 : i32
    %dma_start3A_266 = arith.constant 0 : i32
    %dma_start3A_267 = tpu.memref_slice %arg7[%dma_start3A_263, %dma_start3A_264, %dma_start3A_265, %dma_start3A_266] : memref<3x4x200x32xf32, #tpu.memory_space<vmem>> -> memref<1x1x96x32xf32, #tpu.memory_space<vmem>>
    %dma_start3A_268 = tpu.memref_squeeze %dma_start3A_267 : memref<1x1x96x32xf32, #tpu.memory_space<vmem>> -> memref<96x32xf32, #tpu.memory_space<vmem>>
    %dma_start3A_269 = arith.constant 0 : i32
    %dma_start3A_270 = tpu.memref_slice %arg6[%dma_start3A_262, %dma_start3A_269] : memref<128x200xi32, #tpu.memory_space<vmem>> -> memref<1x96xi32, #tpu.memory_space<vmem>>
    %dma_start3A_271 = tpu.memref_squeeze %dma_start3A_270 : memref<1x96xi32, #tpu.memory_space<vmem>> -> memref<96xi32, #tpu.memory_space<vmem>>
    %dma_start3A_272 = arith.constant 0 : i32
    %dma_start3A_273 = arith.constant 0 : i32
    %dma_start3A_274 = tpu.memref_slice %arg3[%dma_start3A_272, %dma_start3A_273] : memref<1000000x32xf32, #tpu.memory_space<hbm>> -> memref<1000000x32xf32, #tpu.memory_space<hbm>>
    tpu.enqueue_indirect_dma source(%dma_start3A_274 : memref<1000000x32xf32, #tpu.memory_space<hbm>>) target(%dma_start3A_268 : memref<96x32xf32, #tpu.memory_space<vmem>>) offsets(%dma_start3A_271 : memref<96xi32, #tpu.memory_space<vmem>>) semaphore(%arg11 : memref<!tpu.dma_semaphore, #tpu.memory_space<semaphore_mem>>)
    %dma_start3A_275 = arith.constant 10 : i32
    %dma_start3A_276 = arith.constant 2 : i32
    %dma_start3A_277 = arith.constant 2 : i32
    %dma_start3A_278 = arith.constant 96 : i32
    %dma_start3A_279 = arith.constant 0 : i32
    %dma_start3A_280 = tpu.memref_slice %arg7[%dma_start3A_276, %dma_start3A_277, %dma_start3A_278, %dma_start3A_279] : memref<3x4x200x32xf32, #tpu.memory_space<vmem>> -> memref<1x1x104x32xf32, #tpu.memory_space<vmem>>
    %dma_start3A_281 = tpu.memref_squeeze %dma_start3A_280 : memref<1x1x104x32xf32, #tpu.memory_space<vmem>> -> memref<104x32xf32, #tpu.memory_space<vmem>>
    %dma_start3A_282 = arith.constant 96 : i32
    %dma_start3A_283 = tpu.memref_slice %arg6[%dma_start3A_275, %dma_start3A_282] : memref<128x200xi32, #tpu.memory_space<vmem>> -> memref<1x104xi32, #tpu.memory_space<vmem>>
    %dma_start3A_284 = tpu.memref_squeeze %dma_start3A_283 : memref<1x104xi32, #tpu.memory_space<vmem>> -> memref<104xi32, #tpu.memory_space<vmem>>
    %dma_start3A_285 = arith.constant 0 : i32
    %dma_start3A_286 = arith.constant 0 : i32
    %dma_start3A_287 = tpu.memref_slice %arg3[%dma_start3A_285, %dma_start3A_286] : memref<1000000x32xf32, #tpu.memory_space<hbm>> -> memref<1000000x32xf32, #tpu.memory_space<hbm>>
    tpu.enqueue_indirect_dma source(%dma_start3A_287 : memref<1000000x32xf32, #tpu.memory_space<hbm>>) target(%dma_start3A_281 : memref<104x32xf32, #tpu.memory_space<vmem>>) offsets(%dma_start3A_284 : memref<104xi32, #tpu.memory_space<vmem>>) semaphore(%arg11 : memref<!tpu.dma_semaphore, #tpu.memory_space<semaphore_mem>>)
    %dma_start3A_288 = arith.constant 11 : i32
    %dma_start3A_289 = arith.constant 2 : i32
    %dma_start3A_290 = arith.constant 3 : i32
    %dma_start3A_291 = arith.constant 0 : i32
    %dma_start3A_292 = arith.constant 0 : i32
    %dma_start3A_293 = tpu.memref_slice %arg7[%dma_start3A_289, %dma_start3A_290, %dma_start3A_291, %dma_start3A_292] : memref<3x4x200x32xf32, #tpu.memory_space<vmem>> -> memref<1x1x96x32xf32, #tpu.memory_space<vmem>>
    %dma_start3A_294 = tpu.memref_squeeze %dma_start3A_293 : memref<1x1x96x32xf32, #tpu.memory_space<vmem>> -> memref<96x32xf32, #tpu.memory_space<vmem>>
    %dma_start3A_295 = arith.constant 0 : i32
    %dma_start3A_296 = tpu.memref_slice %arg6[%dma_start3A_288, %dma_start3A_295] : memref<128x200xi32, #tpu.memory_space<vmem>> -> memref<1x96xi32, #tpu.memory_space<vmem>>
    %dma_start3A_297 = tpu.memref_squeeze %dma_start3A_296 : memref<1x96xi32, #tpu.memory_space<vmem>> -> memref<96xi32, #tpu.memory_space<vmem>>
    %dma_start3A_298 = arith.constant 0 : i32
    %dma_start3A_299 = arith.constant 0 : i32
    %dma_start3A_300 = tpu.memref_slice %arg3[%dma_start3A_298, %dma_start3A_299] : memref<1000000x32xf32, #tpu.memory_space<hbm>> -> memref<1000000x32xf32, #tpu.memory_space<hbm>>
    tpu.enqueue_indirect_dma source(%dma_start3A_300 : memref<1000000x32xf32, #tpu.memory_space<hbm>>) target(%dma_start3A_294 : memref<96x32xf32, #tpu.memory_space<vmem>>) offsets(%dma_start3A_297 : memref<96xi32, #tpu.memory_space<vmem>>) semaphore(%arg11 : memref<!tpu.dma_semaphore, #tpu.memory_space<semaphore_mem>>)
    %dma_start3A_301 = arith.constant 11 : i32
    %dma_start3A_302 = arith.constant 2 : i32
    %dma_start3A_303 = arith.constant 3 : i32
    %dma_start3A_304 = arith.constant 96 : i32
    %dma_start3A_305 = arith.constant 0 : i32
    %dma_start3A_306 = tpu.memref_slice %arg7[%dma_start3A_302, %dma_start3A_303, %dma_start3A_304, %dma_start3A_305] : memref<3x4x200x32xf32, #tpu.memory_space<vmem>> -> memref<1x1x104x32xf32, #tpu.memory_space<vmem>>
    %dma_start3A_307 = tpu.memref_squeeze %dma_start3A_306 : memref<1x1x104x32xf32, #tpu.memory_space<vmem>> -> memref<104x32xf32, #tpu.memory_space<vmem>>
    %dma_start3A_308 = arith.constant 96 : i32
    %dma_start3A_309 = tpu.memref_slice %arg6[%dma_start3A_301, %dma_start3A_308] : memref<128x200xi32, #tpu.memory_space<vmem>> -> memref<1x104xi32, #tpu.memory_space<vmem>>
    %dma_start3A_310 = tpu.memref_squeeze %dma_start3A_309 : memref<1x104xi32, #tpu.memory_space<vmem>> -> memref<104xi32, #tpu.memory_space<vmem>>
    %dma_start3A_311 = arith.constant 0 : i32
    %dma_start3A_312 = arith.constant 0 : i32
    %dma_start3A_313 = tpu.memref_slice %arg3[%dma_start3A_311, %dma_start3A_312] : memref<1000000x32xf32, #tpu.memory_space<hbm>> -> memref<1000000x32xf32, #tpu.memory_space<hbm>>
    tpu.enqueue_indirect_dma source(%dma_start3A_313 : memref<1000000x32xf32, #tpu.memory_space<hbm>>) target(%dma_start3A_307 : memref<104x32xf32, #tpu.memory_space<vmem>>) offsets(%dma_start3A_310 : memref<104xi32, #tpu.memory_space<vmem>>) semaphore(%arg11 : memref<!tpu.dma_semaphore, #tpu.memory_space<semaphore_mem>>)
    %scan3A = arith.constant 0 : i32
    %scan3A_314 = arith.constant 10 : i32
    %scan3A_315 = arith.addi %scan3A, %scan3A_314 : i32
    %scan3A_316 = arith.constant 1 : i32
    scf.for %scan3A_460 = %scan3A to %scan3A_315 step %scan3A_316  : i32 {
      %mul3A_461 = arith.constant 3 : i32
      %mul3A_462 = arith.muli %scan3A_460, %mul3A_461 : i32
      %add3A_463 = arith.constant 0 : i32
      %add3A_464 = arith.addi %add3A_463, %mul3A_462 : i32
      %add3A_465 = arith.constant 0 : i32
      %add3A_466 = arith.addi %add3A_464, %add3A_465 : i32
      %dma_wait3A_467 = arith.constant 0 : i32
      %dma_wait3A_468 = arith.constant 0 : i32
      %dma_wait3A_469 = arith.constant 0 : i32
      %dma_wait3A_470 = arith.constant 0 : i32
      %dma_wait3A_471 = tpu.memref_slice %arg7[%dma_wait3A_467, %dma_wait3A_468, %dma_wait3A_469, %dma_wait3A_470] : memref<3x4x200x32xf32, #tpu.memory_space<vmem>> -> memref<1x4x200x32xf32, #tpu.memory_space<vmem>>
      %dma_wait3A_472 = tpu.memref_squeeze %dma_wait3A_471 : memref<1x4x200x32xf32, #tpu.memory_space<vmem>> -> memref<4x200x32xf32, #tpu.memory_space<vmem>>
      %dma_wait3A_473 = arith.constant 0 : i32
      %dma_wait3A_474 = arith.constant 0 : i32
      %dma_wait3A_475 = arith.constant 0 : i32
      %dma_wait3A_476 = tpu.memref_slice %arg5[%dma_wait3A_473, %dma_wait3A_474, %dma_wait3A_475] : memref<4096x200x32xf32, #tpu.memory_space<hbm>> -> memref<4x200x32xf32, #tpu.memory_space<hbm>>
      %dma_wait3A_477 = arith.constant 0 : i32
      %dma_wait3A_478 = arith.constant 0 : i32
      %dma_wait3A_479 = arith.constant 0 : i32
      %dma_wait3A_480 = tpu.memref_slice %arg7[%dma_wait3A_467, %dma_wait3A_477, %dma_wait3A_478, %dma_wait3A_479] : memref<3x4x200x32xf32, #tpu.memory_space<vmem>> -> memref<1x4x200x32xf32, #tpu.memory_space<vmem>>
      %dma_wait3A_481 = tpu.memref_squeeze %dma_wait3A_480 : memref<1x4x200x32xf32, #tpu.memory_space<vmem>> -> memref<4x200x32xf32, #tpu.memory_space<vmem>>
      %dma_wait3A_482 = arith.constant 0 : i32
      %dma_wait3A_483 = arith.constant 0 : i32
      %dma_wait3A_484 = arith.constant 0 : i32
      %dma_wait3A_485 = tpu.memref_slice %arg5[%dma_wait3A_482, %dma_wait3A_483, %dma_wait3A_484] : memref<4096x200x32xf32, #tpu.memory_space<hbm>> -> memref<4x200x32xf32, #tpu.memory_space<hbm>>
      tpu.wait_dma2 semaphore(%arg9 : memref<!tpu.dma_semaphore, #tpu.memory_space<semaphore_mem>>) src(%dma_wait3A_485 : memref<4x200x32xf32, #tpu.memory_space<hbm>>) dst(%dma_wait3A_481 : memref<4x200x32xf32, #tpu.memory_space<vmem>>)
      %scan3A_486 = arith.constant 0 : i32
      %scan3A_487 = arith.constant 200 : i32
      %scan3A_488 = arith.addi %scan3A_486, %scan3A_487 : i32
      %scan3A_489 = arith.constant 1 : i32
      scf.for %scan3A_627 = %scan3A_486 to %scan3A_488 step %scan3A_489  : i32 {
        %mul3A_628 = arith.constant 1 : i32
        %mul3A_629 = arith.muli %scan3A_627, %mul3A_628 : i32
        %add3A_630 = arith.constant 0 : i32
        %add3A_631 = arith.addi %add3A_630, %mul3A_629 : i32
        %get3A = arith.index_cast %add3A_631 : i32 to index
        %get3A_632 = arith.constant 0 : index
        %get3A_633 = tpu.vector_load %arg8[%get3A, %get3A_632] {strides = array<i32>} : memref<200x32xf32, #tpu.memory_space<vmem>>, vector<1x16xf32>,
        %get3A_634 = vector.shape_cast %get3A_633 : vector<1x16xf32> to vector<16xf32>
        %get3A_635 = arith.index_cast %add3A_631 : i32 to index
        %get3A_636 = arith.constant 16 : index
        %get3A_637 = tpu.vector_load %arg8[%get3A_635, %get3A_636] {strides = array<i32>} : memref<200x32xf32, #tpu.memory_space<vmem>>, vector<1x16xf32>,
        %get3A_638 = vector.shape_cast %get3A_637 : vector<1x16xf32> to vector<16xf32>
        %swap3A = arith.constant 0 : i32
        %swap3A_639 = arith.constant 0 : i32
        %swap3A_640 = arith.index_cast %swap3A : i32 to index
        %swap3A_641 = arith.index_cast %swap3A_639 : i32 to index
        %swap3A_642 = arith.index_cast %add3A_631 : i32 to index
        %swap3A_643 = arith.constant 0 : index
        %swap3A_644 = tpu.vector_load %arg7[%swap3A_640, %swap3A_641, %swap3A_642, %swap3A_643] {strides = array<i32>} : memref<3x4x200x32xf32, #tpu.memory_space<vmem>>, vector<1x1x1x16xf32>,
        %swap3A_645 = vector.shape_cast %swap3A_644 : vector<1x1x1x16xf32> to vector<16xf32>
        %swap3A_646 = vector.shape_cast %get3A_634 : vector<16xf32> to vector<1x1x1x16xf32>
        tpu.vector_store %arg7[%swap3A_640, %swap3A_641, %swap3A_642, %swap3A_643], %swap3A_646 {add = true, strides = array<i32>} : memref<3x4x200x32xf32, #tpu.memory_space<vmem>>, vector<1x1x1x16xf32>,
        %swap3A_647 = arith.constant 0 : i32
        %swap3A_648 = arith.constant 0 : i32
        %swap3A_649 = arith.index_cast %swap3A_647 : i32 to index
        %swap3A_650 = arith.index_cast %swap3A_648 : i32 to index
        %swap3A_651 = arith.index_cast %add3A_631 : i32 to index
        %swap3A_652 = arith.constant 16 : index
        %swap3A_653 = tpu.vector_load %arg7[%swap3A_649, %swap3A_650, %swap3A_651, %swap3A_652] {strides = array<i32>} : memref<3x4x200x32xf32, #tpu.memory_space<vmem>>, vector<1x1x1x16xf32>,
        %swap3A_654 = vector.shape_cast %swap3A_653 : vector<1x1x1x16xf32> to vector<16xf32>
        %swap3A_655 = vector.shape_cast %get3A_638 : vector<16xf32> to vector<1x1x1x16xf32>
        tpu.vector_store %arg7[%swap3A_649, %swap3A_650, %swap3A_651, %swap3A_652], %swap3A_655 {add = true, strides = array<i32>} : memref<3x4x200x32xf32, #tpu.memory_space<vmem>>, vector<1x1x1x16xf32>,
        %swap3A_656 = arith.constant 0 : i32
        %swap3A_657 = arith.constant 1 : i32
        %swap3A_658 = arith.index_cast %swap3A_656 : i32 to index
        %swap3A_659 = arith.index_cast %swap3A_657 : i32 to index
        %swap3A_660 = arith.index_cast %add3A_631 : i32 to index
        %swap3A_661 = arith.constant 0 : index
        %swap3A_662 = tpu.vector_load %arg7[%swap3A_658, %swap3A_659, %swap3A_660, %swap3A_661] {strides = array<i32>} : memref<3x4x200x32xf32, #tpu.memory_space<vmem>>, vector<1x1x1x16xf32>,
        %swap3A_663 = vector.shape_cast %swap3A_662 : vector<1x1x1x16xf32> to vector<16xf32>
        %swap3A_664 = vector.shape_cast %get3A_634 : vector<16xf32> to vector<1x1x1x16xf32>
        tpu.vector_store %arg7[%swap3A_658, %swap3A_659, %swap3A_660, %swap3A_661], %swap3A_664 {add = true, strides = array<i32>} : memref<3x4x200x32xf32, #tpu.memory_space<vmem>>, vector<1x1x1x16xf32>,
        %swap3A_665 = arith.constant 0 : i32
        %swap3A_666 = arith.constant 1 : i32
        %swap3A_667 = arith.index_cast %swap3A_665 : i32 to index
        %swap3A_668 = arith.index_cast %swap3A_666 : i32 to index
        %swap3A_669 = arith.index_cast %add3A_631 : i32 to index
        %swap3A_670 = arith.constant 16 : index
        %swap3A_671 = tpu.vector_load %arg7[%swap3A_667, %swap3A_668, %swap3A_669, %swap3A_670] {strides = array<i32>} : memref<3x4x200x32xf32, #tpu.memory_space<vmem>>, vector<1x1x1x16xf32>,
        %swap3A_672 = vector.shape_cast %swap3A_671 : vector<1x1x1x16xf32> to vector<16xf32>
        %swap3A_673 = vector.shape_cast %get3A_638 : vector<16xf32> to vector<1x1x1x16xf32>
        tpu.vector_store %arg7[%swap3A_667, %swap3A_668, %swap3A_669, %swap3A_670], %swap3A_673 {add = true, strides = array<i32>} : memref<3x4x200x32xf32, #tpu.memory_space<vmem>>, vector<1x1x1x16xf32>,
        %swap3A_674 = arith.constant 0 : i32
        %swap3A_675 = arith.constant 2 : i32
        %swap3A_676 = arith.index_cast %swap3A_674 : i32 to index
        %swap3A_677 = arith.index_cast %swap3A_675 : i32 to index
        %swap3A_678 = arith.index_cast %add3A_631 : i32 to index
        %swap3A_679 = arith.constant 0 : index
        %swap3A_680 = tpu.vector_load %arg7[%swap3A_676, %swap3A_677, %swap3A_678, %swap3A_679] {strides = array<i32>} : memref<3x4x200x32xf32, #tpu.memory_space<vmem>>, vector<1x1x1x16xf32>,
        %swap3A_681 = vector.shape_cast %swap3A_680 : vector<1x1x1x16xf32> to vector<16xf32>
        %swap3A_682 = vector.shape_cast %get3A_634 : vector<16xf32> to vector<1x1x1x16xf32>
        tpu.vector_store %arg7[%swap3A_676, %swap3A_677, %swap3A_678, %swap3A_679], %swap3A_682 {add = true, strides = array<i32>} : memref<3x4x200x32xf32, #tpu.memory_space<vmem>>, vector<1x1x1x16xf32>,
        %swap3A_683 = arith.constant 0 : i32
        %swap3A_684 = arith.constant 2 : i32
        %swap3A_685 = arith.index_cast %swap3A_683 : i32 to index
        %swap3A_686 = arith.index_cast %swap3A_684 : i32 to index
        %swap3A_687 = arith.index_cast %add3A_631 : i32 to index
        %swap3A_688 = arith.constant 16 : index
        %swap3A_689 = tpu.vector_load %arg7[%swap3A_685, %swap3A_686, %swap3A_687, %swap3A_688] {strides = array<i32>} : memref<3x4x200x32xf32, #tpu.memory_space<vmem>>, vector<1x1x1x16xf32>,
        %swap3A_690 = vector.shape_cast %swap3A_689 : vector<1x1x1x16xf32> to vector<16xf32>
        %swap3A_691 = vector.shape_cast %get3A_638 : vector<16xf32> to vector<1x1x1x16xf32>
        tpu.vector_store %arg7[%swap3A_685, %swap3A_686, %swap3A_687, %swap3A_688], %swap3A_691 {add = true, strides = array<i32>} : memref<3x4x200x32xf32, #tpu.memory_space<vmem>>, vector<1x1x1x16xf32>,
        %swap3A_692 = arith.constant 0 : i32
        %swap3A_693 = arith.constant 3 : i32
        %swap3A_694 = arith.index_cast %swap3A_692 : i32 to index
        %swap3A_695 = arith.index_cast %swap3A_693 : i32 to index
        %swap3A_696 = arith.index_cast %add3A_631 : i32 to index
        %swap3A_697 = arith.constant 0 : index
        %swap3A_698 = tpu.vector_load %arg7[%swap3A_694, %swap3A_695, %swap3A_696, %swap3A_697] {strides = array<i32>} : memref<3x4x200x32xf32, #tpu.memory_space<vmem>>, vector<1x1x1x16xf32>,
        %swap3A_699 = vector.shape_cast %swap3A_698 : vector<1x1x1x16xf32> to vector<16xf32>
        %swap3A_700 = vector.shape_cast %get3A_634 : vector<16xf32> to vector<1x1x1x16xf32>
        tpu.vector_store %arg7[%swap3A_694, %swap3A_695, %swap3A_696, %swap3A_697], %swap3A_700 {add = true, strides = array<i32>} : memref<3x4x200x32xf32, #tpu.memory_space<vmem>>, vector<1x1x1x16xf32>,
        %swap3A_701 = arith.constant 0 : i32
        %swap3A_702 = arith.constant 3 : i32
        %swap3A_703 = arith.index_cast %swap3A_701 : i32 to index
        %swap3A_704 = arith.index_cast %swap3A_702 : i32 to index
        %swap3A_705 = arith.index_cast %add3A_631 : i32 to index
        %swap3A_706 = arith.constant 16 : index
        %swap3A_707 = tpu.vector_load %arg7[%swap3A_703, %swap3A_704, %swap3A_705, %swap3A_706] {strides = array<i32>} : memref<3x4x200x32xf32, #tpu.memory_space<vmem>>, vector<1x1x1x16xf32>,
        %swap3A_708 = vector.shape_cast %swap3A_707 : vector<1x1x1x16xf32> to vector<16xf32>
        %swap3A_709 = vector.shape_cast %get3A_638 : vector<16xf32> to vector<1x1x1x16xf32>
        tpu.vector_store %arg7[%swap3A_703, %swap3A_704, %swap3A_705, %swap3A_706], %swap3A_709 {add = true, strides = array<i32>} : memref<3x4x200x32xf32, #tpu.memory_space<vmem>>, vector<1x1x1x16xf32>,
      }
      %scan3A_490 = arith.constant 200 : i32
      %mul3A_491 = arith.constant 4 : i32
      %mul3A_492 = arith.muli %add3A_466, %mul3A_491 : i32
      %add3A_493 = arith.addi %mul3A_2, %mul3A_492 : i32
      %dma_start3A_494 = arith.constant 0 : i32
      %dma_start3A_495 = arith.constant 0 : i32
      %dma_start3A_496 = arith.constant 0 : i32
      %dma_start3A_497 = arith.constant 0 : i32
      %dma_start3A_498 = tpu.memref_slice %arg7[%dma_start3A_494, %dma_start3A_495, %dma_start3A_496, %dma_start3A_497] : memref<3x4x200x32xf32, #tpu.memory_space<vmem>> -> memref<1x4x200x32xf32, #tpu.memory_space<vmem>>
      %dma_start3A_499 = tpu.memref_squeeze %dma_start3A_498 : memref<1x4x200x32xf32, #tpu.memory_space<vmem>> -> memref<4x200x32xf32, #tpu.memory_space<vmem>>
      %dma_start3A_500 = arith.constant 0 : i32
      %dma_start3A_501 = arith.constant 0 : i32
      %dma_start3A_502 = tpu.memref_slice %arg5[%add3A_493, %dma_start3A_500, %dma_start3A_501] : memref<4096x200x32xf32, #tpu.memory_space<hbm>> -> memref<4x200x32xf32, #tpu.memory_space<hbm>>
      %dma_start3A_503 = arith.constant 0 : i32
      %dma_start3A_504 = arith.constant 0 : i32
      %dma_start3A_505 = tpu.memref_slice %arg5[%add3A_493, %dma_start3A_503, %dma_start3A_504] : memref<4096x200x32xf32, #tpu.memory_space<hbm>> -> memref<4x200x32xf32, #tpu.memory_space<hbm>>
      %dma_start3A_506 = arith.constant 0 : i32
      %dma_start3A_507 = arith.constant 0 : i32
      %dma_start3A_508 = arith.constant 0 : i32
      %dma_start3A_509 = tpu.memref_slice %arg7[%dma_start3A_494, %dma_start3A_506, %dma_start3A_507, %dma_start3A_508] : memref<3x4x200x32xf32, #tpu.memory_space<vmem>> -> memref<1x4x200x32xf32, #tpu.memory_space<vmem>>
      %dma_start3A_510 = tpu.memref_squeeze %dma_start3A_509 : memref<1x4x200x32xf32, #tpu.memory_space<vmem>> -> memref<4x200x32xf32, #tpu.memory_space<vmem>>
      tpu.enqueue_dma source(%dma_start3A_510 : memref<4x200x32xf32, #tpu.memory_space<vmem>>) target(%dma_start3A_505 : memref<4x200x32xf32, #tpu.memory_space<hbm>>) target_semaphore(%arg12 : memref<!tpu.dma_semaphore, #tpu.memory_space<semaphore_mem>>)
      %add3A_511 = arith.constant 0 : i32
      %add3A_512 = arith.addi %add3A_464, %add3A_511 : i32
      %add3A_513 = arith.constant 3 : i32
      %add3A_514 = arith.addi %add3A_512, %add3A_513 : i32
      %lt3A = arith.constant 32 : i32
      %lt3A_515 = arith.cmpi slt, %add3A_514, %lt3A : i32
      %convert_element_type3A = arith.extui %lt3A_515 : i1 to i32
      %cond3A = arith.constant 0 : i32
      %cond3A_516 = arith.cmpi ne, %convert_element_type3A, %cond3A : i32
      scf.if %cond3A_516 {
        %add3A_627 = arith.constant 0 : i32
        %add3A_628 = arith.addi %add3A_464, %add3A_627 : i32
        %add3A_629 = arith.constant 3 : i32
        %add3A_630 = arith.addi %add3A_628, %add3A_629 : i32
        %dma_wait3A_631 = arith.constant 0 : i32
        %dma_wait3A_632 = arith.constant 0 : i32
        %dma_wait3A_633 = arith.constant 0 : i32
        %dma_wait3A_634 = arith.constant 0 : i32
        %dma_wait3A_635 = tpu.memref_slice %arg7[%dma_wait3A_631, %dma_wait3A_632, %dma_wait3A_633, %dma_wait3A_634] : memref<3x4x200x32xf32, #tpu.memory_space<vmem>> -> memref<1x4x200x32xf32, #tpu.memory_space<vmem>>
        %dma_wait3A_636 = tpu.memref_squeeze %dma_wait3A_635 : memref<1x4x200x32xf32, #tpu.memory_space<vmem>> -> memref<4x200x32xf32, #tpu.memory_space<vmem>>
        %dma_wait3A_637 = arith.constant 0 : i32
        %dma_wait3A_638 = arith.constant 0 : i32
        %dma_wait3A_639 = arith.constant 0 : i32
        %dma_wait3A_640 = tpu.memref_slice %arg5[%dma_wait3A_637, %dma_wait3A_638, %dma_wait3A_639] : memref<4096x200x32xf32, #tpu.memory_space<hbm>> -> memref<4x200x32xf32, #tpu.memory_space<hbm>>
        %dma_wait3A_641 = arith.constant 0 : i32
        %dma_wait3A_642 = arith.constant 0 : i32
        %dma_wait3A_643 = arith.constant 0 : i32
        %dma_wait3A_644 = tpu.memref_slice %arg5[%dma_wait3A_641, %dma_wait3A_642, %dma_wait3A_643] : memref<4096x200x32xf32, #tpu.memory_space<hbm>> -> memref<4x200x32xf32, #tpu.memory_space<hbm>>
        %dma_wait3A_645 = arith.constant 0 : i32
        %dma_wait3A_646 = arith.constant 0 : i32
        %dma_wait3A_647 = arith.constant 0 : i32
        %dma_wait3A_648 = tpu.memref_slice %arg7[%dma_wait3A_631, %dma_wait3A_645, %dma_wait3A_646, %dma_wait3A_647] : memref<3x4x200x32xf32, #tpu.memory_space<vmem>> -> memref<1x4x200x32xf32, #tpu.memory_space<vmem>>
        %dma_wait3A_649 = tpu.memref_squeeze %dma_wait3A_648 : memref<1x4x200x32xf32, #tpu.memory_space<vmem>> -> memref<4x200x32xf32, #tpu.memory_space<vmem>>
        tpu.wait_dma2 semaphore(%arg12 : memref<!tpu.dma_semaphore, #tpu.memory_space<semaphore_mem>>) src(%dma_wait3A_649 : memref<4x200x32xf32, #tpu.memory_space<vmem>>) dst(%dma_wait3A_644 : memref<4x200x32xf32, #tpu.memory_space<hbm>>)
        %mul3A_650 = arith.constant 4 : i32
        %mul3A_651 = arith.muli %add3A_630, %mul3A_650 : i32
        %add3A_652 = arith.constant 0 : i32
        %add3A_653 = arith.addi %mul3A_651, %add3A_652 : i32
        %dma_start3A_654 = arith.constant 0 : i32
        %dma_start3A_655 = arith.constant 0 : i32
        %dma_start3A_656 = arith.constant 0 : i32
        %dma_start3A_657 = arith.constant 0 : i32
        %dma_start3A_658 = tpu.memref_slice %arg7[%dma_start3A_654, %dma_start3A_655, %dma_start3A_656, %dma_start3A_657] : memref<3x4x200x32xf32, #tpu.memory_space<vmem>> -> memref<1x1x96x32xf32, #tpu.memory_space<vmem>>
        %dma_start3A_659 = tpu.memref_squeeze %dma_start3A_658 : memref<1x1x96x32xf32, #tpu.memory_space<vmem>> -> memref<96x32xf32, #tpu.memory_space<vmem>>
        %dma_start3A_660 = arith.constant 0 : i32
        %dma_start3A_661 = tpu.memref_slice %arg6[%add3A_653, %dma_start3A_660] : memref<128x200xi32, #tpu.memory_space<vmem>> -> memref<1x96xi32, #tpu.memory_space<vmem>>
        %dma_start3A_662 = tpu.memref_squeeze %dma_start3A_661 : memref<1x96xi32, #tpu.memory_space<vmem>> -> memref<96xi32, #tpu.memory_space<vmem>>
        %dma_start3A_663 = arith.constant 0 : i32
        %dma_start3A_664 = arith.constant 0 : i32
        %dma_start3A_665 = tpu.memref_slice %arg3[%dma_start3A_663, %dma_start3A_664] : memref<1000000x32xf32, #tpu.memory_space<hbm>> -> memref<1000000x32xf32, #tpu.memory_space<hbm>>
        tpu.enqueue_indirect_dma source(%dma_start3A_665 : memref<1000000x32xf32, #tpu.memory_space<hbm>>) target(%dma_start3A_659 : memref<96x32xf32, #tpu.memory_space<vmem>>) offsets(%dma_start3A_662 : memref<96xi32, #tpu.memory_space<vmem>>) semaphore(%arg9 : memref<!tpu.dma_semaphore, #tpu.memory_space<semaphore_mem>>)
        %mul3A_666 = arith.constant 4 : i32
        %mul3A_667 = arith.muli %add3A_630, %mul3A_666 : i32
        %add3A_668 = arith.constant 0 : i32
        %add3A_669 = arith.addi %mul3A_667, %add3A_668 : i32
        %dma_start3A_670 = arith.constant 0 : i32
        %dma_start3A_671 = arith.constant 0 : i32
        %dma_start3A_672 = arith.constant 96 : i32
        %dma_start3A_673 = arith.constant 0 : i32
        %dma_start3A_674 = tpu.memref_slice %arg7[%dma_start3A_670, %dma_start3A_671, %dma_start3A_672, %dma_start3A_673] : memref<3x4x200x32xf32, #tpu.memory_space<vmem>> -> memref<1x1x104x32xf32, #tpu.memory_space<vmem>>
        %dma_start3A_675 = tpu.memref_squeeze %dma_start3A_674 : memref<1x1x104x32xf32, #tpu.memory_space<vmem>> -> memref<104x32xf32, #tpu.memory_space<vmem>>
        %dma_start3A_676 = arith.constant 96 : i32
        %dma_start3A_677 = tpu.memref_slice %arg6[%add3A_669, %dma_start3A_676] : memref<128x200xi32, #tpu.memory_space<vmem>> -> memref<1x104xi32, #tpu.memory_space<vmem>>
        %dma_start3A_678 = tpu.memref_squeeze %dma_start3A_677 : memref<1x104xi32, #tpu.memory_space<vmem>> -> memref<104xi32, #tpu.memory_space<vmem>>
        %dma_start3A_679 = arith.constant 0 : i32
        %dma_start3A_680 = arith.constant 0 : i32
        %dma_start3A_681 = tpu.memref_slice %arg3[%dma_start3A_679, %dma_start3A_680] : memref<1000000x32xf32, #tpu.memory_space<hbm>> -> memref<1000000x32xf32, #tpu.memory_space<hbm>>
        tpu.enqueue_indirect_dma source(%dma_start3A_681 : memref<1000000x32xf32, #tpu.memory_space<hbm>>) target(%dma_start3A_675 : memref<104x32xf32, #tpu.memory_space<vmem>>) offsets(%dma_start3A_678 : memref<104xi32, #tpu.memory_space<vmem>>) semaphore(%arg9 : memref<!tpu.dma_semaphore, #tpu.memory_space<semaphore_mem>>)
        %mul3A_682 = arith.constant 4 : i32
        %mul3A_683 = arith.muli %add3A_630, %mul3A_682 : i32
        %add3A_684 = arith.constant 1 : i32
        %add3A_685 = arith.addi %mul3A_683, %add3A_684 : i32
        %dma_start3A_686 = arith.constant 0 : i32
        %dma_start3A_687 = arith.constant 1 : i32
        %dma_start3A_688 = arith.constant 0 : i32
        %dma_start3A_689 = arith.constant 0 : i32
        %dma_start3A_690 = tpu.memref_slice %arg7[%dma_start3A_686, %dma_start3A_687, %dma_start3A_688, %dma_start3A_689] : memref<3x4x200x32xf32, #tpu.memory_space<vmem>> -> memref<1x1x96x32xf32, #tpu.memory_space<vmem>>
        %dma_start3A_691 = tpu.memref_squeeze %dma_start3A_690 : memref<1x1x96x32xf32, #tpu.memory_space<vmem>> -> memref<96x32xf32, #tpu.memory_space<vmem>>
        %dma_start3A_692 = arith.constant 0 : i32
        %dma_start3A_693 = tpu.memref_slice %arg6[%add3A_685, %dma_start3A_692] : memref<128x200xi32, #tpu.memory_space<vmem>> -> memref<1x96xi32, #tpu.memory_space<vmem>>
        %dma_start3A_694 = tpu.memref_squeeze %dma_start3A_693 : memref<1x96xi32, #tpu.memory_space<vmem>> -> memref<96xi32, #tpu.memory_space<vmem>>
        %dma_start3A_695 = arith.constant 0 : i32
        %dma_start3A_696 = arith.constant 0 : i32
        %dma_start3A_697 = tpu.memref_slice %arg3[%dma_start3A_695, %dma_start3A_696] : memref<1000000x32xf32, #tpu.memory_space<hbm>> -> memref<1000000x32xf32, #tpu.memory_space<hbm>>
        tpu.enqueue_indirect_dma source(%dma_start3A_697 : memref<1000000x32xf32, #tpu.memory_space<hbm>>) target(%dma_start3A_691 : memref<96x32xf32, #tpu.memory_space<vmem>>) offsets(%dma_start3A_694 : memref<96xi32, #tpu.memory_space<vmem>>) semaphore(%arg9 : memref<!tpu.dma_semaphore, #tpu.memory_space<semaphore_mem>>)
        %mul3A_698 = arith.constant 4 : i32
        %mul3A_699 = arith.muli %add3A_630, %mul3A_698 : i32
        %add3A_700 = arith.constant 1 : i32
        %add3A_701 = arith.addi %mul3A_699, %add3A_700 : i32
        %dma_start3A_702 = arith.constant 0 : i32
        %dma_start3A_703 = arith.constant 1 : i32
        %dma_start3A_704 = arith.constant 96 : i32
        %dma_start3A_705 = arith.constant 0 : i32
        %dma_start3A_706 = tpu.memref_slice %arg7[%dma_start3A_702, %dma_start3A_703, %dma_start3A_704, %dma_start3A_705] : memref<3x4x200x32xf32, #tpu.memory_space<vmem>> -> memref<1x1x104x32xf32, #tpu.memory_space<vmem>>
        %dma_start3A_707 = tpu.memref_squeeze %dma_start3A_706 : memref<1x1x104x32xf32, #tpu.memory_space<vmem>> -> memref<104x32xf32, #tpu.memory_space<vmem>>
        %dma_start3A_708 = arith.constant 96 : i32
        %dma_start3A_709 = tpu.memref_slice %arg6[%add3A_701, %dma_start3A_708] : memref<128x200xi32, #tpu.memory_space<vmem>> -> memref<1x104xi32, #tpu.memory_space<vmem>>
        %dma_start3A_710 = tpu.memref_squeeze %dma_start3A_709 : memref<1x104xi32, #tpu.memory_space<vmem>> -> memref<104xi32, #tpu.memory_space<vmem>>
        %dma_start3A_711 = arith.constant 0 : i32
        %dma_start3A_712 = arith.constant 0 : i32
        %dma_start3A_713 = tpu.memref_slice %arg3[%dma_start3A_711, %dma_start3A_712] : memref<1000000x32xf32, #tpu.memory_space<hbm>> -> memref<1000000x32xf32, #tpu.memory_space<hbm>>
        tpu.enqueue_indirect_dma source(%dma_start3A_713 : memref<1000000x32xf32, #tpu.memory_space<hbm>>) target(%dma_start3A_707 : memref<104x32xf32, #tpu.memory_space<vmem>>) offsets(%dma_start3A_710 : memref<104xi32, #tpu.memory_space<vmem>>) semaphore(%arg9 : memref<!tpu.dma_semaphore, #tpu.memory_space<semaphore_mem>>)
        %mul3A_714 = arith.constant 4 : i32
        %mul3A_715 = arith.muli %add3A_630, %mul3A_714 : i32
        %add3A_716 = arith.constant 2 : i32
        %add3A_717 = arith.addi %mul3A_715, %add3A_716 : i32
        %dma_start3A_718 = arith.constant 0 : i32
        %dma_start3A_719 = arith.constant 2 : i32
        %dma_start3A_720 = arith.constant 0 : i32
        %dma_start3A_721 = arith.constant 0 : i32
        %dma_start3A_722 = tpu.memref_slice %arg7[%dma_start3A_718, %dma_start3A_719, %dma_start3A_720, %dma_start3A_721] : memref<3x4x200x32xf32, #tpu.memory_space<vmem>> -> memref<1x1x96x32xf32, #tpu.memory_space<vmem>>
        %dma_start3A_723 = tpu.memref_squeeze %dma_start3A_722 : memref<1x1x96x32xf32, #tpu.memory_space<vmem>> -> memref<96x32xf32, #tpu.memory_space<vmem>>
        %dma_start3A_724 = arith.constant 0 : i32
        %dma_start3A_725 = tpu.memref_slice %arg6[%add3A_717, %dma_start3A_724] : memref<128x200xi32, #tpu.memory_space<vmem>> -> memref<1x96xi32, #tpu.memory_space<vmem>>
        %dma_start3A_726 = tpu.memref_squeeze %dma_start3A_725 : memref<1x96xi32, #tpu.memory_space<vmem>> -> memref<96xi32, #tpu.memory_space<vmem>>
        %dma_start3A_727 = arith.constant 0 : i32
        %dma_start3A_728 = arith.constant 0 : i32
        %dma_start3A_729 = tpu.memref_slice %arg3[%dma_start3A_727, %dma_start3A_728] : memref<1000000x32xf32, #tpu.memory_space<hbm>> -> memref<1000000x32xf32, #tpu.memory_space<hbm>>
        tpu.enqueue_indirect_dma source(%dma_start3A_729 : memref<1000000x32xf32, #tpu.memory_space<hbm>>) target(%dma_start3A_723 : memref<96x32xf32, #tpu.memory_space<vmem>>) offsets(%dma_start3A_726 : memref<96xi32, #tpu.memory_space<vmem>>) semaphore(%arg9 : memref<!tpu.dma_semaphore, #tpu.memory_space<semaphore_mem>>)
        %mul3A_730 = arith.constant 4 : i32
        %mul3A_731 = arith.muli %add3A_630, %mul3A_730 : i32
        %add3A_732 = arith.constant 2 : i32
        %add3A_733 = arith.addi %mul3A_731, %add3A_732 : i32
        %dma_start3A_734 = arith.constant 0 : i32
        %dma_start3A_735 = arith.constant 2 : i32
        %dma_start3A_736 = arith.constant 96 : i32
        %dma_start3A_737 = arith.constant 0 : i32
        %dma_start3A_738 = tpu.memref_slice %arg7[%dma_start3A_734, %dma_start3A_735, %dma_start3A_736, %dma_start3A_737] : memref<3x4x200x32xf32, #tpu.memory_space<vmem>> -> memref<1x1x104x32xf32, #tpu.memory_space<vmem>>
        %dma_start3A_739 = tpu.memref_squeeze %dma_start3A_738 : memref<1x1x104x32xf32, #tpu.memory_space<vmem>> -> memref<104x32xf32, #tpu.memory_space<vmem>>
        %dma_start3A_740 = arith.constant 96 : i32
        %dma_start3A_741 = tpu.memref_slice %arg6[%add3A_733, %dma_start3A_740] : memref<128x200xi32, #tpu.memory_space<vmem>> -> memref<1x104xi32, #tpu.memory_space<vmem>>
        %dma_start3A_742 = tpu.memref_squeeze %dma_start3A_741 : memref<1x104xi32, #tpu.memory_space<vmem>> -> memref<104xi32, #tpu.memory_space<vmem>>
        %dma_start3A_743 = arith.constant 0 : i32
        %dma_start3A_744 = arith.constant 0 : i32
        %dma_start3A_745 = tpu.memref_slice %arg3[%dma_start3A_743, %dma_start3A_744] : memref<1000000x32xf32, #tpu.memory_space<hbm>> -> memref<1000000x32xf32, #tpu.memory_space<hbm>>
        tpu.enqueue_indirect_dma source(%dma_start3A_745 : memref<1000000x32xf32, #tpu.memory_space<hbm>>) target(%dma_start3A_739 : memref<104x32xf32, #tpu.memory_space<vmem>>) offsets(%dma_start3A_742 : memref<104xi32, #tpu.memory_space<vmem>>) semaphore(%arg9 : memref<!tpu.dma_semaphore, #tpu.memory_space<semaphore_mem>>)
        %mul3A_746 = arith.constant 4 : i32
        %mul3A_747 = arith.muli %add3A_630, %mul3A_746 : i32
        %add3A_748 = arith.constant 3 : i32
        %add3A_749 = arith.addi %mul3A_747, %add3A_748 : i32
        %dma_start3A_750 = arith.constant 0 : i32
        %dma_start3A_751 = arith.constant 3 : i32
        %dma_start3A_752 = arith.constant 0 : i32
        %dma_start3A_753 = arith.constant 0 : i32
        %dma_start3A_754 = tpu.memref_slice %arg7[%dma_start3A_750, %dma_start3A_751, %dma_start3A_752, %dma_start3A_753] : memref<3x4x200x32xf32, #tpu.memory_space<vmem>> -> memref<1x1x96x32xf32, #tpu.memory_space<vmem>>
        %dma_start3A_755 = tpu.memref_squeeze %dma_start3A_754 : memref<1x1x96x32xf32, #tpu.memory_space<vmem>> -> memref<96x32xf32, #tpu.memory_space<vmem>>
        %dma_start3A_756 = arith.constant 0 : i32
        %dma_start3A_757 = tpu.memref_slice %arg6[%add3A_749, %dma_start3A_756] : memref<128x200xi32, #tpu.memory_space<vmem>> -> memref<1x96xi32, #tpu.memory_space<vmem>>
        %dma_start3A_758 = tpu.memref_squeeze %dma_start3A_757 : memref<1x96xi32, #tpu.memory_space<vmem>> -> memref<96xi32, #tpu.memory_space<vmem>>
        %dma_start3A_759 = arith.constant 0 : i32
        %dma_start3A_760 = arith.constant 0 : i32
        %dma_start3A_761 = tpu.memref_slice %arg3[%dma_start3A_759, %dma_start3A_760] : memref<1000000x32xf32, #tpu.memory_space<hbm>> -> memref<1000000x32xf32, #tpu.memory_space<hbm>>
        tpu.enqueue_indirect_dma source(%dma_start3A_761 : memref<1000000x32xf32, #tpu.memory_space<hbm>>) target(%dma_start3A_755 : memref<96x32xf32, #tpu.memory_space<vmem>>) offsets(%dma_start3A_758 : memref<96xi32, #tpu.memory_space<vmem>>) semaphore(%arg9 : memref<!tpu.dma_semaphore, #tpu.memory_space<semaphore_mem>>)
        %mul3A_762 = arith.constant 4 : i32
        %mul3A_763 = arith.muli %add3A_630, %mul3A_762 : i32
        %add3A_764 = arith.constant 3 : i32
        %add3A_765 = arith.addi %mul3A_763, %add3A_764 : i32
        %dma_start3A_766 = arith.constant 0 : i32
        %dma_start3A_767 = arith.constant 3 : i32
        %dma_start3A_768 = arith.constant 96 : i32
        %dma_start3A_769 = arith.constant 0 : i32
        %dma_start3A_770 = tpu.memref_slice %arg7[%dma_start3A_766, %dma_start3A_767, %dma_start3A_768, %dma_start3A_769] : memref<3x4x200x32xf32, #tpu.memory_space<vmem>> -> memref<1x1x104x32xf32, #tpu.memory_space<vmem>>
        %dma_start3A_771 = tpu.memref_squeeze %dma_start3A_770 : memref<1x1x104x32xf32, #tpu.memory_space<vmem>> -> memref<104x32xf32, #tpu.memory_space<vmem>>
        %dma_start3A_772 = arith.constant 96 : i32
        %dma_start3A_773 = tpu.memref_slice %arg6[%add3A_765, %dma_start3A_772] : memref<128x200xi32, #tpu.memory_space<vmem>> -> memref<1x104xi32, #tpu.memory_space<vmem>>
        %dma_start3A_774 = tpu.memref_squeeze %dma_start3A_773 : memref<1x104xi32, #tpu.memory_space<vmem>> -> memref<104xi32, #tpu.memory_space<vmem>>
        %dma_start3A_775 = arith.constant 0 : i32
        %dma_start3A_776 = arith.constant 0 : i32
        %dma_start3A_777 = tpu.memref_slice %arg3[%dma_start3A_775, %dma_start3A_776] : memref<1000000x32xf32, #tpu.memory_space<hbm>> -> memref<1000000x32xf32, #tpu.memory_space<hbm>>
        tpu.enqueue_indirect_dma source(%dma_start3A_777 : memref<1000000x32xf32, #tpu.memory_space<hbm>>) target(%dma_start3A_771 : memref<104x32xf32, #tpu.memory_space<vmem>>) offsets(%dma_start3A_774 : memref<104xi32, #tpu.memory_space<vmem>>) semaphore(%arg9 : memref<!tpu.dma_semaphore, #tpu.memory_space<semaphore_mem>>)
      } else {
      }
      %add3A_517 = arith.constant 1 : i32
      %add3A_518 = arith.addi %add3A_464, %add3A_517 : i32
      %dma_wait3A_519 = arith.constant 1 : i32
      %dma_wait3A_520 = arith.constant 0 : i32
      %dma_wait3A_521 = arith.constant 0 : i32
      %dma_wait3A_522 = arith.constant 0 : i32
      %dma_wait3A_523 = tpu.memref_slice %arg7[%dma_wait3A_519, %dma_wait3A_520, %dma_wait3A_521, %dma_wait3A_522] : memref<3x4x200x32xf32, #tpu.memory_space<vmem>> -> memref<1x4x200x32xf32, #tpu.memory_space<vmem>>
      %dma_wait3A_524 = tpu.memref_squeeze %dma_wait3A_523 : memref<1x4x200x32xf32, #tpu.memory_space<vmem>> -> memref<4x200x32xf32, #tpu.memory_space<vmem>>
      %dma_wait3A_525 = arith.constant 0 : i32
      %dma_wait3A_526 = arith.constant 0 : i32
      %dma_wait3A_527 = arith.constant 0 : i32
      %dma_wait3A_528 = tpu.memref_slice %arg5[%dma_wait3A_525, %dma_wait3A_526, %dma_wait3A_527] : memref<4096x200x32xf32, #tpu.memory_space<hbm>> -> memref<4x200x32xf32, #tpu.memory_space<hbm>>
      %dma_wait3A_529 = arith.constant 0 : i32
      %dma_wait3A_530 = arith.constant 0 : i32
      %dma_wait3A_531 = arith.constant 0 : i32
      %dma_wait3A_532 = tpu.memref_slice %arg7[%dma_wait3A_519, %dma_wait3A_529, %dma_wait3A_530, %dma_wait3A_531] : memref<3x4x200x32xf32, #tpu.memory_space<vmem>> -> memref<1x4x200x32xf32, #tpu.memory_space<vmem>>
      %dma_wait3A_533 = tpu.memref_squeeze %dma_wait3A_532 : memref<1x4x200x32xf32, #tpu.memory_space<vmem>> -> memref<4x200x32xf32, #tpu.memory_space<vmem>>
      %dma_wait3A_534 = arith.constant 0 : i32
      %dma_wait3A_535 = arith.constant 0 : i32
      %dma_wait3A_536 = arith.constant 0 : i32
      %dma_wait3A_537 = tpu.memref_slice %arg5[%dma_wait3A_534, %dma_wait3A_535, %dma_wait3A_536] : memref<4096x200x32xf32, #tpu.memory_space<hbm>> -> memref<4x200x32xf32, #tpu.memory_space<hbm>>
      tpu.wait_dma2 semaphore(%arg10 : memref<!tpu.dma_semaphore, #tpu.memory_space<semaphore_mem>>) src(%dma_wait3A_537 : memref<4x200x32xf32, #tpu.memory_space<hbm>>) dst(%dma_wait3A_533 : memref<4x200x32xf32, #tpu.memory_space<vmem>>)
      %scan3A_538 = arith.constant 0 : i32
      %scan3A_539 = arith.constant 200 : i32
      %scan3A_540 = arith.addi %scan3A_538, %scan3A_539 : i32
      %scan3A_541 = arith.constant 1 : i32
      scf.for %scan3A_627 = %scan3A_538 to %scan3A_540 step %scan3A_541  : i32 {
        %mul3A_628 = arith.constant 1 : i32
        %mul3A_629 = arith.muli %scan3A_627, %mul3A_628 : i32
        %add3A_630 = arith.constant 0 : i32
        %add3A_631 = arith.addi %add3A_630, %mul3A_629 : i32
        %get3A = arith.index_cast %add3A_631 : i32 to index
        %get3A_632 = arith.constant 0 : index
        %get3A_633 = tpu.vector_load %arg8[%get3A, %get3A_632] {strides = array<i32>} : memref<200x32xf32, #tpu.memory_space<vmem>>, vector<1x16xf32>,
        %get3A_634 = vector.shape_cast %get3A_633 : vector<1x16xf32> to vector<16xf32>
        %get3A_635 = arith.index_cast %add3A_631 : i32 to index
        %get3A_636 = arith.constant 16 : index
        %get3A_637 = tpu.vector_load %arg8[%get3A_635, %get3A_636] {strides = array<i32>} : memref<200x32xf32, #tpu.memory_space<vmem>>, vector<1x16xf32>,
        %get3A_638 = vector.shape_cast %get3A_637 : vector<1x16xf32> to vector<16xf32>
        %swap3A = arith.constant 1 : i32
        %swap3A_639 = arith.constant 0 : i32
        %swap3A_640 = arith.index_cast %swap3A : i32 to index
        %swap3A_641 = arith.index_cast %swap3A_639 : i32 to index
        %swap3A_642 = arith.index_cast %add3A_631 : i32 to index
        %swap3A_643 = arith.constant 0 : index
        %swap3A_644 = tpu.vector_load %arg7[%swap3A_640, %swap3A_641, %swap3A_642, %swap3A_643] {strides = array<i32>} : memref<3x4x200x32xf32, #tpu.memory_space<vmem>>, vector<1x1x1x16xf32>,
        %swap3A_645 = vector.shape_cast %swap3A_644 : vector<1x1x1x16xf32> to vector<16xf32>
        %swap3A_646 = vector.shape_cast %get3A_634 : vector<16xf32> to vector<1x1x1x16xf32>
        tpu.vector_store %arg7[%swap3A_640, %swap3A_641, %swap3A_642, %swap3A_643], %swap3A_646 {add = true, strides = array<i32>} : memref<3x4x200x32xf32, #tpu.memory_space<vmem>>, vector<1x1x1x16xf32>,
        %swap3A_647 = arith.constant 1 : i32
        %swap3A_648 = arith.constant 0 : i32
        %swap3A_649 = arith.index_cast %swap3A_647 : i32 to index
        %swap3A_650 = arith.index_cast %swap3A_648 : i32 to index
        %swap3A_651 = arith.index_cast %add3A_631 : i32 to index
        %swap3A_652 = arith.constant 16 : index
        %swap3A_653 = tpu.vector_load %arg7[%swap3A_649, %swap3A_650, %swap3A_651, %swap3A_652] {strides = array<i32>} : memref<3x4x200x32xf32, #tpu.memory_space<vmem>>, vector<1x1x1x16xf32>,
        %swap3A_654 = vector.shape_cast %swap3A_653 : vector<1x1x1x16xf32> to vector<16xf32>
        %swap3A_655 = vector.shape_cast %get3A_638 : vector<16xf32> to vector<1x1x1x16xf32>
        tpu.vector_store %arg7[%swap3A_649, %swap3A_650, %swap3A_651, %swap3A_652], %swap3A_655 {add = true, strides = array<i32>} : memref<3x4x200x32xf32, #tpu.memory_space<vmem>>, vector<1x1x1x16xf32>,
        %swap3A_656 = arith.constant 1 : i32
        %swap3A_657 = arith.constant 1 : i32
        %swap3A_658 = arith.index_cast %swap3A_656 : i32 to index
        %swap3A_659 = arith.index_cast %swap3A_657 : i32 to index
        %swap3A_660 = arith.index_cast %add3A_631 : i32 to index
        %swap3A_661 = arith.constant 0 : index
        %swap3A_662 = tpu.vector_load %arg7[%swap3A_658, %swap3A_659, %swap3A_660, %swap3A_661] {strides = array<i32>} : memref<3x4x200x32xf32, #tpu.memory_space<vmem>>, vector<1x1x1x16xf32>,
        %swap3A_663 = vector.shape_cast %swap3A_662 : vector<1x1x1x16xf32> to vector<16xf32>
        %swap3A_664 = vector.shape_cast %get3A_634 : vector<16xf32> to vector<1x1x1x16xf32>
        tpu.vector_store %arg7[%swap3A_658, %swap3A_659, %swap3A_660, %swap3A_661], %swap3A_664 {add = true, strides = array<i32>} : memref<3x4x200x32xf32, #tpu.memory_space<vmem>>, vector<1x1x1x16xf32>,
        %swap3A_665 = arith.constant 1 : i32
        %swap3A_666 = arith.constant 1 : i32
        %swap3A_667 = arith.index_cast %swap3A_665 : i32 to index
        %swap3A_668 = arith.index_cast %swap3A_666 : i32 to index
        %swap3A_669 = arith.index_cast %add3A_631 : i32 to index
        %swap3A_670 = arith.constant 16 : index
        %swap3A_671 = tpu.vector_load %arg7[%swap3A_667, %swap3A_668, %swap3A_669, %swap3A_670] {strides = array<i32>} : memref<3x4x200x32xf32, #tpu.memory_space<vmem>>, vector<1x1x1x16xf32>,
        %swap3A_672 = vector.shape_cast %swap3A_671 : vector<1x1x1x16xf32> to vector<16xf32>
        %swap3A_673 = vector.shape_cast %get3A_638 : vector<16xf32> to vector<1x1x1x16xf32>
        tpu.vector_store %arg7[%swap3A_667, %swap3A_668, %swap3A_669, %swap3A_670], %swap3A_673 {add = true, strides = array<i32>} : memref<3x4x200x32xf32, #tpu.memory_space<vmem>>, vector<1x1x1x16xf32>,
        %swap3A_674 = arith.constant 1 : i32
        %swap3A_675 = arith.constant 2 : i32
        %swap3A_676 = arith.index_cast %swap3A_674 : i32 to index
        %swap3A_677 = arith.index_cast %swap3A_675 : i32 to index
        %swap3A_678 = arith.index_cast %add3A_631 : i32 to index
        %swap3A_679 = arith.constant 0 : index
        %swap3A_680 = tpu.vector_load %arg7[%swap3A_676, %swap3A_677, %swap3A_678, %swap3A_679] {strides = array<i32>} : memref<3x4x200x32xf32, #tpu.memory_space<vmem>>, vector<1x1x1x16xf32>,
        %swap3A_681 = vector.shape_cast %swap3A_680 : vector<1x1x1x16xf32> to vector<16xf32>
        %swap3A_682 = vector.shape_cast %get3A_634 : vector<16xf32> to vector<1x1x1x16xf32>
        tpu.vector_store %arg7[%swap3A_676, %swap3A_677, %swap3A_678, %swap3A_679], %swap3A_682 {add = true, strides = array<i32>} : memref<3x4x200x32xf32, #tpu.memory_space<vmem>>, vector<1x1x1x16xf32>,
        %swap3A_683 = arith.constant 1 : i32
        %swap3A_684 = arith.constant 2 : i32
        %swap3A_685 = arith.index_cast %swap3A_683 : i32 to index
        %swap3A_686 = arith.index_cast %swap3A_684 : i32 to index
        %swap3A_687 = arith.index_cast %add3A_631 : i32 to index
        %swap3A_688 = arith.constant 16 : index
        %swap3A_689 = tpu.vector_load %arg7[%swap3A_685, %swap3A_686, %swap3A_687, %swap3A_688] {strides = array<i32>} : memref<3x4x200x32xf32, #tpu.memory_space<vmem>>, vector<1x1x1x16xf32>,
        %swap3A_690 = vector.shape_cast %swap3A_689 : vector<1x1x1x16xf32> to vector<16xf32>
        %swap3A_691 = vector.shape_cast %get3A_638 : vector<16xf32> to vector<1x1x1x16xf32>
        tpu.vector_store %arg7[%swap3A_685, %swap3A_686, %swap3A_687, %swap3A_688], %swap3A_691 {add = true, strides = array<i32>} : memref<3x4x200x32xf32, #tpu.memory_space<vmem>>, vector<1x1x1x16xf32>,
        %swap3A_692 = arith.constant 1 : i32
        %swap3A_693 = arith.constant 3 : i32
        %swap3A_694 = arith.index_cast %swap3A_692 : i32 to index
        %swap3A_695 = arith.index_cast %swap3A_693 : i32 to index
        %swap3A_696 = arith.index_cast %add3A_631 : i32 to index
        %swap3A_697 = arith.constant 0 : index
        %swap3A_698 = tpu.vector_load %arg7[%swap3A_694, %swap3A_695, %swap3A_696, %swap3A_697] {strides = array<i32>} : memref<3x4x200x32xf32, #tpu.memory_space<vmem>>, vector<1x1x1x16xf32>,
        %swap3A_699 = vector.shape_cast %swap3A_698 : vector<1x1x1x16xf32> to vector<16xf32>
        %swap3A_700 = vector.shape_cast %get3A_634 : vector<16xf32> to vector<1x1x1x16xf32>
        tpu.vector_store %arg7[%swap3A_694, %swap3A_695, %swap3A_696, %swap3A_697], %swap3A_700 {add = true, strides = array<i32>} : memref<3x4x200x32xf32, #tpu.memory_space<vmem>>, vector<1x1x1x16xf32>,
        %swap3A_701 = arith.constant 1 : i32
        %swap3A_702 = arith.constant 3 : i32
        %swap3A_703 = arith.index_cast %swap3A_701 : i32 to index
        %swap3A_704 = arith.index_cast %swap3A_702 : i32 to index
        %swap3A_705 = arith.index_cast %add3A_631 : i32 to index
        %swap3A_706 = arith.constant 16 : index
        %swap3A_707 = tpu.vector_load %arg7[%swap3A_703, %swap3A_704, %swap3A_705, %swap3A_706] {strides = array<i32>} : memref<3x4x200x32xf32, #tpu.memory_space<vmem>>, vector<1x1x1x16xf32>,
        %swap3A_708 = vector.shape_cast %swap3A_707 : vector<1x1x1x16xf32> to vector<16xf32>
        %swap3A_709 = vector.shape_cast %get3A_638 : vector<16xf32> to vector<1x1x1x16xf32>
        tpu.vector_store %arg7[%swap3A_703, %swap3A_704, %swap3A_705, %swap3A_706], %swap3A_709 {add = true, strides = array<i32>} : memref<3x4x200x32xf32, #tpu.memory_space<vmem>>, vector<1x1x1x16xf32>,
      }
      %scan3A_542 = arith.constant 200 : i32
      %mul3A_543 = arith.constant 4 : i32
      %mul3A_544 = arith.muli %add3A_518, %mul3A_543 : i32
      %add3A_545 = arith.addi %mul3A_2, %mul3A_544 : i32
      %dma_start3A_546 = arith.constant 1 : i32
      %dma_start3A_547 = arith.constant 0 : i32
      %dma_start3A_548 = arith.constant 0 : i32
      %dma_start3A_549 = arith.constant 0 : i32
      %dma_start3A_550 = tpu.memref_slice %arg7[%dma_start3A_546, %dma_start3A_547, %dma_start3A_548, %dma_start3A_549] : memref<3x4x200x32xf32, #tpu.memory_space<vmem>> -> memref<1x4x200x32xf32, #tpu.memory_space<vmem>>
      %dma_start3A_551 = tpu.memref_squeeze %dma_start3A_550 : memref<1x4x200x32xf32, #tpu.memory_space<vmem>> -> memref<4x200x32xf32, #tpu.memory_space<vmem>>
      %dma_start3A_552 = arith.constant 0 : i32
      %dma_start3A_553 = arith.constant 0 : i32
      %dma_start3A_554 = tpu.memref_slice %arg5[%add3A_545, %dma_start3A_552, %dma_start3A_553] : memref<4096x200x32xf32, #tpu.memory_space<hbm>> -> memref<4x200x32xf32, #tpu.memory_space<hbm>>
      %dma_start3A_555 = arith.constant 0 : i32
      %dma_start3A_556 = arith.constant 0 : i32
      %dma_start3A_557 = tpu.memref_slice %arg5[%add3A_545, %dma_start3A_555, %dma_start3A_556] : memref<4096x200x32xf32, #tpu.memory_space<hbm>> -> memref<4x200x32xf32, #tpu.memory_space<hbm>>
      %dma_start3A_558 = arith.constant 0 : i32
      %dma_start3A_559 = arith.constant 0 : i32
      %dma_start3A_560 = arith.constant 0 : i32
      %dma_start3A_561 = tpu.memref_slice %arg7[%dma_start3A_546, %dma_start3A_558, %dma_start3A_559, %dma_start3A_560] : memref<3x4x200x32xf32, #tpu.memory_space<vmem>> -> memref<1x4x200x32xf32, #tpu.memory_space<vmem>>
      %dma_start3A_562 = tpu.memref_squeeze %dma_start3A_561 : memref<1x4x200x32xf32, #tpu.memory_space<vmem>> -> memref<4x200x32xf32, #tpu.memory_space<vmem>>
      tpu.enqueue_dma source(%dma_start3A_562 : memref<4x200x32xf32, #tpu.memory_space<vmem>>) target(%dma_start3A_557 : memref<4x200x32xf32, #tpu.memory_space<hbm>>) target_semaphore(%arg13 : memref<!tpu.dma_semaphore, #tpu.memory_space<semaphore_mem>>)
      %add3A_563 = arith.constant 1 : i32
      %add3A_564 = arith.addi %add3A_464, %add3A_563 : i32
      %add3A_565 = arith.constant 3 : i32
      %add3A_566 = arith.addi %add3A_564, %add3A_565 : i32
      %lt3A_567 = arith.constant 32 : i32
      %lt3A_568 = arith.cmpi slt, %add3A_566, %lt3A_567 : i32
      %convert_element_type3A_569 = arith.extui %lt3A_568 : i1 to i32
      %cond3A_570 = arith.constant 0 : i32
      %cond3A_571 = arith.cmpi ne, %convert_element_type3A_569, %cond3A_570 : i32
      scf.if %cond3A_571 {
        %add3A_627 = arith.constant 1 : i32
        %add3A_628 = arith.addi %add3A_464, %add3A_627 : i32
        %add3A_629 = arith.constant 3 : i32
        %add3A_630 = arith.addi %add3A_628, %add3A_629 : i32
        %dma_wait3A_631 = arith.constant 1 : i32
        %dma_wait3A_632 = arith.constant 0 : i32
        %dma_wait3A_633 = arith.constant 0 : i32
        %dma_wait3A_634 = arith.constant 0 : i32
        %dma_wait3A_635 = tpu.memref_slice %arg7[%dma_wait3A_631, %dma_wait3A_632, %dma_wait3A_633, %dma_wait3A_634] : memref<3x4x200x32xf32, #tpu.memory_space<vmem>> -> memref<1x4x200x32xf32, #tpu.memory_space<vmem>>
        %dma_wait3A_636 = tpu.memref_squeeze %dma_wait3A_635 : memref<1x4x200x32xf32, #tpu.memory_space<vmem>> -> memref<4x200x32xf32, #tpu.memory_space<vmem>>
        %dma_wait3A_637 = arith.constant 0 : i32
        %dma_wait3A_638 = arith.constant 0 : i32
        %dma_wait3A_639 = arith.constant 0 : i32
        %dma_wait3A_640 = tpu.memref_slice %arg5[%dma_wait3A_637, %dma_wait3A_638, %dma_wait3A_639] : memref<4096x200x32xf32, #tpu.memory_space<hbm>> -> memref<4x200x32xf32, #tpu.memory_space<hbm>>
        %dma_wait3A_641 = arith.constant 0 : i32
        %dma_wait3A_642 = arith.constant 0 : i32
        %dma_wait3A_643 = arith.constant 0 : i32
        %dma_wait3A_644 = tpu.memref_slice %arg5[%dma_wait3A_641, %dma_wait3A_642, %dma_wait3A_643] : memref<4096x200x32xf32, #tpu.memory_space<hbm>> -> memref<4x200x32xf32, #tpu.memory_space<hbm>>
        %dma_wait3A_645 = arith.constant 0 : i32
        %dma_wait3A_646 = arith.constant 0 : i32
        %dma_wait3A_647 = arith.constant 0 : i32
        %dma_wait3A_648 = tpu.memref_slice %arg7[%dma_wait3A_631, %dma_wait3A_645, %dma_wait3A_646, %dma_wait3A_647] : memref<3x4x200x32xf32, #tpu.memory_space<vmem>> -> memref<1x4x200x32xf32, #tpu.memory_space<vmem>>
        %dma_wait3A_649 = tpu.memref_squeeze %dma_wait3A_648 : memref<1x4x200x32xf32, #tpu.memory_space<vmem>> -> memref<4x200x32xf32, #tpu.memory_space<vmem>>
        tpu.wait_dma2 semaphore(%arg13 : memref<!tpu.dma_semaphore, #tpu.memory_space<semaphore_mem>>) src(%dma_wait3A_649 : memref<4x200x32xf32, #tpu.memory_space<vmem>>) dst(%dma_wait3A_644 : memref<4x200x32xf32, #tpu.memory_space<hbm>>)
        %mul3A_650 = arith.constant 4 : i32
        %mul3A_651 = arith.muli %add3A_630, %mul3A_650 : i32
        %add3A_652 = arith.constant 0 : i32
        %add3A_653 = arith.addi %mul3A_651, %add3A_652 : i32
        %dma_start3A_654 = arith.constant 1 : i32
        %dma_start3A_655 = arith.constant 0 : i32
        %dma_start3A_656 = arith.constant 0 : i32
        %dma_start3A_657 = arith.constant 0 : i32
        %dma_start3A_658 = tpu.memref_slice %arg7[%dma_start3A_654, %dma_start3A_655, %dma_start3A_656, %dma_start3A_657] : memref<3x4x200x32xf32, #tpu.memory_space<vmem>> -> memref<1x1x96x32xf32, #tpu.memory_space<vmem>>
        %dma_start3A_659 = tpu.memref_squeeze %dma_start3A_658 : memref<1x1x96x32xf32, #tpu.memory_space<vmem>> -> memref<96x32xf32, #tpu.memory_space<vmem>>
        %dma_start3A_660 = arith.constant 0 : i32
        %dma_start3A_661 = tpu.memref_slice %arg6[%add3A_653, %dma_start3A_660] : memref<128x200xi32, #tpu.memory_space<vmem>> -> memref<1x96xi32, #tpu.memory_space<vmem>>
        %dma_start3A_662 = tpu.memref_squeeze %dma_start3A_661 : memref<1x96xi32, #tpu.memory_space<vmem>> -> memref<96xi32, #tpu.memory_space<vmem>>
        %dma_start3A_663 = arith.constant 0 : i32
        %dma_start3A_664 = arith.constant 0 : i32
        %dma_start3A_665 = tpu.memref_slice %arg3[%dma_start3A_663, %dma_start3A_664] : memref<1000000x32xf32, #tpu.memory_space<hbm>> -> memref<1000000x32xf32, #tpu.memory_space<hbm>>
        tpu.enqueue_indirect_dma source(%dma_start3A_665 : memref<1000000x32xf32, #tpu.memory_space<hbm>>) target(%dma_start3A_659 : memref<96x32xf32, #tpu.memory_space<vmem>>) offsets(%dma_start3A_662 : memref<96xi32, #tpu.memory_space<vmem>>) semaphore(%arg10 : memref<!tpu.dma_semaphore, #tpu.memory_space<semaphore_mem>>)
        %mul3A_666 = arith.constant 4 : i32
        %mul3A_667 = arith.muli %add3A_630, %mul3A_666 : i32
        %add3A_668 = arith.constant 0 : i32
        %add3A_669 = arith.addi %mul3A_667, %add3A_668 : i32
        %dma_start3A_670 = arith.constant 1 : i32
        %dma_start3A_671 = arith.constant 0 : i32
        %dma_start3A_672 = arith.constant 96 : i32
        %dma_start3A_673 = arith.constant 0 : i32
        %dma_start3A_674 = tpu.memref_slice %arg7[%dma_start3A_670, %dma_start3A_671, %dma_start3A_672, %dma_start3A_673] : memref<3x4x200x32xf32, #tpu.memory_space<vmem>> -> memref<1x1x104x32xf32, #tpu.memory_space<vmem>>
        %dma_start3A_675 = tpu.memref_squeeze %dma_start3A_674 : memref<1x1x104x32xf32, #tpu.memory_space<vmem>> -> memref<104x32xf32, #tpu.memory_space<vmem>>
        %dma_start3A_676 = arith.constant 96 : i32
        %dma_start3A_677 = tpu.memref_slice %arg6[%add3A_669, %dma_start3A_676] : memref<128x200xi32, #tpu.memory_space<vmem>> -> memref<1x104xi32, #tpu.memory_space<vmem>>
        %dma_start3A_678 = tpu.memref_squeeze %dma_start3A_677 : memref<1x104xi32, #tpu.memory_space<vmem>> -> memref<104xi32, #tpu.memory_space<vmem>>
        %dma_start3A_679 = arith.constant 0 : i32
        %dma_start3A_680 = arith.constant 0 : i32
        %dma_start3A_681 = tpu.memref_slice %arg3[%dma_start3A_679, %dma_start3A_680] : memref<1000000x32xf32, #tpu.memory_space<hbm>> -> memref<1000000x32xf32, #tpu.memory_space<hbm>>
        tpu.enqueue_indirect_dma source(%dma_start3A_681 : memref<1000000x32xf32, #tpu.memory_space<hbm>>) target(%dma_start3A_675 : memref<104x32xf32, #tpu.memory_space<vmem>>) offsets(%dma_start3A_678 : memref<104xi32, #tpu.memory_space<vmem>>) semaphore(%arg10 : memref<!tpu.dma_semaphore, #tpu.memory_space<semaphore_mem>>)
        %mul3A_682 = arith.constant 4 : i32
        %mul3A_683 = arith.muli %add3A_630, %mul3A_682 : i32
        %add3A_684 = arith.constant 1 : i32
        %add3A_685 = arith.addi %mul3A_683, %add3A_684 : i32
        %dma_start3A_686 = arith.constant 1 : i32
        %dma_start3A_687 = arith.constant 1 : i32
        %dma_start3A_688 = arith.constant 0 : i32
        %dma_start3A_689 = arith.constant 0 : i32
        %dma_start3A_690 = tpu.memref_slice %arg7[%dma_start3A_686, %dma_start3A_687, %dma_start3A_688, %dma_start3A_689] : memref<3x4x200x32xf32, #tpu.memory_space<vmem>> -> memref<1x1x96x32xf32, #tpu.memory_space<vmem>>
        %dma_start3A_691 = tpu.memref_squeeze %dma_start3A_690 : memref<1x1x96x32xf32, #tpu.memory_space<vmem>> -> memref<96x32xf32, #tpu.memory_space<vmem>>
        %dma_start3A_692 = arith.constant 0 : i32
        %dma_start3A_693 = tpu.memref_slice %arg6[%add3A_685, %dma_start3A_692] : memref<128x200xi32, #tpu.memory_space<vmem>> -> memref<1x96xi32, #tpu.memory_space<vmem>>
        %dma_start3A_694 = tpu.memref_squeeze %dma_start3A_693 : memref<1x96xi32, #tpu.memory_space<vmem>> -> memref<96xi32, #tpu.memory_space<vmem>>
        %dma_start3A_695 = arith.constant 0 : i32
        %dma_start3A_696 = arith.constant 0 : i32
        %dma_start3A_697 = tpu.memref_slice %arg3[%dma_start3A_695, %dma_start3A_696] : memref<1000000x32xf32, #tpu.memory_space<hbm>> -> memref<1000000x32xf32, #tpu.memory_space<hbm>>
        tpu.enqueue_indirect_dma source(%dma_start3A_697 : memref<1000000x32xf32, #tpu.memory_space<hbm>>) target(%dma_start3A_691 : memref<96x32xf32, #tpu.memory_space<vmem>>) offsets(%dma_start3A_694 : memref<96xi32, #tpu.memory_space<vmem>>) semaphore(%arg10 : memref<!tpu.dma_semaphore, #tpu.memory_space<semaphore_mem>>)
        %mul3A_698 = arith.constant 4 : i32
        %mul3A_699 = arith.muli %add3A_630, %mul3A_698 : i32
        %add3A_700 = arith.constant 1 : i32
        %add3A_701 = arith.addi %mul3A_699, %add3A_700 : i32
        %dma_start3A_702 = arith.constant 1 : i32
        %dma_start3A_703 = arith.constant 1 : i32
        %dma_start3A_704 = arith.constant 96 : i32
        %dma_start3A_705 = arith.constant 0 : i32
        %dma_start3A_706 = tpu.memref_slice %arg7[%dma_start3A_702, %dma_start3A_703, %dma_start3A_704, %dma_start3A_705] : memref<3x4x200x32xf32, #tpu.memory_space<vmem>> -> memref<1x1x104x32xf32, #tpu.memory_space<vmem>>
        %dma_start3A_707 = tpu.memref_squeeze %dma_start3A_706 : memref<1x1x104x32xf32, #tpu.memory_space<vmem>> -> memref<104x32xf32, #tpu.memory_space<vmem>>
        %dma_start3A_708 = arith.constant 96 : i32
        %dma_start3A_709 = tpu.memref_slice %arg6[%add3A_701, %dma_start3A_708] : memref<128x200xi32, #tpu.memory_space<vmem>> -> memref<1x104xi32, #tpu.memory_space<vmem>>
        %dma_start3A_710 = tpu.memref_squeeze %dma_start3A_709 : memref<1x104xi32, #tpu.memory_space<vmem>> -> memref<104xi32, #tpu.memory_space<vmem>>
        %dma_start3A_711 = arith.constant 0 : i32
        %dma_start3A_712 = arith.constant 0 : i32
        %dma_start3A_713 = tpu.memref_slice %arg3[%dma_start3A_711, %dma_start3A_712] : memref<1000000x32xf32, #tpu.memory_space<hbm>> -> memref<1000000x32xf32, #tpu.memory_space<hbm>>
        tpu.enqueue_indirect_dma source(%dma_start3A_713 : memref<1000000x32xf32, #tpu.memory_space<hbm>>) target(%dma_start3A_707 : memref<104x32xf32, #tpu.memory_space<vmem>>) offsets(%dma_start3A_710 : memref<104xi32, #tpu.memory_space<vmem>>) semaphore(%arg10 : memref<!tpu.dma_semaphore, #tpu.memory_space<semaphore_mem>>)
        %mul3A_714 = arith.constant 4 : i32
        %mul3A_715 = arith.muli %add3A_630, %mul3A_714 : i32
        %add3A_716 = arith.constant 2 : i32
        %add3A_717 = arith.addi %mul3A_715, %add3A_716 : i32
        %dma_start3A_718 = arith.constant 1 : i32
        %dma_start3A_719 = arith.constant 2 : i32
        %dma_start3A_720 = arith.constant 0 : i32
        %dma_start3A_721 = arith.constant 0 : i32
        %dma_start3A_722 = tpu.memref_slice %arg7[%dma_start3A_718, %dma_start3A_719, %dma_start3A_720, %dma_start3A_721] : memref<3x4x200x32xf32, #tpu.memory_space<vmem>> -> memref<1x1x96x32xf32, #tpu.memory_space<vmem>>
        %dma_start3A_723 = tpu.memref_squeeze %dma_start3A_722 : memref<1x1x96x32xf32, #tpu.memory_space<vmem>> -> memref<96x32xf32, #tpu.memory_space<vmem>>
        %dma_start3A_724 = arith.constant 0 : i32
        %dma_start3A_725 = tpu.memref_slice %arg6[%add3A_717, %dma_start3A_724] : memref<128x200xi32, #tpu.memory_space<vmem>> -> memref<1x96xi32, #tpu.memory_space<vmem>>
        %dma_start3A_726 = tpu.memref_squeeze %dma_start3A_725 : memref<1x96xi32, #tpu.memory_space<vmem>> -> memref<96xi32, #tpu.memory_space<vmem>>
        %dma_start3A_727 = arith.constant 0 : i32
        %dma_start3A_728 = arith.constant 0 : i32
        %dma_start3A_729 = tpu.memref_slice %arg3[%dma_start3A_727, %dma_start3A_728] : memref<1000000x32xf32, #tpu.memory_space<hbm>> -> memref<1000000x32xf32, #tpu.memory_space<hbm>>
        tpu.enqueue_indirect_dma source(%dma_start3A_729 : memref<1000000x32xf32, #tpu.memory_space<hbm>>) target(%dma_start3A_723 : memref<96x32xf32, #tpu.memory_space<vmem>>) offsets(%dma_start3A_726 : memref<96xi32, #tpu.memory_space<vmem>>) semaphore(%arg10 : memref<!tpu.dma_semaphore, #tpu.memory_space<semaphore_mem>>)
        %mul3A_730 = arith.constant 4 : i32
        %mul3A_731 = arith.muli %add3A_630, %mul3A_730 : i32
        %add3A_732 = arith.constant 2 : i32
        %add3A_733 = arith.addi %mul3A_731, %add3A_732 : i32
        %dma_start3A_734 = arith.constant 1 : i32
        %dma_start3A_735 = arith.constant 2 : i32
        %dma_start3A_736 = arith.constant 96 : i32
        %dma_start3A_737 = arith.constant 0 : i32
        %dma_start3A_738 = tpu.memref_slice %arg7[%dma_start3A_734, %dma_start3A_735, %dma_start3A_736, %dma_start3A_737] : memref<3x4x200x32xf32, #tpu.memory_space<vmem>> -> memref<1x1x104x32xf32, #tpu.memory_space<vmem>>
        %dma_start3A_739 = tpu.memref_squeeze %dma_start3A_738 : memref<1x1x104x32xf32, #tpu.memory_space<vmem>> -> memref<104x32xf32, #tpu.memory_space<vmem>>
        %dma_start3A_740 = arith.constant 96 : i32
        %dma_start3A_741 = tpu.memref_slice %arg6[%add3A_733, %dma_start3A_740] : memref<128x200xi32, #tpu.memory_space<vmem>> -> memref<1x104xi32, #tpu.memory_space<vmem>>
        %dma_start3A_742 = tpu.memref_squeeze %dma_start3A_741 : memref<1x104xi32, #tpu.memory_space<vmem>> -> memref<104xi32, #tpu.memory_space<vmem>>
        %dma_start3A_743 = arith.constant 0 : i32
        %dma_start3A_744 = arith.constant 0 : i32
        %dma_start3A_745 = tpu.memref_slice %arg3[%dma_start3A_743, %dma_start3A_744] : memref<1000000x32xf32, #tpu.memory_space<hbm>> -> memref<1000000x32xf32, #tpu.memory_space<hbm>>
        tpu.enqueue_indirect_dma source(%dma_start3A_745 : memref<1000000x32xf32, #tpu.memory_space<hbm>>) target(%dma_start3A_739 : memref<104x32xf32, #tpu.memory_space<vmem>>) offsets(%dma_start3A_742 : memref<104xi32, #tpu.memory_space<vmem>>) semaphore(%arg10 : memref<!tpu.dma_semaphore, #tpu.memory_space<semaphore_mem>>)
        %mul3A_746 = arith.constant 4 : i32
        %mul3A_747 = arith.muli %add3A_630, %mul3A_746 : i32
        %add3A_748 = arith.constant 3 : i32
        %add3A_749 = arith.addi %mul3A_747, %add3A_748 : i32
        %dma_start3A_750 = arith.constant 1 : i32
        %dma_start3A_751 = arith.constant 3 : i32
        %dma_start3A_752 = arith.constant 0 : i32
        %dma_start3A_753 = arith.constant 0 : i32
        %dma_start3A_754 = tpu.memref_slice %arg7[%dma_start3A_750, %dma_start3A_751, %dma_start3A_752, %dma_start3A_753] : memref<3x4x200x32xf32, #tpu.memory_space<vmem>> -> memref<1x1x96x32xf32, #tpu.memory_space<vmem>>
        %dma_start3A_755 = tpu.memref_squeeze %dma_start3A_754 : memref<1x1x96x32xf32, #tpu.memory_space<vmem>> -> memref<96x32xf32, #tpu.memory_space<vmem>>
        %dma_start3A_756 = arith.constant 0 : i32
        %dma_start3A_757 = tpu.memref_slice %arg6[%add3A_749, %dma_start3A_756] : memref<128x200xi32, #tpu.memory_space<vmem>> -> memref<1x96xi32, #tpu.memory_space<vmem>>
        %dma_start3A_758 = tpu.memref_squeeze %dma_start3A_757 : memref<1x96xi32, #tpu.memory_space<vmem>> -> memref<96xi32, #tpu.memory_space<vmem>>
        %dma_start3A_759 = arith.constant 0 : i32
        %dma_start3A_760 = arith.constant 0 : i32
        %dma_start3A_761 = tpu.memref_slice %arg3[%dma_start3A_759, %dma_start3A_760] : memref<1000000x32xf32, #tpu.memory_space<hbm>> -> memref<1000000x32xf32, #tpu.memory_space<hbm>>
        tpu.enqueue_indirect_dma source(%dma_start3A_761 : memref<1000000x32xf32, #tpu.memory_space<hbm>>) target(%dma_start3A_755 : memref<96x32xf32, #tpu.memory_space<vmem>>) offsets(%dma_start3A_758 : memref<96xi32, #tpu.memory_space<vmem>>) semaphore(%arg10 : memref<!tpu.dma_semaphore, #tpu.memory_space<semaphore_mem>>)
        %mul3A_762 = arith.constant 4 : i32
        %mul3A_763 = arith.muli %add3A_630, %mul3A_762 : i32
        %add3A_764 = arith.constant 3 : i32
        %add3A_765 = arith.addi %mul3A_763, %add3A_764 : i32
        %dma_start3A_766 = arith.constant 1 : i32
        %dma_start3A_767 = arith.constant 3 : i32
        %dma_start3A_768 = arith.constant 96 : i32
        %dma_start3A_769 = arith.constant 0 : i32
        %dma_start3A_770 = tpu.memref_slice %arg7[%dma_start3A_766, %dma_start3A_767, %dma_start3A_768, %dma_start3A_769] : memref<3x4x200x32xf32, #tpu.memory_space<vmem>> -> memref<1x1x104x32xf32, #tpu.memory_space<vmem>>
        %dma_start3A_771 = tpu.memref_squeeze %dma_start3A_770 : memref<1x1x104x32xf32, #tpu.memory_space<vmem>> -> memref<104x32xf32, #tpu.memory_space<vmem>>
        %dma_start3A_772 = arith.constant 96 : i32
        %dma_start3A_773 = tpu.memref_slice %arg6[%add3A_765, %dma_start3A_772] : memref<128x200xi32, #tpu.memory_space<vmem>> -> memref<1x104xi32, #tpu.memory_space<vmem>>
        %dma_start3A_774 = tpu.memref_squeeze %dma_start3A_773 : memref<1x104xi32, #tpu.memory_space<vmem>> -> memref<104xi32, #tpu.memory_space<vmem>>
        %dma_start3A_775 = arith.constant 0 : i32
        %dma_start3A_776 = arith.constant 0 : i32
        %dma_start3A_777 = tpu.memref_slice %arg3[%dma_start3A_775, %dma_start3A_776] : memref<1000000x32xf32, #tpu.memory_space<hbm>> -> memref<1000000x32xf32, #tpu.memory_space<hbm>>
        tpu.enqueue_indirect_dma source(%dma_start3A_777 : memref<1000000x32xf32, #tpu.memory_space<hbm>>) target(%dma_start3A_771 : memref<104x32xf32, #tpu.memory_space<vmem>>) offsets(%dma_start3A_774 : memref<104xi32, #tpu.memory_space<vmem>>) semaphore(%arg10 : memref<!tpu.dma_semaphore, #tpu.memory_space<semaphore_mem>>)
      } else {
      }
      %add3A_572 = arith.constant 2 : i32
      %add3A_573 = arith.addi %add3A_464, %add3A_572 : i32
      %dma_wait3A_574 = arith.constant 2 : i32
      %dma_wait3A_575 = arith.constant 0 : i32
      %dma_wait3A_576 = arith.constant 0 : i32
      %dma_wait3A_577 = arith.constant 0 : i32
      %dma_wait3A_578 = tpu.memref_slice %arg7[%dma_wait3A_574, %dma_wait3A_575, %dma_wait3A_576, %dma_wait3A_577] : memref<3x4x200x32xf32, #tpu.memory_space<vmem>> -> memref<1x4x200x32xf32, #tpu.memory_space<vmem>>
      %dma_wait3A_579 = tpu.memref_squeeze %dma_wait3A_578 : memref<1x4x200x32xf32, #tpu.memory_space<vmem>> -> memref<4x200x32xf32, #tpu.memory_space<vmem>>
      %dma_wait3A_580 = arith.constant 0 : i32
      %dma_wait3A_581 = arith.constant 0 : i32
      %dma_wait3A_582 = arith.constant 0 : i32
      %dma_wait3A_583 = tpu.memref_slice %arg5[%dma_wait3A_580, %dma_wait3A_581, %dma_wait3A_582] : memref<4096x200x32xf32, #tpu.memory_space<hbm>> -> memref<4x200x32xf32, #tpu.memory_space<hbm>>
      %dma_wait3A_584 = arith.constant 0 : i32
      %dma_wait3A_585 = arith.constant 0 : i32
      %dma_wait3A_586 = arith.constant 0 : i32
      %dma_wait3A_587 = tpu.memref_slice %arg7[%dma_wait3A_574, %dma_wait3A_584, %dma_wait3A_585, %dma_wait3A_586] : memref<3x4x200x32xf32, #tpu.memory_space<vmem>> -> memref<1x4x200x32xf32, #tpu.memory_space<vmem>>
      %dma_wait3A_588 = tpu.memref_squeeze %dma_wait3A_587 : memref<1x4x200x32xf32, #tpu.memory_space<vmem>> -> memref<4x200x32xf32, #tpu.memory_space<vmem>>
      %dma_wait3A_589 = arith.constant 0 : i32
      %dma_wait3A_590 = arith.constant 0 : i32
      %dma_wait3A_591 = arith.constant 0 : i32
      %dma_wait3A_592 = tpu.memref_slice %arg5[%dma_wait3A_589, %dma_wait3A_590, %dma_wait3A_591] : memref<4096x200x32xf32, #tpu.memory_space<hbm>> -> memref<4x200x32xf32, #tpu.memory_space<hbm>>
      tpu.wait_dma2 semaphore(%arg11 : memref<!tpu.dma_semaphore, #tpu.memory_space<semaphore_mem>>) src(%dma_wait3A_592 : memref<4x200x32xf32, #tpu.memory_space<hbm>>) dst(%dma_wait3A_588 : memref<4x200x32xf32, #tpu.memory_space<vmem>>)
      %scan3A_593 = arith.constant 0 : i32
      %scan3A_594 = arith.constant 200 : i32
      %scan3A_595 = arith.addi %scan3A_593, %scan3A_594 : i32
      %scan3A_596 = arith.constant 1 : i32
      scf.for %scan3A_627 = %scan3A_593 to %scan3A_595 step %scan3A_596  : i32 {
        %mul3A_628 = arith.constant 1 : i32
        %mul3A_629 = arith.muli %scan3A_627, %mul3A_628 : i32
        %add3A_630 = arith.constant 0 : i32
        %add3A_631 = arith.addi %add3A_630, %mul3A_629 : i32
        %get3A = arith.index_cast %add3A_631 : i32 to index
        %get3A_632 = arith.constant 0 : index
        %get3A_633 = tpu.vector_load %arg8[%get3A, %get3A_632] {strides = array<i32>} : memref<200x32xf32, #tpu.memory_space<vmem>>, vector<1x16xf32>,
        %get3A_634 = vector.shape_cast %get3A_633 : vector<1x16xf32> to vector<16xf32>
        %get3A_635 = arith.index_cast %add3A_631 : i32 to index
        %get3A_636 = arith.constant 16 : index
        %get3A_637 = tpu.vector_load %arg8[%get3A_635, %get3A_636] {strides = array<i32>} : memref<200x32xf32, #tpu.memory_space<vmem>>, vector<1x16xf32>,
        %get3A_638 = vector.shape_cast %get3A_637 : vector<1x16xf32> to vector<16xf32>
        %swap3A = arith.constant 2 : i32
        %swap3A_639 = arith.constant 0 : i32
        %swap3A_640 = arith.index_cast %swap3A : i32 to index
        %swap3A_641 = arith.index_cast %swap3A_639 : i32 to index
        %swap3A_642 = arith.index_cast %add3A_631 : i32 to index
        %swap3A_643 = arith.constant 0 : index
        %swap3A_644 = tpu.vector_load %arg7[%swap3A_640, %swap3A_641, %swap3A_642, %swap3A_643] {strides = array<i32>} : memref<3x4x200x32xf32, #tpu.memory_space<vmem>>, vector<1x1x1x16xf32>,
        %swap3A_645 = vector.shape_cast %swap3A_644 : vector<1x1x1x16xf32> to vector<16xf32>
        %swap3A_646 = vector.shape_cast %get3A_634 : vector<16xf32> to vector<1x1x1x16xf32>
        tpu.vector_store %arg7[%swap3A_640, %swap3A_641, %swap3A_642, %swap3A_643], %swap3A_646 {add = true, strides = array<i32>} : memref<3x4x200x32xf32, #tpu.memory_space<vmem>>, vector<1x1x1x16xf32>,
        %swap3A_647 = arith.constant 2 : i32
        %swap3A_648 = arith.constant 0 : i32
        %swap3A_649 = arith.index_cast %swap3A_647 : i32 to index
        %swap3A_650 = arith.index_cast %swap3A_648 : i32 to index
        %swap3A_651 = arith.index_cast %add3A_631 : i32 to index
        %swap3A_652 = arith.constant 16 : index
        %swap3A_653 = tpu.vector_load %arg7[%swap3A_649, %swap3A_650, %swap3A_651, %swap3A_652] {strides = array<i32>} : memref<3x4x200x32xf32, #tpu.memory_space<vmem>>, vector<1x1x1x16xf32>,
        %swap3A_654 = vector.shape_cast %swap3A_653 : vector<1x1x1x16xf32> to vector<16xf32>
        %swap3A_655 = vector.shape_cast %get3A_638 : vector<16xf32> to vector<1x1x1x16xf32>
        tpu.vector_store %arg7[%swap3A_649, %swap3A_650, %swap3A_651, %swap3A_652], %swap3A_655 {add = true, strides = array<i32>} : memref<3x4x200x32xf32, #tpu.memory_space<vmem>>, vector<1x1x1x16xf32>,
        %swap3A_656 = arith.constant 2 : i32
        %swap3A_657 = arith.constant 1 : i32
        %swap3A_658 = arith.index_cast %swap3A_656 : i32 to index
        %swap3A_659 = arith.index_cast %swap3A_657 : i32 to index
        %swap3A_660 = arith.index_cast %add3A_631 : i32 to index
        %swap3A_661 = arith.constant 0 : index
        %swap3A_662 = tpu.vector_load %arg7[%swap3A_658, %swap3A_659, %swap3A_660, %swap3A_661] {strides = array<i32>} : memref<3x4x200x32xf32, #tpu.memory_space<vmem>>, vector<1x1x1x16xf32>,
        %swap3A_663 = vector.shape_cast %swap3A_662 : vector<1x1x1x16xf32> to vector<16xf32>
        %swap3A_664 = vector.shape_cast %get3A_634 : vector<16xf32> to vector<1x1x1x16xf32>
        tpu.vector_store %arg7[%swap3A_658, %swap3A_659, %swap3A_660, %swap3A_661], %swap3A_664 {add = true, strides = array<i32>} : memref<3x4x200x32xf32, #tpu.memory_space<vmem>>, vector<1x1x1x16xf32>,
        %swap3A_665 = arith.constant 2 : i32
        %swap3A_666 = arith.constant 1 : i32
        %swap3A_667 = arith.index_cast %swap3A_665 : i32 to index
        %swap3A_668 = arith.index_cast %swap3A_666 : i32 to index
        %swap3A_669 = arith.index_cast %add3A_631 : i32 to index
        %swap3A_670 = arith.constant 16 : index
        %swap3A_671 = tpu.vector_load %arg7[%swap3A_667, %swap3A_668, %swap3A_669, %swap3A_670] {strides = array<i32>} : memref<3x4x200x32xf32, #tpu.memory_space<vmem>>, vector<1x1x1x16xf32>,
        %swap3A_672 = vector.shape_cast %swap3A_671 : vector<1x1x1x16xf32> to vector<16xf32>
        %swap3A_673 = vector.shape_cast %get3A_638 : vector<16xf32> to vector<1x1x1x16xf32>
        tpu.vector_store %arg7[%swap3A_667, %swap3A_668, %swap3A_669, %swap3A_670], %swap3A_673 {add = true, strides = array<i32>} : memref<3x4x200x32xf32, #tpu.memory_space<vmem>>, vector<1x1x1x16xf32>,
        %swap3A_674 = arith.constant 2 : i32
        %swap3A_675 = arith.constant 2 : i32
        %swap3A_676 = arith.index_cast %swap3A_674 : i32 to index
        %swap3A_677 = arith.index_cast %swap3A_675 : i32 to index
        %swap3A_678 = arith.index_cast %add3A_631 : i32 to index
        %swap3A_679 = arith.constant 0 : index
        %swap3A_680 = tpu.vector_load %arg7[%swap3A_676, %swap3A_677, %swap3A_678, %swap3A_679] {strides = array<i32>} : memref<3x4x200x32xf32, #tpu.memory_space<vmem>>, vector<1x1x1x16xf32>,
        %swap3A_681 = vector.shape_cast %swap3A_680 : vector<1x1x1x16xf32> to vector<16xf32>
        %swap3A_682 = vector.shape_cast %get3A_634 : vector<16xf32> to vector<1x1x1x16xf32>
        tpu.vector_store %arg7[%swap3A_676, %swap3A_677, %swap3A_678, %swap3A_679], %swap3A_682 {add = true, strides = array<i32>} : memref<3x4x200x32xf32, #tpu.memory_space<vmem>>, vector<1x1x1x16xf32>,
        %swap3A_683 = arith.constant 2 : i32
        %swap3A_684 = arith.constant 2 : i32
        %swap3A_685 = arith.index_cast %swap3A_683 : i32 to index
        %swap3A_686 = arith.index_cast %swap3A_684 : i32 to index
        %swap3A_687 = arith.index_cast %add3A_631 : i32 to index
        %swap3A_688 = arith.constant 16 : index
        %swap3A_689 = tpu.vector_load %arg7[%swap3A_685, %swap3A_686, %swap3A_687, %swap3A_688] {strides = array<i32>} : memref<3x4x200x32xf32, #tpu.memory_space<vmem>>, vector<1x1x1x16xf32>,
        %swap3A_690 = vector.shape_cast %swap3A_689 : vector<1x1x1x16xf32> to vector<16xf32>
        %swap3A_691 = vector.shape_cast %get3A_638 : vector<16xf32> to vector<1x1x1x16xf32>
        tpu.vector_store %arg7[%swap3A_685, %swap3A_686, %swap3A_687, %swap3A_688], %swap3A_691 {add = true, strides = array<i32>} : memref<3x4x200x32xf32, #tpu.memory_space<vmem>>, vector<1x1x1x16xf32>,
        %swap3A_692 = arith.constant 2 : i32
        %swap3A_693 = arith.constant 3 : i32
        %swap3A_694 = arith.index_cast %swap3A_692 : i32 to index
        %swap3A_695 = arith.index_cast %swap3A_693 : i32 to index
        %swap3A_696 = arith.index_cast %add3A_631 : i32 to index
        %swap3A_697 = arith.constant 0 : index
        %swap3A_698 = tpu.vector_load %arg7[%swap3A_694, %swap3A_695, %swap3A_696, %swap3A_697] {strides = array<i32>} : memref<3x4x200x32xf32, #tpu.memory_space<vmem>>, vector<1x1x1x16xf32>,
        %swap3A_699 = vector.shape_cast %swap3A_698 : vector<1x1x1x16xf32> to vector<16xf32>
        %swap3A_700 = vector.shape_cast %get3A_634 : vector<16xf32> to vector<1x1x1x16xf32>
        tpu.vector_store %arg7[%swap3A_694, %swap3A_695, %swap3A_696, %swap3A_697], %swap3A_700 {add = true, strides = array<i32>} : memref<3x4x200x32xf32, #tpu.memory_space<vmem>>, vector<1x1x1x16xf32>,
        %swap3A_701 = arith.constant 2 : i32
        %swap3A_702 = arith.constant 3 : i32
        %swap3A_703 = arith.index_cast %swap3A_701 : i32 to index
        %swap3A_704 = arith.index_cast %swap3A_702 : i32 to index
        %swap3A_705 = arith.index_cast %add3A_631 : i32 to index
        %swap3A_706 = arith.constant 16 : index
        %swap3A_707 = tpu.vector_load %arg7[%swap3A_703, %swap3A_704, %swap3A_705, %swap3A_706] {strides = array<i32>} : memref<3x4x200x32xf32, #tpu.memory_space<vmem>>, vector<1x1x1x16xf32>,
        %swap3A_708 = vector.shape_cast %swap3A_707 : vector<1x1x1x16xf32> to vector<16xf32>
        %swap3A_709 = vector.shape_cast %get3A_638 : vector<16xf32> to vector<1x1x1x16xf32>
        tpu.vector_store %arg7[%swap3A_703, %swap3A_704, %swap3A_705, %swap3A_706], %swap3A_709 {add = true, strides = array<i32>} : memref<3x4x200x32xf32, #tpu.memory_space<vmem>>, vector<1x1x1x16xf32>,
      }
      %scan3A_597 = arith.constant 200 : i32
      %mul3A_598 = arith.constant 4 : i32
      %mul3A_599 = arith.muli %add3A_573, %mul3A_598 : i32
      %add3A_600 = arith.addi %mul3A_2, %mul3A_599 : i32
      %dma_start3A_601 = arith.constant 2 : i32
      %dma_start3A_602 = arith.constant 0 : i32
      %dma_start3A_603 = arith.constant 0 : i32
      %dma_start3A_604 = arith.constant 0 : i32
      %dma_start3A_605 = tpu.memref_slice %arg7[%dma_start3A_601, %dma_start3A_602, %dma_start3A_603, %dma_start3A_604] : memref<3x4x200x32xf32, #tpu.memory_space<vmem>> -> memref<1x4x200x32xf32, #tpu.memory_space<vmem>>
      %dma_start3A_606 = tpu.memref_squeeze %dma_start3A_605 : memref<1x4x200x32xf32, #tpu.memory_space<vmem>> -> memref<4x200x32xf32, #tpu.memory_space<vmem>>
      %dma_start3A_607 = arith.constant 0 : i32
      %dma_start3A_608 = arith.constant 0 : i32
      %dma_start3A_609 = tpu.memref_slice %arg5[%add3A_600, %dma_start3A_607, %dma_start3A_608] : memref<4096x200x32xf32, #tpu.memory_space<hbm>> -> memref<4x200x32xf32, #tpu.memory_space<hbm>>
      %dma_start3A_610 = arith.constant 0 : i32
      %dma_start3A_611 = arith.constant 0 : i32
      %dma_start3A_612 = tpu.memref_slice %arg5[%add3A_600, %dma_start3A_610, %dma_start3A_611] : memref<4096x200x32xf32, #tpu.memory_space<hbm>> -> memref<4x200x32xf32, #tpu.memory_space<hbm>>
      %dma_start3A_613 = arith.constant 0 : i32
      %dma_start3A_614 = arith.constant 0 : i32
      %dma_start3A_615 = arith.constant 0 : i32
      %dma_start3A_616 = tpu.memref_slice %arg7[%dma_start3A_601, %dma_start3A_613, %dma_start3A_614, %dma_start3A_615] : memref<3x4x200x32xf32, #tpu.memory_space<vmem>> -> memref<1x4x200x32xf32, #tpu.memory_space<vmem>>
      %dma_start3A_617 = tpu.memref_squeeze %dma_start3A_616 : memref<1x4x200x32xf32, #tpu.memory_space<vmem>> -> memref<4x200x32xf32, #tpu.memory_space<vmem>>
      tpu.enqueue_dma source(%dma_start3A_617 : memref<4x200x32xf32, #tpu.memory_space<vmem>>) target(%dma_start3A_612 : memref<4x200x32xf32, #tpu.memory_space<hbm>>) target_semaphore(%arg14 : memref<!tpu.dma_semaphore, #tpu.memory_space<semaphore_mem>>)
      %add3A_618 = arith.constant 2 : i32
      %add3A_619 = arith.addi %add3A_464, %add3A_618 : i32
      %add3A_620 = arith.constant 3 : i32
      %add3A_621 = arith.addi %add3A_619, %add3A_620 : i32
      %lt3A_622 = arith.constant 32 : i32
      %lt3A_623 = arith.cmpi slt, %add3A_621, %lt3A_622 : i32
      %convert_element_type3A_624 = arith.extui %lt3A_623 : i1 to i32
      %cond3A_625 = arith.constant 0 : i32
      %cond3A_626 = arith.cmpi ne, %convert_element_type3A_624, %cond3A_625 : i32
      scf.if %cond3A_626 {
        %add3A_627 = arith.constant 2 : i32
        %add3A_628 = arith.addi %add3A_464, %add3A_627 : i32
        %add3A_629 = arith.constant 3 : i32
        %add3A_630 = arith.addi %add3A_628, %add3A_629 : i32
        %dma_wait3A_631 = arith.constant 2 : i32
        %dma_wait3A_632 = arith.constant 0 : i32
        %dma_wait3A_633 = arith.constant 0 : i32
        %dma_wait3A_634 = arith.constant 0 : i32
        %dma_wait3A_635 = tpu.memref_slice %arg7[%dma_wait3A_631, %dma_wait3A_632, %dma_wait3A_633, %dma_wait3A_634] : memref<3x4x200x32xf32, #tpu.memory_space<vmem>> -> memref<1x4x200x32xf32, #tpu.memory_space<vmem>>
        %dma_wait3A_636 = tpu.memref_squeeze %dma_wait3A_635 : memref<1x4x200x32xf32, #tpu.memory_space<vmem>> -> memref<4x200x32xf32, #tpu.memory_space<vmem>>
        %dma_wait3A_637 = arith.constant 0 : i32
        %dma_wait3A_638 = arith.constant 0 : i32
        %dma_wait3A_639 = arith.constant 0 : i32
        %dma_wait3A_640 = tpu.memref_slice %arg5[%dma_wait3A_637, %dma_wait3A_638, %dma_wait3A_639] : memref<4096x200x32xf32, #tpu.memory_space<hbm>> -> memref<4x200x32xf32, #tpu.memory_space<hbm>>
        %dma_wait3A_641 = arith.constant 0 : i32
        %dma_wait3A_642 = arith.constant 0 : i32
        %dma_wait3A_643 = arith.constant 0 : i32
        %dma_wait3A_644 = tpu.memref_slice %arg5[%dma_wait3A_641, %dma_wait3A_642, %dma_wait3A_643] : memref<4096x200x32xf32, #tpu.memory_space<hbm>> -> memref<4x200x32xf32, #tpu.memory_space<hbm>>
        %dma_wait3A_645 = arith.constant 0 : i32
        %dma_wait3A_646 = arith.constant 0 : i32
        %dma_wait3A_647 = arith.constant 0 : i32
        %dma_wait3A_648 = tpu.memref_slice %arg7[%dma_wait3A_631, %dma_wait3A_645, %dma_wait3A_646, %dma_wait3A_647] : memref<3x4x200x32xf32, #tpu.memory_space<vmem>> -> memref<1x4x200x32xf32, #tpu.memory_space<vmem>>
        %dma_wait3A_649 = tpu.memref_squeeze %dma_wait3A_648 : memref<1x4x200x32xf32, #tpu.memory_space<vmem>> -> memref<4x200x32xf32, #tpu.memory_space<vmem>>
        tpu.wait_dma2 semaphore(%arg14 : memref<!tpu.dma_semaphore, #tpu.memory_space<semaphore_mem>>) src(%dma_wait3A_649 : memref<4x200x32xf32, #tpu.memory_space<vmem>>) dst(%dma_wait3A_644 : memref<4x200x32xf32, #tpu.memory_space<hbm>>)
        %mul3A_650 = arith.constant 4 : i32
        %mul3A_651 = arith.muli %add3A_630, %mul3A_650 : i32
        %add3A_652 = arith.constant 0 : i32
        %add3A_653 = arith.addi %mul3A_651, %add3A_652 : i32
        %dma_start3A_654 = arith.constant 2 : i32
        %dma_start3A_655 = arith.constant 0 : i32
        %dma_start3A_656 = arith.constant 0 : i32
        %dma_start3A_657 = arith.constant 0 : i32
        %dma_start3A_658 = tpu.memref_slice %arg7[%dma_start3A_654, %dma_start3A_655, %dma_start3A_656, %dma_start3A_657] : memref<3x4x200x32xf32, #tpu.memory_space<vmem>> -> memref<1x1x96x32xf32, #tpu.memory_space<vmem>>
        %dma_start3A_659 = tpu.memref_squeeze %dma_start3A_658 : memref<1x1x96x32xf32, #tpu.memory_space<vmem>> -> memref<96x32xf32, #tpu.memory_space<vmem>>
        %dma_start3A_660 = arith.constant 0 : i32
        %dma_start3A_661 = tpu.memref_slice %arg6[%add3A_653, %dma_start3A_660] : memref<128x200xi32, #tpu.memory_space<vmem>> -> memref<1x96xi32, #tpu.memory_space<vmem>>
        %dma_start3A_662 = tpu.memref_squeeze %dma_start3A_661 : memref<1x96xi32, #tpu.memory_space<vmem>> -> memref<96xi32, #tpu.memory_space<vmem>>
        %dma_start3A_663 = arith.constant 0 : i32
        %dma_start3A_664 = arith.constant 0 : i32
        %dma_start3A_665 = tpu.memref_slice %arg3[%dma_start3A_663, %dma_start3A_664] : memref<1000000x32xf32, #tpu.memory_space<hbm>> -> memref<1000000x32xf32, #tpu.memory_space<hbm>>
        tpu.enqueue_indirect_dma source(%dma_start3A_665 : memref<1000000x32xf32, #tpu.memory_space<hbm>>) target(%dma_start3A_659 : memref<96x32xf32, #tpu.memory_space<vmem>>) offsets(%dma_start3A_662 : memref<96xi32, #tpu.memory_space<vmem>>) semaphore(%arg11 : memref<!tpu.dma_semaphore, #tpu.memory_space<semaphore_mem>>)
        %mul3A_666 = arith.constant 4 : i32
        %mul3A_667 = arith.muli %add3A_630, %mul3A_666 : i32
        %add3A_668 = arith.constant 0 : i32
        %add3A_669 = arith.addi %mul3A_667, %add3A_668 : i32
        %dma_start3A_670 = arith.constant 2 : i32
        %dma_start3A_671 = arith.constant 0 : i32
        %dma_start3A_672 = arith.constant 96 : i32
        %dma_start3A_673 = arith.constant 0 : i32
        %dma_start3A_674 = tpu.memref_slice %arg7[%dma_start3A_670, %dma_start3A_671, %dma_start3A_672, %dma_start3A_673] : memref<3x4x200x32xf32, #tpu.memory_space<vmem>> -> memref<1x1x104x32xf32, #tpu.memory_space<vmem>>
        %dma_start3A_675 = tpu.memref_squeeze %dma_start3A_674 : memref<1x1x104x32xf32, #tpu.memory_space<vmem>> -> memref<104x32xf32, #tpu.memory_space<vmem>>
        %dma_start3A_676 = arith.constant 96 : i32
        %dma_start3A_677 = tpu.memref_slice %arg6[%add3A_669, %dma_start3A_676] : memref<128x200xi32, #tpu.memory_space<vmem>> -> memref<1x104xi32, #tpu.memory_space<vmem>>
        %dma_start3A_678 = tpu.memref_squeeze %dma_start3A_677 : memref<1x104xi32, #tpu.memory_space<vmem>> -> memref<104xi32, #tpu.memory_space<vmem>>
        %dma_start3A_679 = arith.constant 0 : i32
        %dma_start3A_680 = arith.constant 0 : i32
        %dma_start3A_681 = tpu.memref_slice %arg3[%dma_start3A_679, %dma_start3A_680] : memref<1000000x32xf32, #tpu.memory_space<hbm>> -> memref<1000000x32xf32, #tpu.memory_space<hbm>>
        tpu.enqueue_indirect_dma source(%dma_start3A_681 : memref<1000000x32xf32, #tpu.memory_space<hbm>>) target(%dma_start3A_675 : memref<104x32xf32, #tpu.memory_space<vmem>>) offsets(%dma_start3A_678 : memref<104xi32, #tpu.memory_space<vmem>>) semaphore(%arg11 : memref<!tpu.dma_semaphore, #tpu.memory_space<semaphore_mem>>)
        %mul3A_682 = arith.constant 4 : i32
        %mul3A_683 = arith.muli %add3A_630, %mul3A_682 : i32
        %add3A_684 = arith.constant 1 : i32
        %add3A_685 = arith.addi %mul3A_683, %add3A_684 : i32
        %dma_start3A_686 = arith.constant 2 : i32
        %dma_start3A_687 = arith.constant 1 : i32
        %dma_start3A_688 = arith.constant 0 : i32
        %dma_start3A_689 = arith.constant 0 : i32
        %dma_start3A_690 = tpu.memref_slice %arg7[%dma_start3A_686, %dma_start3A_687, %dma_start3A_688, %dma_start3A_689] : memref<3x4x200x32xf32, #tpu.memory_space<vmem>> -> memref<1x1x96x32xf32, #tpu.memory_space<vmem>>
        %dma_start3A_691 = tpu.memref_squeeze %dma_start3A_690 : memref<1x1x96x32xf32, #tpu.memory_space<vmem>> -> memref<96x32xf32, #tpu.memory_space<vmem>>
        %dma_start3A_692 = arith.constant 0 : i32
        %dma_start3A_693 = tpu.memref_slice %arg6[%add3A_685, %dma_start3A_692] : memref<128x200xi32, #tpu.memory_space<vmem>> -> memref<1x96xi32, #tpu.memory_space<vmem>>
        %dma_start3A_694 = tpu.memref_squeeze %dma_start3A_693 : memref<1x96xi32, #tpu.memory_space<vmem>> -> memref<96xi32, #tpu.memory_space<vmem>>
        %dma_start3A_695 = arith.constant 0 : i32
        %dma_start3A_696 = arith.constant 0 : i32
        %dma_start3A_697 = tpu.memref_slice %arg3[%dma_start3A_695, %dma_start3A_696] : memref<1000000x32xf32, #tpu.memory_space<hbm>> -> memref<1000000x32xf32, #tpu.memory_space<hbm>>
        tpu.enqueue_indirect_dma source(%dma_start3A_697 : memref<1000000x32xf32, #tpu.memory_space<hbm>>) target(%dma_start3A_691 : memref<96x32xf32, #tpu.memory_space<vmem>>) offsets(%dma_start3A_694 : memref<96xi32, #tpu.memory_space<vmem>>) semaphore(%arg11 : memref<!tpu.dma_semaphore, #tpu.memory_space<semaphore_mem>>)
        %mul3A_698 = arith.constant 4 : i32
        %mul3A_699 = arith.muli %add3A_630, %mul3A_698 : i32
        %add3A_700 = arith.constant 1 : i32
        %add3A_701 = arith.addi %mul3A_699, %add3A_700 : i32
        %dma_start3A_702 = arith.constant 2 : i32
        %dma_start3A_703 = arith.constant 1 : i32
        %dma_start3A_704 = arith.constant 96 : i32
        %dma_start3A_705 = arith.constant 0 : i32
        %dma_start3A_706 = tpu.memref_slice %arg7[%dma_start3A_702, %dma_start3A_703, %dma_start3A_704, %dma_start3A_705] : memref<3x4x200x32xf32, #tpu.memory_space<vmem>> -> memref<1x1x104x32xf32, #tpu.memory_space<vmem>>
        %dma_start3A_707 = tpu.memref_squeeze %dma_start3A_706 : memref<1x1x104x32xf32, #tpu.memory_space<vmem>> -> memref<104x32xf32, #tpu.memory_space<vmem>>
        %dma_start3A_708 = arith.constant 96 : i32
        %dma_start3A_709 = tpu.memref_slice %arg6[%add3A_701, %dma_start3A_708] : memref<128x200xi32, #tpu.memory_space<vmem>> -> memref<1x104xi32, #tpu.memory_space<vmem>>
        %dma_start3A_710 = tpu.memref_squeeze %dma_start3A_709 : memref<1x104xi32, #tpu.memory_space<vmem>> -> memref<104xi32, #tpu.memory_space<vmem>>
        %dma_start3A_711 = arith.constant 0 : i32
        %dma_start3A_712 = arith.constant 0 : i32
        %dma_start3A_713 = tpu.memref_slice %arg3[%dma_start3A_711, %dma_start3A_712] : memref<1000000x32xf32, #tpu.memory_space<hbm>> -> memref<1000000x32xf32, #tpu.memory_space<hbm>>
        tpu.enqueue_indirect_dma source(%dma_start3A_713 : memref<1000000x32xf32, #tpu.memory_space<hbm>>) target(%dma_start3A_707 : memref<104x32xf32, #tpu.memory_space<vmem>>) offsets(%dma_start3A_710 : memref<104xi32, #tpu.memory_space<vmem>>) semaphore(%arg11 : memref<!tpu.dma_semaphore, #tpu.memory_space<semaphore_mem>>)
        %mul3A_714 = arith.constant 4 : i32
        %mul3A_715 = arith.muli %add3A_630, %mul3A_714 : i32
        %add3A_716 = arith.constant 2 : i32
        %add3A_717 = arith.addi %mul3A_715, %add3A_716 : i32
        %dma_start3A_718 = arith.constant 2 : i32
        %dma_start3A_719 = arith.constant 2 : i32
        %dma_start3A_720 = arith.constant 0 : i32
        %dma_start3A_721 = arith.constant 0 : i32
        %dma_start3A_722 = tpu.memref_slice %arg7[%dma_start3A_718, %dma_start3A_719, %dma_start3A_720, %dma_start3A_721] : memref<3x4x200x32xf32, #tpu.memory_space<vmem>> -> memref<1x1x96x32xf32, #tpu.memory_space<vmem>>
        %dma_start3A_723 = tpu.memref_squeeze %dma_start3A_722 : memref<1x1x96x32xf32, #tpu.memory_space<vmem>> -> memref<96x32xf32, #tpu.memory_space<vmem>>
        %dma_start3A_724 = arith.constant 0 : i32
        %dma_start3A_725 = tpu.memref_slice %arg6[%add3A_717, %dma_start3A_724] : memref<128x200xi32, #tpu.memory_space<vmem>> -> memref<1x96xi32, #tpu.memory_space<vmem>>
        %dma_start3A_726 = tpu.memref_squeeze %dma_start3A_725 : memref<1x96xi32, #tpu.memory_space<vmem>> -> memref<96xi32, #tpu.memory_space<vmem>>
        %dma_start3A_727 = arith.constant 0 : i32
        %dma_start3A_728 = arith.constant 0 : i32
        %dma_start3A_729 = tpu.memref_slice %arg3[%dma_start3A_727, %dma_start3A_728] : memref<1000000x32xf32, #tpu.memory_space<hbm>> -> memref<1000000x32xf32, #tpu.memory_space<hbm>>
        tpu.enqueue_indirect_dma source(%dma_start3A_729 : memref<1000000x32xf32, #tpu.memory_space<hbm>>) target(%dma_start3A_723 : memref<96x32xf32, #tpu.memory_space<vmem>>) offsets(%dma_start3A_726 : memref<96xi32, #tpu.memory_space<vmem>>) semaphore(%arg11 : memref<!tpu.dma_semaphore, #tpu.memory_space<semaphore_mem>>)
        %mul3A_730 = arith.constant 4 : i32
        %mul3A_731 = arith.muli %add3A_630, %mul3A_730 : i32
        %add3A_732 = arith.constant 2 : i32
        %add3A_733 = arith.addi %mul3A_731, %add3A_732 : i32
        %dma_start3A_734 = arith.constant 2 : i32
        %dma_start3A_735 = arith.constant 2 : i32
        %dma_start3A_736 = arith.constant 96 : i32
        %dma_start3A_737 = arith.constant 0 : i32
        %dma_start3A_738 = tpu.memref_slice %arg7[%dma_start3A_734, %dma_start3A_735, %dma_start3A_736, %dma_start3A_737] : memref<3x4x200x32xf32, #tpu.memory_space<vmem>> -> memref<1x1x104x32xf32, #tpu.memory_space<vmem>>
        %dma_start3A_739 = tpu.memref_squeeze %dma_start3A_738 : memref<1x1x104x32xf32, #tpu.memory_space<vmem>> -> memref<104x32xf32, #tpu.memory_space<vmem>>
        %dma_start3A_740 = arith.constant 96 : i32
        %dma_start3A_741 = tpu.memref_slice %arg6[%add3A_733, %dma_start3A_740] : memref<128x200xi32, #tpu.memory_space<vmem>> -> memref<1x104xi32, #tpu.memory_space<vmem>>
        %dma_start3A_742 = tpu.memref_squeeze %dma_start3A_741 : memref<1x104xi32, #tpu.memory_space<vmem>> -> memref<104xi32, #tpu.memory_space<vmem>>
        %dma_start3A_743 = arith.constant 0 : i32
        %dma_start3A_744 = arith.constant 0 : i32
        %dma_start3A_745 = tpu.memref_slice %arg3[%dma_start3A_743, %dma_start3A_744] : memref<1000000x32xf32, #tpu.memory_space<hbm>> -> memref<1000000x32xf32, #tpu.memory_space<hbm>>
        tpu.enqueue_indirect_dma source(%dma_start3A_745 : memref<1000000x32xf32, #tpu.memory_space<hbm>>) target(%dma_start3A_739 : memref<104x32xf32, #tpu.memory_space<vmem>>) offsets(%dma_start3A_742 : memref<104xi32, #tpu.memory_space<vmem>>) semaphore(%arg11 : memref<!tpu.dma_semaphore, #tpu.memory_space<semaphore_mem>>)
        %mul3A_746 = arith.constant 4 : i32
        %mul3A_747 = arith.muli %add3A_630, %mul3A_746 : i32
        %add3A_748 = arith.constant 3 : i32
        %add3A_749 = arith.addi %mul3A_747, %add3A_748 : i32
        %dma_start3A_750 = arith.constant 2 : i32
        %dma_start3A_751 = arith.constant 3 : i32
        %dma_start3A_752 = arith.constant 0 : i32
        %dma_start3A_753 = arith.constant 0 : i32
        %dma_start3A_754 = tpu.memref_slice %arg7[%dma_start3A_750, %dma_start3A_751, %dma_start3A_752, %dma_start3A_753] : memref<3x4x200x32xf32, #tpu.memory_space<vmem>> -> memref<1x1x96x32xf32, #tpu.memory_space<vmem>>
        %dma_start3A_755 = tpu.memref_squeeze %dma_start3A_754 : memref<1x1x96x32xf32, #tpu.memory_space<vmem>> -> memref<96x32xf32, #tpu.memory_space<vmem>>
        %dma_start3A_756 = arith.constant 0 : i32
        %dma_start3A_757 = tpu.memref_slice %arg6[%add3A_749, %dma_start3A_756] : memref<128x200xi32, #tpu.memory_space<vmem>> -> memref<1x96xi32, #tpu.memory_space<vmem>>
        %dma_start3A_758 = tpu.memref_squeeze %dma_start3A_757 : memref<1x96xi32, #tpu.memory_space<vmem>> -> memref<96xi32, #tpu.memory_space<vmem>>
        %dma_start3A_759 = arith.constant 0 : i32
        %dma_start3A_760 = arith.constant 0 : i32
        %dma_start3A_761 = tpu.memref_slice %arg3[%dma_start3A_759, %dma_start3A_760] : memref<1000000x32xf32, #tpu.memory_space<hbm>> -> memref<1000000x32xf32, #tpu.memory_space<hbm>>
        tpu.enqueue_indirect_dma source(%dma_start3A_761 : memref<1000000x32xf32, #tpu.memory_space<hbm>>) target(%dma_start3A_755 : memref<96x32xf32, #tpu.memory_space<vmem>>) offsets(%dma_start3A_758 : memref<96xi32, #tpu.memory_space<vmem>>) semaphore(%arg11 : memref<!tpu.dma_semaphore, #tpu.memory_space<semaphore_mem>>)
        %mul3A_762 = arith.constant 4 : i32
        %mul3A_763 = arith.muli %add3A_630, %mul3A_762 : i32
        %add3A_764 = arith.constant 3 : i32
        %add3A_765 = arith.addi %mul3A_763, %add3A_764 : i32
        %dma_start3A_766 = arith.constant 2 : i32
        %dma_start3A_767 = arith.constant 3 : i32
        %dma_start3A_768 = arith.constant 96 : i32
        %dma_start3A_769 = arith.constant 0 : i32
        %dma_start3A_770 = tpu.memref_slice %arg7[%dma_start3A_766, %dma_start3A_767, %dma_start3A_768, %dma_start3A_769] : memref<3x4x200x32xf32, #tpu.memory_space<vmem>> -> memref<1x1x104x32xf32, #tpu.memory_space<vmem>>
        %dma_start3A_771 = tpu.memref_squeeze %dma_start3A_770 : memref<1x1x104x32xf32, #tpu.memory_space<vmem>> -> memref<104x32xf32, #tpu.memory_space<vmem>>
        %dma_start3A_772 = arith.constant 96 : i32
        %dma_start3A_773 = tpu.memref_slice %arg6[%add3A_765, %dma_start3A_772] : memref<128x200xi32, #tpu.memory_space<vmem>> -> memref<1x104xi32, #tpu.memory_space<vmem>>
        %dma_start3A_774 = tpu.memref_squeeze %dma_start3A_773 : memref<1x104xi32, #tpu.memory_space<vmem>> -> memref<104xi32, #tpu.memory_space<vmem>>
        %dma_start3A_775 = arith.constant 0 : i32
        %dma_start3A_776 = arith.constant 0 : i32
        %dma_start3A_777 = tpu.memref_slice %arg3[%dma_start3A_775, %dma_start3A_776] : memref<1000000x32xf32, #tpu.memory_space<hbm>> -> memref<1000000x32xf32, #tpu.memory_space<hbm>>
        tpu.enqueue_indirect_dma source(%dma_start3A_777 : memref<1000000x32xf32, #tpu.memory_space<hbm>>) target(%dma_start3A_771 : memref<104x32xf32, #tpu.memory_space<vmem>>) offsets(%dma_start3A_774 : memref<104xi32, #tpu.memory_space<vmem>>) semaphore(%arg11 : memref<!tpu.dma_semaphore, #tpu.memory_space<semaphore_mem>>)
      } else {
      }
    }
    %scan3A_317 = arith.constant 10 : i32
    %dma_wait3A = arith.constant 0 : i32
    %dma_wait3A_318 = arith.constant 0 : i32
    %dma_wait3A_319 = arith.constant 0 : i32
    %dma_wait3A_320 = arith.constant 0 : i32
    %dma_wait3A_321 = tpu.memref_slice %arg7[%dma_wait3A, %dma_wait3A_318, %dma_wait3A_319, %dma_wait3A_320] : memref<3x4x200x32xf32, #tpu.memory_space<vmem>> -> memref<1x4x200x32xf32, #tpu.memory_space<vmem>>
    %dma_wait3A_322 = tpu.memref_squeeze %dma_wait3A_321 : memref<1x4x200x32xf32, #tpu.memory_space<vmem>> -> memref<4x200x32xf32, #tpu.memory_space<vmem>>
    %dma_wait3A_323 = arith.constant 0 : i32
    %dma_wait3A_324 = arith.constant 0 : i32
    %dma_wait3A_325 = arith.constant 0 : i32
    %dma_wait3A_326 = tpu.memref_slice %arg5[%dma_wait3A_323, %dma_wait3A_324, %dma_wait3A_325] : memref<4096x200x32xf32, #tpu.memory_space<hbm>> -> memref<4x200x32xf32, #tpu.memory_space<hbm>>
    %dma_wait3A_327 = arith.constant 0 : i32
    %dma_wait3A_328 = arith.constant 0 : i32
    %dma_wait3A_329 = arith.constant 0 : i32
    %dma_wait3A_330 = tpu.memref_slice %arg7[%dma_wait3A, %dma_wait3A_327, %dma_wait3A_328, %dma_wait3A_329] : memref<3x4x200x32xf32, #tpu.memory_space<vmem>> -> memref<1x4x200x32xf32, #tpu.memory_space<vmem>>
    %dma_wait3A_331 = tpu.memref_squeeze %dma_wait3A_330 : memref<1x4x200x32xf32, #tpu.memory_space<vmem>> -> memref<4x200x32xf32, #tpu.memory_space<vmem>>
    %dma_wait3A_332 = arith.constant 0 : i32
    %dma_wait3A_333 = arith.constant 0 : i32
    %dma_wait3A_334 = arith.constant 0 : i32
    %dma_wait3A_335 = tpu.memref_slice %arg5[%dma_wait3A_332, %dma_wait3A_333, %dma_wait3A_334] : memref<4096x200x32xf32, #tpu.memory_space<hbm>> -> memref<4x200x32xf32, #tpu.memory_space<hbm>>
    tpu.wait_dma2 semaphore(%arg9 : memref<!tpu.dma_semaphore, #tpu.memory_space<semaphore_mem>>) src(%dma_wait3A_335 : memref<4x200x32xf32, #tpu.memory_space<hbm>>) dst(%dma_wait3A_331 : memref<4x200x32xf32, #tpu.memory_space<vmem>>)
    %scan3A_336 = arith.constant 0 : i32
    %scan3A_337 = arith.constant 200 : i32
    %scan3A_338 = arith.addi %scan3A_336, %scan3A_337 : i32
    %scan3A_339 = arith.constant 1 : i32
    scf.for %scan3A_460 = %scan3A_336 to %scan3A_338 step %scan3A_339  : i32 {
      %mul3A_461 = arith.constant 1 : i32
      %mul3A_462 = arith.muli %scan3A_460, %mul3A_461 : i32
      %add3A_463 = arith.constant 0 : i32
      %add3A_464 = arith.addi %add3A_463, %mul3A_462 : i32
      %get3A = arith.index_cast %add3A_464 : i32 to index
      %get3A_465 = arith.constant 0 : index
      %get3A_466 = tpu.vector_load %arg8[%get3A, %get3A_465] {strides = array<i32>} : memref<200x32xf32, #tpu.memory_space<vmem>>, vector<1x16xf32>,
      %get3A_467 = vector.shape_cast %get3A_466 : vector<1x16xf32> to vector<16xf32>
      %get3A_468 = arith.index_cast %add3A_464 : i32 to index
      %get3A_469 = arith.constant 16 : index
      %get3A_470 = tpu.vector_load %arg8[%get3A_468, %get3A_469] {strides = array<i32>} : memref<200x32xf32, #tpu.memory_space<vmem>>, vector<1x16xf32>,
      %get3A_471 = vector.shape_cast %get3A_470 : vector<1x16xf32> to vector<16xf32>
      %swap3A = arith.constant 0 : i32
      %swap3A_472 = arith.constant 0 : i32
      %swap3A_473 = arith.index_cast %swap3A : i32 to index
      %swap3A_474 = arith.index_cast %swap3A_472 : i32 to index
      %swap3A_475 = arith.index_cast %add3A_464 : i32 to index
      %swap3A_476 = arith.constant 0 : index
      %swap3A_477 = tpu.vector_load %arg7[%swap3A_473, %swap3A_474, %swap3A_475, %swap3A_476] {strides = array<i32>} : memref<3x4x200x32xf32, #tpu.memory_space<vmem>>, vector<1x1x1x16xf32>,
      %swap3A_478 = vector.shape_cast %swap3A_477 : vector<1x1x1x16xf32> to vector<16xf32>
      %swap3A_479 = vector.shape_cast %get3A_467 : vector<16xf32> to vector<1x1x1x16xf32>
      tpu.vector_store %arg7[%swap3A_473, %swap3A_474, %swap3A_475, %swap3A_476], %swap3A_479 {add = true, strides = array<i32>} : memref<3x4x200x32xf32, #tpu.memory_space<vmem>>, vector<1x1x1x16xf32>,
      %swap3A_480 = arith.constant 0 : i32
      %swap3A_481 = arith.constant 0 : i32
      %swap3A_482 = arith.index_cast %swap3A_480 : i32 to index
      %swap3A_483 = arith.index_cast %swap3A_481 : i32 to index
      %swap3A_484 = arith.index_cast %add3A_464 : i32 to index
      %swap3A_485 = arith.constant 16 : index
      %swap3A_486 = tpu.vector_load %arg7[%swap3A_482, %swap3A_483, %swap3A_484, %swap3A_485] {strides = array<i32>} : memref<3x4x200x32xf32, #tpu.memory_space<vmem>>, vector<1x1x1x16xf32>,
      %swap3A_487 = vector.shape_cast %swap3A_486 : vector<1x1x1x16xf32> to vector<16xf32>
      %swap3A_488 = vector.shape_cast %get3A_471 : vector<16xf32> to vector<1x1x1x16xf32>
      tpu.vector_store %arg7[%swap3A_482, %swap3A_483, %swap3A_484, %swap3A_485], %swap3A_488 {add = true, strides = array<i32>} : memref<3x4x200x32xf32, #tpu.memory_space<vmem>>, vector<1x1x1x16xf32>,
      %swap3A_489 = arith.constant 0 : i32
      %swap3A_490 = arith.constant 1 : i32
      %swap3A_491 = arith.index_cast %swap3A_489 : i32 to index
      %swap3A_492 = arith.index_cast %swap3A_490 : i32 to index
      %swap3A_493 = arith.index_cast %add3A_464 : i32 to index
      %swap3A_494 = arith.constant 0 : index
      %swap3A_495 = tpu.vector_load %arg7[%swap3A_491, %swap3A_492, %swap3A_493, %swap3A_494] {strides = array<i32>} : memref<3x4x200x32xf32, #tpu.memory_space<vmem>>, vector<1x1x1x16xf32>,
      %swap3A_496 = vector.shape_cast %swap3A_495 : vector<1x1x1x16xf32> to vector<16xf32>
      %swap3A_497 = vector.shape_cast %get3A_467 : vector<16xf32> to vector<1x1x1x16xf32>
      tpu.vector_store %arg7[%swap3A_491, %swap3A_492, %swap3A_493, %swap3A_494], %swap3A_497 {add = true, strides = array<i32>} : memref<3x4x200x32xf32, #tpu.memory_space<vmem>>, vector<1x1x1x16xf32>,
      %swap3A_498 = arith.constant 0 : i32
      %swap3A_499 = arith.constant 1 : i32
      %swap3A_500 = arith.index_cast %swap3A_498 : i32 to index
      %swap3A_501 = arith.index_cast %swap3A_499 : i32 to index
      %swap3A_502 = arith.index_cast %add3A_464 : i32 to index
      %swap3A_503 = arith.constant 16 : index
      %swap3A_504 = tpu.vector_load %arg7[%swap3A_500, %swap3A_501, %swap3A_502, %swap3A_503] {strides = array<i32>} : memref<3x4x200x32xf32, #tpu.memory_space<vmem>>, vector<1x1x1x16xf32>,
      %swap3A_505 = vector.shape_cast %swap3A_504 : vector<1x1x1x16xf32> to vector<16xf32>
      %swap3A_506 = vector.shape_cast %get3A_471 : vector<16xf32> to vector<1x1x1x16xf32>
      tpu.vector_store %arg7[%swap3A_500, %swap3A_501, %swap3A_502, %swap3A_503], %swap3A_506 {add = true, strides = array<i32>} : memref<3x4x200x32xf32, #tpu.memory_space<vmem>>, vector<1x1x1x16xf32>,
      %swap3A_507 = arith.constant 0 : i32
      %swap3A_508 = arith.constant 2 : i32
      %swap3A_509 = arith.index_cast %swap3A_507 : i32 to index
      %swap3A_510 = arith.index_cast %swap3A_508 : i32 to index
      %swap3A_511 = arith.index_cast %add3A_464 : i32 to index
      %swap3A_512 = arith.constant 0 : index
      %swap3A_513 = tpu.vector_load %arg7[%swap3A_509, %swap3A_510, %swap3A_511, %swap3A_512] {strides = array<i32>} : memref<3x4x200x32xf32, #tpu.memory_space<vmem>>, vector<1x1x1x16xf32>,
      %swap3A_514 = vector.shape_cast %swap3A_513 : vector<1x1x1x16xf32> to vector<16xf32>
      %swap3A_515 = vector.shape_cast %get3A_467 : vector<16xf32> to vector<1x1x1x16xf32>
      tpu.vector_store %arg7[%swap3A_509, %swap3A_510, %swap3A_511, %swap3A_512], %swap3A_515 {add = true, strides = array<i32>} : memref<3x4x200x32xf32, #tpu.memory_space<vmem>>, vector<1x1x1x16xf32>,
      %swap3A_516 = arith.constant 0 : i32
      %swap3A_517 = arith.constant 2 : i32
      %swap3A_518 = arith.index_cast %swap3A_516 : i32 to index
      %swap3A_519 = arith.index_cast %swap3A_517 : i32 to index
      %swap3A_520 = arith.index_cast %add3A_464 : i32 to index
      %swap3A_521 = arith.constant 16 : index
      %swap3A_522 = tpu.vector_load %arg7[%swap3A_518, %swap3A_519, %swap3A_520, %swap3A_521] {strides = array<i32>} : memref<3x4x200x32xf32, #tpu.memory_space<vmem>>, vector<1x1x1x16xf32>,
      %swap3A_523 = vector.shape_cast %swap3A_522 : vector<1x1x1x16xf32> to vector<16xf32>
      %swap3A_524 = vector.shape_cast %get3A_471 : vector<16xf32> to vector<1x1x1x16xf32>
      tpu.vector_store %arg7[%swap3A_518, %swap3A_519, %swap3A_520, %swap3A_521], %swap3A_524 {add = true, strides = array<i32>} : memref<3x4x200x32xf32, #tpu.memory_space<vmem>>, vector<1x1x1x16xf32>,
      %swap3A_525 = arith.constant 0 : i32
      %swap3A_526 = arith.constant 3 : i32
      %swap3A_527 = arith.index_cast %swap3A_525 : i32 to index
      %swap3A_528 = arith.index_cast %swap3A_526 : i32 to index
      %swap3A_529 = arith.index_cast %add3A_464 : i32 to index
      %swap3A_530 = arith.constant 0 : index
      %swap3A_531 = tpu.vector_load %arg7[%swap3A_527, %swap3A_528, %swap3A_529, %swap3A_530] {strides = array<i32>} : memref<3x4x200x32xf32, #tpu.memory_space<vmem>>, vector<1x1x1x16xf32>,
      %swap3A_532 = vector.shape_cast %swap3A_531 : vector<1x1x1x16xf32> to vector<16xf32>
      %swap3A_533 = vector.shape_cast %get3A_467 : vector<16xf32> to vector<1x1x1x16xf32>
      tpu.vector_store %arg7[%swap3A_527, %swap3A_528, %swap3A_529, %swap3A_530], %swap3A_533 {add = true, strides = array<i32>} : memref<3x4x200x32xf32, #tpu.memory_space<vmem>>, vector<1x1x1x16xf32>,
      %swap3A_534 = arith.constant 0 : i32
      %swap3A_535 = arith.constant 3 : i32
      %swap3A_536 = arith.index_cast %swap3A_534 : i32 to index
      %swap3A_537 = arith.index_cast %swap3A_535 : i32 to index
      %swap3A_538 = arith.index_cast %add3A_464 : i32 to index
      %swap3A_539 = arith.constant 16 : index
      %swap3A_540 = tpu.vector_load %arg7[%swap3A_536, %swap3A_537, %swap3A_538, %swap3A_539] {strides = array<i32>} : memref<3x4x200x32xf32, #tpu.memory_space<vmem>>, vector<1x1x1x16xf32>,
      %swap3A_541 = vector.shape_cast %swap3A_540 : vector<1x1x1x16xf32> to vector<16xf32>
      %swap3A_542 = vector.shape_cast %get3A_471 : vector<16xf32> to vector<1x1x1x16xf32>
      tpu.vector_store %arg7[%swap3A_536, %swap3A_537, %swap3A_538, %swap3A_539], %swap3A_542 {add = true, strides = array<i32>} : memref<3x4x200x32xf32, #tpu.memory_space<vmem>>, vector<1x1x1x16xf32>,
    }
    %scan3A_340 = arith.constant 200 : i32
    %add3A_341 = arith.constant 120 : i32
    %add3A_342 = arith.addi %mul3A_2, %add3A_341 : i32
    %dma_start3A_343 = arith.constant 0 : i32
    %dma_start3A_344 = arith.constant 0 : i32
    %dma_start3A_345 = arith.constant 0 : i32
    %dma_start3A_346 = arith.constant 0 : i32
    %dma_start3A_347 = tpu.memref_slice %arg7[%dma_start3A_343, %dma_start3A_344, %dma_start3A_345, %dma_start3A_346] : memref<3x4x200x32xf32, #tpu.memory_space<vmem>> -> memref<1x4x200x32xf32, #tpu.memory_space<vmem>>
    %dma_start3A_348 = tpu.memref_squeeze %dma_start3A_347 : memref<1x4x200x32xf32, #tpu.memory_space<vmem>> -> memref<4x200x32xf32, #tpu.memory_space<vmem>>
    %dma_start3A_349 = arith.constant 0 : i32
    %dma_start3A_350 = arith.constant 0 : i32
    %dma_start3A_351 = tpu.memref_slice %arg5[%add3A_342, %dma_start3A_349, %dma_start3A_350] : memref<4096x200x32xf32, #tpu.memory_space<hbm>> -> memref<4x200x32xf32, #tpu.memory_space<hbm>>
    %dma_start3A_352 = arith.constant 0 : i32
    %dma_start3A_353 = arith.constant 0 : i32
    %dma_start3A_354 = tpu.memref_slice %arg5[%add3A_342, %dma_start3A_352, %dma_start3A_353] : memref<4096x200x32xf32, #tpu.memory_space<hbm>> -> memref<4x200x32xf32, #tpu.memory_space<hbm>>
    %dma_start3A_355 = arith.constant 0 : i32
    %dma_start3A_356 = arith.constant 0 : i32
    %dma_start3A_357 = arith.constant 0 : i32
    %dma_start3A_358 = tpu.memref_slice %arg7[%dma_start3A_343, %dma_start3A_355, %dma_start3A_356, %dma_start3A_357] : memref<3x4x200x32xf32, #tpu.memory_space<vmem>> -> memref<1x4x200x32xf32, #tpu.memory_space<vmem>>
    %dma_start3A_359 = tpu.memref_squeeze %dma_start3A_358 : memref<1x4x200x32xf32, #tpu.memory_space<vmem>> -> memref<4x200x32xf32, #tpu.memory_space<vmem>>
    tpu.enqueue_dma source(%dma_start3A_359 : memref<4x200x32xf32, #tpu.memory_space<vmem>>) target(%dma_start3A_354 : memref<4x200x32xf32, #tpu.memory_space<hbm>>) target_semaphore(%arg12 : memref<!tpu.dma_semaphore, #tpu.memory_space<semaphore_mem>>)
    %dma_wait3A_360 = arith.constant 1 : i32
    %dma_wait3A_361 = arith.constant 0 : i32
    %dma_wait3A_362 = arith.constant 0 : i32
    %dma_wait3A_363 = arith.constant 0 : i32
    %dma_wait3A_364 = tpu.memref_slice %arg7[%dma_wait3A_360, %dma_wait3A_361, %dma_wait3A_362, %dma_wait3A_363] : memref<3x4x200x32xf32, #tpu.memory_space<vmem>> -> memref<1x4x200x32xf32, #tpu.memory_space<vmem>>
    %dma_wait3A_365 = tpu.memref_squeeze %dma_wait3A_364 : memref<1x4x200x32xf32, #tpu.memory_space<vmem>> -> memref<4x200x32xf32, #tpu.memory_space<vmem>>
    %dma_wait3A_366 = arith.constant 0 : i32
    %dma_wait3A_367 = arith.constant 0 : i32
    %dma_wait3A_368 = arith.constant 0 : i32
    %dma_wait3A_369 = tpu.memref_slice %arg5[%dma_wait3A_366, %dma_wait3A_367, %dma_wait3A_368] : memref<4096x200x32xf32, #tpu.memory_space<hbm>> -> memref<4x200x32xf32, #tpu.memory_space<hbm>>
    %dma_wait3A_370 = arith.constant 0 : i32
    %dma_wait3A_371 = arith.constant 0 : i32
    %dma_wait3A_372 = arith.constant 0 : i32
    %dma_wait3A_373 = tpu.memref_slice %arg7[%dma_wait3A_360, %dma_wait3A_370, %dma_wait3A_371, %dma_wait3A_372] : memref<3x4x200x32xf32, #tpu.memory_space<vmem>> -> memref<1x4x200x32xf32, #tpu.memory_space<vmem>>
    %dma_wait3A_374 = tpu.memref_squeeze %dma_wait3A_373 : memref<1x4x200x32xf32, #tpu.memory_space<vmem>> -> memref<4x200x32xf32, #tpu.memory_space<vmem>>
    %dma_wait3A_375 = arith.constant 0 : i32
    %dma_wait3A_376 = arith.constant 0 : i32
    %dma_wait3A_377 = arith.constant 0 : i32
    %dma_wait3A_378 = tpu.memref_slice %arg5[%dma_wait3A_375, %dma_wait3A_376, %dma_wait3A_377] : memref<4096x200x32xf32, #tpu.memory_space<hbm>> -> memref<4x200x32xf32, #tpu.memory_space<hbm>>
    tpu.wait_dma2 semaphore(%arg10 : memref<!tpu.dma_semaphore, #tpu.memory_space<semaphore_mem>>) src(%dma_wait3A_378 : memref<4x200x32xf32, #tpu.memory_space<hbm>>) dst(%dma_wait3A_374 : memref<4x200x32xf32, #tpu.memory_space<vmem>>)
    %scan3A_379 = arith.constant 0 : i32
    %scan3A_380 = arith.constant 200 : i32
    %scan3A_381 = arith.addi %scan3A_379, %scan3A_380 : i32
    %scan3A_382 = arith.constant 1 : i32
    scf.for %scan3A_460 = %scan3A_379 to %scan3A_381 step %scan3A_382  : i32 {
      %mul3A_461 = arith.constant 1 : i32
      %mul3A_462 = arith.muli %scan3A_460, %mul3A_461 : i32
      %add3A_463 = arith.constant 0 : i32
      %add3A_464 = arith.addi %add3A_463, %mul3A_462 : i32
      %get3A = arith.index_cast %add3A_464 : i32 to index
      %get3A_465 = arith.constant 0 : index
      %get3A_466 = tpu.vector_load %arg8[%get3A, %get3A_465] {strides = array<i32>} : memref<200x32xf32, #tpu.memory_space<vmem>>, vector<1x16xf32>,
      %get3A_467 = vector.shape_cast %get3A_466 : vector<1x16xf32> to vector<16xf32>
      %get3A_468 = arith.index_cast %add3A_464 : i32 to index
      %get3A_469 = arith.constant 16 : index
      %get3A_470 = tpu.vector_load %arg8[%get3A_468, %get3A_469] {strides = array<i32>} : memref<200x32xf32, #tpu.memory_space<vmem>>, vector<1x16xf32>,
      %get3A_471 = vector.shape_cast %get3A_470 : vector<1x16xf32> to vector<16xf32>
      %swap3A = arith.constant 1 : i32
      %swap3A_472 = arith.constant 0 : i32
      %swap3A_473 = arith.index_cast %swap3A : i32 to index
      %swap3A_474 = arith.index_cast %swap3A_472 : i32 to index
      %swap3A_475 = arith.index_cast %add3A_464 : i32 to index
      %swap3A_476 = arith.constant 0 : index
      %swap3A_477 = tpu.vector_load %arg7[%swap3A_473, %swap3A_474, %swap3A_475, %swap3A_476] {strides = array<i32>} : memref<3x4x200x32xf32, #tpu.memory_space<vmem>>, vector<1x1x1x16xf32>,
      %swap3A_478 = vector.shape_cast %swap3A_477 : vector<1x1x1x16xf32> to vector<16xf32>
      %swap3A_479 = vector.shape_cast %get3A_467 : vector<16xf32> to vector<1x1x1x16xf32>
      tpu.vector_store %arg7[%swap3A_473, %swap3A_474, %swap3A_475, %swap3A_476], %swap3A_479 {add = true, strides = array<i32>} : memref<3x4x200x32xf32, #tpu.memory_space<vmem>>, vector<1x1x1x16xf32>,
      %swap3A_480 = arith.constant 1 : i32
      %swap3A_481 = arith.constant 0 : i32
      %swap3A_482 = arith.index_cast %swap3A_480 : i32 to index
      %swap3A_483 = arith.index_cast %swap3A_481 : i32 to index
      %swap3A_484 = arith.index_cast %add3A_464 : i32 to index
      %swap3A_485 = arith.constant 16 : index
      %swap3A_486 = tpu.vector_load %arg7[%swap3A_482, %swap3A_483, %swap3A_484, %swap3A_485] {strides = array<i32>} : memref<3x4x200x32xf32, #tpu.memory_space<vmem>>, vector<1x1x1x16xf32>,
      %swap3A_487 = vector.shape_cast %swap3A_486 : vector<1x1x1x16xf32> to vector<16xf32>
      %swap3A_488 = vector.shape_cast %get3A_471 : vector<16xf32> to vector<1x1x1x16xf32>
      tpu.vector_store %arg7[%swap3A_482, %swap3A_483, %swap3A_484, %swap3A_485], %swap3A_488 {add = true, strides = array<i32>} : memref<3x4x200x32xf32, #tpu.memory_space<vmem>>, vector<1x1x1x16xf32>,
      %swap3A_489 = arith.constant 1 : i32
      %swap3A_490 = arith.constant 1 : i32
      %swap3A_491 = arith.index_cast %swap3A_489 : i32 to index
      %swap3A_492 = arith.index_cast %swap3A_490 : i32 to index
      %swap3A_493 = arith.index_cast %add3A_464 : i32 to index
      %swap3A_494 = arith.constant 0 : index
      %swap3A_495 = tpu.vector_load %arg7[%swap3A_491, %swap3A_492, %swap3A_493, %swap3A_494] {strides = array<i32>} : memref<3x4x200x32xf32, #tpu.memory_space<vmem>>, vector<1x1x1x16xf32>,
      %swap3A_496 = vector.shape_cast %swap3A_495 : vector<1x1x1x16xf32> to vector<16xf32>
      %swap3A_497 = vector.shape_cast %get3A_467 : vector<16xf32> to vector<1x1x1x16xf32>
      tpu.vector_store %arg7[%swap3A_491, %swap3A_492, %swap3A_493, %swap3A_494], %swap3A_497 {add = true, strides = array<i32>} : memref<3x4x200x32xf32, #tpu.memory_space<vmem>>, vector<1x1x1x16xf32>,
      %swap3A_498 = arith.constant 1 : i32
      %swap3A_499 = arith.constant 1 : i32
      %swap3A_500 = arith.index_cast %swap3A_498 : i32 to index
      %swap3A_501 = arith.index_cast %swap3A_499 : i32 to index
      %swap3A_502 = arith.index_cast %add3A_464 : i32 to index
      %swap3A_503 = arith.constant 16 : index
      %swap3A_504 = tpu.vector_load %arg7[%swap3A_500, %swap3A_501, %swap3A_502, %swap3A_503] {strides = array<i32>} : memref<3x4x200x32xf32, #tpu.memory_space<vmem>>, vector<1x1x1x16xf32>,
      %swap3A_505 = vector.shape_cast %swap3A_504 : vector<1x1x1x16xf32> to vector<16xf32>
      %swap3A_506 = vector.shape_cast %get3A_471 : vector<16xf32> to vector<1x1x1x16xf32>
      tpu.vector_store %arg7[%swap3A_500, %swap3A_501, %swap3A_502, %swap3A_503], %swap3A_506 {add = true, strides = array<i32>} : memref<3x4x200x32xf32, #tpu.memory_space<vmem>>, vector<1x1x1x16xf32>,
      %swap3A_507 = arith.constant 1 : i32
      %swap3A_508 = arith.constant 2 : i32
      %swap3A_509 = arith.index_cast %swap3A_507 : i32 to index
      %swap3A_510 = arith.index_cast %swap3A_508 : i32 to index
      %swap3A_511 = arith.index_cast %add3A_464 : i32 to index
      %swap3A_512 = arith.constant 0 : index
      %swap3A_513 = tpu.vector_load %arg7[%swap3A_509, %swap3A_510, %swap3A_511, %swap3A_512] {strides = array<i32>} : memref<3x4x200x32xf32, #tpu.memory_space<vmem>>, vector<1x1x1x16xf32>,
      %swap3A_514 = vector.shape_cast %swap3A_513 : vector<1x1x1x16xf32> to vector<16xf32>
      %swap3A_515 = vector.shape_cast %get3A_467 : vector<16xf32> to vector<1x1x1x16xf32>
      tpu.vector_store %arg7[%swap3A_509, %swap3A_510, %swap3A_511, %swap3A_512], %swap3A_515 {add = true, strides = array<i32>} : memref<3x4x200x32xf32, #tpu.memory_space<vmem>>, vector<1x1x1x16xf32>,
      %swap3A_516 = arith.constant 1 : i32
      %swap3A_517 = arith.constant 2 : i32
      %swap3A_518 = arith.index_cast %swap3A_516 : i32 to index
      %swap3A_519 = arith.index_cast %swap3A_517 : i32 to index
      %swap3A_520 = arith.index_cast %add3A_464 : i32 to index
      %swap3A_521 = arith.constant 16 : index
      %swap3A_522 = tpu.vector_load %arg7[%swap3A_518, %swap3A_519, %swap3A_520, %swap3A_521] {strides = array<i32>} : memref<3x4x200x32xf32, #tpu.memory_space<vmem>>, vector<1x1x1x16xf32>,
      %swap3A_523 = vector.shape_cast %swap3A_522 : vector<1x1x1x16xf32> to vector<16xf32>
      %swap3A_524 = vector.shape_cast %get3A_471 : vector<16xf32> to vector<1x1x1x16xf32>
      tpu.vector_store %arg7[%swap3A_518, %swap3A_519, %swap3A_520, %swap3A_521], %swap3A_524 {add = true, strides = array<i32>} : memref<3x4x200x32xf32, #tpu.memory_space<vmem>>, vector<1x1x1x16xf32>,
      %swap3A_525 = arith.constant 1 : i32
      %swap3A_526 = arith.constant 3 : i32
      %swap3A_527 = arith.index_cast %swap3A_525 : i32 to index
      %swap3A_528 = arith.index_cast %swap3A_526 : i32 to index
      %swap3A_529 = arith.index_cast %add3A_464 : i32 to index
      %swap3A_530 = arith.constant 0 : index
      %swap3A_531 = tpu.vector_load %arg7[%swap3A_527, %swap3A_528, %swap3A_529, %swap3A_530] {strides = array<i32>} : memref<3x4x200x32xf32, #tpu.memory_space<vmem>>, vector<1x1x1x16xf32>,
      %swap3A_532 = vector.shape_cast %swap3A_531 : vector<1x1x1x16xf32> to vector<16xf32>
      %swap3A_533 = vector.shape_cast %get3A_467 : vector<16xf32> to vector<1x1x1x16xf32>
      tpu.vector_store %arg7[%swap3A_527, %swap3A_528, %swap3A_529, %swap3A_530], %swap3A_533 {add = true, strides = array<i32>} : memref<3x4x200x32xf32, #tpu.memory_space<vmem>>, vector<1x1x1x16xf32>,
      %swap3A_534 = arith.constant 1 : i32
      %swap3A_535 = arith.constant 3 : i32
      %swap3A_536 = arith.index_cast %swap3A_534 : i32 to index
      %swap3A_537 = arith.index_cast %swap3A_535 : i32 to index
      %swap3A_538 = arith.index_cast %add3A_464 : i32 to index
      %swap3A_539 = arith.constant 16 : index
      %swap3A_540 = tpu.vector_load %arg7[%swap3A_536, %swap3A_537, %swap3A_538, %swap3A_539] {strides = array<i32>} : memref<3x4x200x32xf32, #tpu.memory_space<vmem>>, vector<1x1x1x16xf32>,
      %swap3A_541 = vector.shape_cast %swap3A_540 : vector<1x1x1x16xf32> to vector<16xf32>
      %swap3A_542 = vector.shape_cast %get3A_471 : vector<16xf32> to vector<1x1x1x16xf32>
      tpu.vector_store %arg7[%swap3A_536, %swap3A_537, %swap3A_538, %swap3A_539], %swap3A_542 {add = true, strides = array<i32>} : memref<3x4x200x32xf32, #tpu.memory_space<vmem>>, vector<1x1x1x16xf32>,
    }
    %scan3A_383 = arith.constant 200 : i32
    %add3A_384 = arith.constant 124 : i32
    %add3A_385 = arith.addi %mul3A_2, %add3A_384 : i32
    %dma_start3A_386 = arith.constant 1 : i32
    %dma_start3A_387 = arith.constant 0 : i32
    %dma_start3A_388 = arith.constant 0 : i32
    %dma_start3A_389 = arith.constant 0 : i32
    %dma_start3A_390 = tpu.memref_slice %arg7[%dma_start3A_386, %dma_start3A_387, %dma_start3A_388, %dma_start3A_389] : memref<3x4x200x32xf32, #tpu.memory_space<vmem>> -> memref<1x4x200x32xf32, #tpu.memory_space<vmem>>
    %dma_start3A_391 = tpu.memref_squeeze %dma_start3A_390 : memref<1x4x200x32xf32, #tpu.memory_space<vmem>> -> memref<4x200x32xf32, #tpu.memory_space<vmem>>
    %dma_start3A_392 = arith.constant 0 : i32
    %dma_start3A_393 = arith.constant 0 : i32
    %dma_start3A_394 = tpu.memref_slice %arg5[%add3A_385, %dma_start3A_392, %dma_start3A_393] : memref<4096x200x32xf32, #tpu.memory_space<hbm>> -> memref<4x200x32xf32, #tpu.memory_space<hbm>>
    %dma_start3A_395 = arith.constant 0 : i32
    %dma_start3A_396 = arith.constant 0 : i32
    %dma_start3A_397 = tpu.memref_slice %arg5[%add3A_385, %dma_start3A_395, %dma_start3A_396] : memref<4096x200x32xf32, #tpu.memory_space<hbm>> -> memref<4x200x32xf32, #tpu.memory_space<hbm>>
    %dma_start3A_398 = arith.constant 0 : i32
    %dma_start3A_399 = arith.constant 0 : i32
    %dma_start3A_400 = arith.constant 0 : i32
    %dma_start3A_401 = tpu.memref_slice %arg7[%dma_start3A_386, %dma_start3A_398, %dma_start3A_399, %dma_start3A_400] : memref<3x4x200x32xf32, #tpu.memory_space<vmem>> -> memref<1x4x200x32xf32, #tpu.memory_space<vmem>>
    %dma_start3A_402 = tpu.memref_squeeze %dma_start3A_401 : memref<1x4x200x32xf32, #tpu.memory_space<vmem>> -> memref<4x200x32xf32, #tpu.memory_space<vmem>>
    tpu.enqueue_dma source(%dma_start3A_402 : memref<4x200x32xf32, #tpu.memory_space<vmem>>) target(%dma_start3A_397 : memref<4x200x32xf32, #tpu.memory_space<hbm>>) target_semaphore(%arg13 : memref<!tpu.dma_semaphore, #tpu.memory_space<semaphore_mem>>)
    %dma_wait3A_403 = arith.constant 0 : i32
    %dma_wait3A_404 = arith.constant 0 : i32
    %dma_wait3A_405 = arith.constant 0 : i32
    %dma_wait3A_406 = arith.constant 0 : i32
    %dma_wait3A_407 = tpu.memref_slice %arg7[%dma_wait3A_403, %dma_wait3A_404, %dma_wait3A_405, %dma_wait3A_406] : memref<3x4x200x32xf32, #tpu.memory_space<vmem>> -> memref<1x4x200x32xf32, #tpu.memory_space<vmem>>
    %dma_wait3A_408 = tpu.memref_squeeze %dma_wait3A_407 : memref<1x4x200x32xf32, #tpu.memory_space<vmem>> -> memref<4x200x32xf32, #tpu.memory_space<vmem>>
    %dma_wait3A_409 = arith.constant 0 : i32
    %dma_wait3A_410 = arith.constant 0 : i32
    %dma_wait3A_411 = arith.constant 0 : i32
    %dma_wait3A_412 = tpu.memref_slice %arg5[%dma_wait3A_409, %dma_wait3A_410, %dma_wait3A_411] : memref<4096x200x32xf32, #tpu.memory_space<hbm>> -> memref<4x200x32xf32, #tpu.memory_space<hbm>>
    %dma_wait3A_413 = arith.constant 0 : i32
    %dma_wait3A_414 = arith.constant 0 : i32
    %dma_wait3A_415 = arith.constant 0 : i32
    %dma_wait3A_416 = tpu.memref_slice %arg5[%dma_wait3A_413, %dma_wait3A_414, %dma_wait3A_415] : memref<4096x200x32xf32, #tpu.memory_space<hbm>> -> memref<4x200x32xf32, #tpu.memory_space<hbm>>
    %dma_wait3A_417 = arith.constant 0 : i32
    %dma_wait3A_418 = arith.constant 0 : i32
    %dma_wait3A_419 = arith.constant 0 : i32
    %dma_wait3A_420 = tpu.memref_slice %arg7[%dma_wait3A_403, %dma_wait3A_417, %dma_wait3A_418, %dma_wait3A_419] : memref<3x4x200x32xf32, #tpu.memory_space<vmem>> -> memref<1x4x200x32xf32, #tpu.memory_space<vmem>>
    %dma_wait3A_421 = tpu.memref_squeeze %dma_wait3A_420 : memref<1x4x200x32xf32, #tpu.memory_space<vmem>> -> memref<4x200x32xf32, #tpu.memory_space<vmem>>
    tpu.wait_dma2 semaphore(%arg12 : memref<!tpu.dma_semaphore, #tpu.memory_space<semaphore_mem>>) src(%dma_wait3A_421 : memref<4x200x32xf32, #tpu.memory_space<vmem>>) dst(%dma_wait3A_416 : memref<4x200x32xf32, #tpu.memory_space<hbm>>)
    %dma_wait3A_422 = arith.constant 1 : i32
    %dma_wait3A_423 = arith.constant 0 : i32
    %dma_wait3A_424 = arith.constant 0 : i32
    %dma_wait3A_425 = arith.constant 0 : i32
    %dma_wait3A_426 = tpu.memref_slice %arg7[%dma_wait3A_422, %dma_wait3A_423, %dma_wait3A_424, %dma_wait3A_425] : memref<3x4x200x32xf32, #tpu.memory_space<vmem>> -> memref<1x4x200x32xf32, #tpu.memory_space<vmem>>
    %dma_wait3A_427 = tpu.memref_squeeze %dma_wait3A_426 : memref<1x4x200x32xf32, #tpu.memory_space<vmem>> -> memref<4x200x32xf32, #tpu.memory_space<vmem>>
    %dma_wait3A_428 = arith.constant 0 : i32
    %dma_wait3A_429 = arith.constant 0 : i32
    %dma_wait3A_430 = arith.constant 0 : i32
    %dma_wait3A_431 = tpu.memref_slice %arg5[%dma_wait3A_428, %dma_wait3A_429, %dma_wait3A_430] : memref<4096x200x32xf32, #tpu.memory_space<hbm>> -> memref<4x200x32xf32, #tpu.memory_space<hbm>>
    %dma_wait3A_432 = arith.constant 0 : i32
    %dma_wait3A_433 = arith.constant 0 : i32
    %dma_wait3A_434 = arith.constant 0 : i32
    %dma_wait3A_435 = tpu.memref_slice %arg5[%dma_wait3A_432, %dma_wait3A_433, %dma_wait3A_434] : memref<4096x200x32xf32, #tpu.memory_space<hbm>> -> memref<4x200x32xf32, #tpu.memory_space<hbm>>
    %dma_wait3A_436 = arith.constant 0 : i32
    %dma_wait3A_437 = arith.constant 0 : i32
    %dma_wait3A_438 = arith.constant 0 : i32
    %dma_wait3A_439 = tpu.memref_slice %arg7[%dma_wait3A_422, %dma_wait3A_436, %dma_wait3A_437, %dma_wait3A_438] : memref<3x4x200x32xf32, #tpu.memory_space<vmem>> -> memref<1x4x200x32xf32, #tpu.memory_space<vmem>>
    %dma_wait3A_440 = tpu.memref_squeeze %dma_wait3A_439 : memref<1x4x200x32xf32, #tpu.memory_space<vmem>> -> memref<4x200x32xf32, #tpu.memory_space<vmem>>
    tpu.wait_dma2 semaphore(%arg13 : memref<!tpu.dma_semaphore, #tpu.memory_space<semaphore_mem>>) src(%dma_wait3A_440 : memref<4x200x32xf32, #tpu.memory_space<vmem>>) dst(%dma_wait3A_435 : memref<4x200x32xf32, #tpu.memory_space<hbm>>)
    %dma_wait3A_441 = arith.constant 2 : i32
    %dma_wait3A_442 = arith.constant 0 : i32
    %dma_wait3A_443 = arith.constant 0 : i32
    %dma_wait3A_444 = arith.constant 0 : i32
    %dma_wait3A_445 = tpu.memref_slice %arg7[%dma_wait3A_441, %dma_wait3A_442, %dma_wait3A_443, %dma_wait3A_444] : memref<3x4x200x32xf32, #tpu.memory_space<vmem>> -> memref<1x4x200x32xf32, #tpu.memory_space<vmem>>
    %dma_wait3A_446 = tpu.memref_squeeze %dma_wait3A_445 : memref<1x4x200x32xf32, #tpu.memory_space<vmem>> -> memref<4x200x32xf32, #tpu.memory_space<vmem>>
    %dma_wait3A_447 = arith.constant 0 : i32
    %dma_wait3A_448 = arith.constant 0 : i32
    %dma_wait3A_449 = arith.constant 0 : i32
    %dma_wait3A_450 = tpu.memref_slice %arg5[%dma_wait3A_447, %dma_wait3A_448, %dma_wait3A_449] : memref<4096x200x32xf32, #tpu.memory_space<hbm>> -> memref<4x200x32xf32, #tpu.memory_space<hbm>>
    %dma_wait3A_451 = arith.constant 0 : i32
    %dma_wait3A_452 = arith.constant 0 : i32
    %dma_wait3A_453 = arith.constant 0 : i32
    %dma_wait3A_454 = tpu.memref_slice %arg5[%dma_wait3A_451, %dma_wait3A_452, %dma_wait3A_453] : memref<4096x200x32xf32, #tpu.memory_space<hbm>> -> memref<4x200x32xf32, #tpu.memory_space<hbm>>
    %dma_wait3A_455 = arith.constant 0 : i32
    %dma_wait3A_456 = arith.constant 0 : i32
    %dma_wait3A_457 = arith.constant 0 : i32
    %dma_wait3A_458 = tpu.memref_slice %arg7[%dma_wait3A_441, %dma_wait3A_455, %dma_wait3A_456, %dma_wait3A_457] : memref<3x4x200x32xf32, #tpu.memory_space<vmem>> -> memref<1x4x200x32xf32, #tpu.memory_space<vmem>>
    %dma_wait3A_459 = tpu.memref_squeeze %dma_wait3A_458 : memref<1x4x200x32xf32, #tpu.memory_space<vmem>> -> memref<4x200x32xf32, #tpu.memory_space<vmem>>
    tpu.wait_dma2 semaphore(%arg14 : memref<!tpu.dma_semaphore, #tpu.memory_space<semaphore_mem>>) src(%dma_wait3A_459 : memref<4x200x32xf32, #tpu.memory_space<vmem>>) dst(%dma_wait3A_454 : memref<4x200x32xf32, #tpu.memory_space<hbm>>)
    return
  }
}

</mosaic_0001>

<sc_bundles>
// kernel: _embed.3.cloned.1.call-start
scs
__scs_entry_jumppad:
0x0: {  	(pc) =	sbr.rel $0x88, $3  }
0x1: {  	(tag) =	ssettag $0x0;
	lr =	simm.s32 $0x1  }
0x2: {  	[smem:$0x3F9E] =	sst lr;
	_ =	strace $0xD0000000  }
0x3: {  	_ = 	snop  }
0x4: {  	_ = 	snop  }
0x5: {  	_ = 	snop  }
0x6: {  	_ = 	snop  }
0x7: {  	_ = 	snop  }
__scs_overlays_trampoline_lowered:
0x8: {  	[smem:$0x3FAD] =	sst s0  }
0x9: {  	[smem:$0x3FAE] =	sst s1  }
0xa: {  	[smem:$0x3FAF] =	sst s2  }
0xb: {  	[smem:$0x3FB0] =	sst s3  }
0xc: {  	[smem:$0x3FB1] =	sst s4  }
0xd: {  	[smem:$0x3FB2] =	sst s5  }
0xe: {  	[smem:$0x3FB3] =	sst s6  }
0xf: {  	[smem:$0x3FB4] =	sst s7  }
0x10: {  	[smem:$0x3FB5] =	sst s8  }
0x11: {  	[smem:$0x3FB6] =	sst s9;
	s0 =	simm.s32 @!p0 $0x0  }
0x12: {  	s1 =	sld [smem:$0x3F9C];
	s0 =	simm.s32 @p0 $0x1  }
0x13: {  	[smem:$0x3FB7] =	sst s0;
	s0 =	simm.s32 @!p1 $0x0  }
0x14: {  	s2 =	sld [smem:$0x3F9B];
	s0 =	simm.s32 @p1 $0x1  }
0x15: {  	[smem:$0x3FB8] =	sst s0;
	s0 =	simm.s32 @!p2 $0x0  }
0x16: {  	s3 =	sld [smem:$0x3FDB];
	s0 =	simm.s32 @p2 $0x1  }
0x17: {  	s4 =	simm.s32 $0x1BF5;
	[smem:$0x3FBA] =	sst s0  }
0x18: {  	s0 =	sld [smem:$0x3F9D];
	_ =	swait.ge [sflag:s4], $0x0  }
0x19: {  	s7 =	sld [smem:$0x3F9E]  }
0x1a: {  	s8 =	sadd.s32 $0xFFFFE003, lr  }
0x1b: {  	s9 =	sadd.s32 $0xFFFFFEF7, lr;
	s5 =	simm.s32 $0xFFFFFFFF;
	p2 =	slt.u32 s8, $0xFFFFF086  }
0x1c: {  	p1 =	slt.u32 s9, $0xF7A;
	s5 =	simm.s32 @!p2 $0x0  }
0x1d: {  	s5 =	simm.s32 @p1 $0x1;
	p0 =	seq.s32 s7, s2  }
0x1e: {  	s7 =	smul.u32 @!p0 $0xF7A, s2;
	p2 =	seq.s32 @!p0 s5, $0x0  }
0x1f: {  	s9 =	smul.u32 $0xF7A, s1;
	s8 =	simm.s32 @!p0 $0x1BF5;
	p2 =	por !p2, p0  }
0x20: {  	[sflag:s8] =	ssyncset.s32 @!p0 $0xFFFFF086;
	s6 =	sadd.s32 @!p0 s3, s7;
	s7 =	simm.s32 @!p0 $0x108  }
0x21: {  	s3 =	sadd.s32 s3, s9;
	s6 =	sadd.s32 @!p0 $0x88, s6;
	s7 =	simm.s32 @p2 $0x1082  }
0x22: {  	[simem:s7], [sflag:s8] =	dma.local @!p0 [hbm:s6], $0xF7A  }
0x23: {  	s9 =	sor.u32 $0xD0000000, s2;
	s6 =	simm.s32 $0x108;
	_ =	swait.ge @!p0 [sflag:s8], $0x0  }
0x24: {  	s3 =	sadd.s32 $0x88, s3;
	s6 =	simm.s32 @!p1 $0x1082;
	[sflag:s4] =	ssyncset.s32 $0xFFFFF086  }
0x25: {  	[simem:s6], [sflag:s4] =	dma.local [hbm:s3], $0xF7A  }
0x26: {  	[smem:$0x3F9E] =	sst s1;
	(tag) =	ssettag s2;
	_ =	strace s9  }
0x27: {  	s1 =	sld [smem:$0x3FAE]  }
0x28: {  	s2 =	sld [smem:$0x3FAF]  }
0x29: {  	s4 =	sld [smem:$0x3FB1]  }
0x2a: {  	p0 =	seq.s32 s5, $0x0;
	s5 =	sld [smem:$0x3FB2]  }
0x2b: {  	s6 =	sld [smem:$0x3FB3]  }
0x2c: {  	s7 =	sld [smem:$0x3FB4]  }
0x2d: {  	s3 =	simm.s32 $0x108;
	s8 =	sld [smem:$0x3FB5]  }
0x2e: {  	s3 =	simm.s32 @!p0 $0x1082;
	s9 =	sld [smem:$0x3FB6]  }
0x2f: {  	lr =	sadd.s32 s0, s3;
	s0 =	sld [smem:$0x3FAD]  }
0x30: {  	s3 =	sld [smem:$0x3FB0]  }
0x31: {  	[smem:$0x3FB9] =	sst s10  }
0x32: {  	s10 =	sld [smem:$0x3FB7];
	_ =	sdelay $0x3  }
0x33: {  	p0 =	seq.s32 s10, $0x1;
	s10 =	sld [smem:$0x3FB9];
	_ =	sdelay $0x3  }
0x34: {  	[smem:$0x3FB9] =	sst s10  }
0x35: {  	s10 =	sld [smem:$0x3FB8];
	_ =	sdelay $0x3  }
0x36: {  	p1 =	seq.s32 s10, $0x1;
	s10 =	sld [smem:$0x3FB9];
	_ =	sdelay $0x3  }
0x37: {  	[smem:$0x3FB9] =	sst s10  }
0x38: {  	s10 =	sld [smem:$0x3FBA]  }
0x39: {  	_ = 	snop;
	(pc) =	sbr.ind lr, $3  }
0x3a: {  	_ = 	snop  }
0x3b: {  	_ = 	snop  }
0x3c: {  	p2 =	seq.s32 s10, $0x1;
	s10 =	sld [smem:$0x3FB9]  }
0x3d: {  	_ =	shalt  }
0x3e: {  	_ =	shalt  }
0x3f: {  	_ =	shalt  }
0x40: {  	_ =	shalt  }
0x41: {  	_ =	shalt  }
0x42: {  	_ =	shalt  }
0x43: {  	_ =	shalt  }
0x44: {  	_ =	shalt  }
0x45: {  	_ =	shalt  }
0x46: {  	_ =	shalt  }
0x47: {  	_ =	shalt  }
0x48: {  	_ =	shalt  }
0x49: {  	_ =	shalt  }
0x4a: {  	_ =	shalt  }
0x4b: {  	_ =	shalt  }
0x4c: {  	_ =	shalt  }
0x4d: {  	_ =	shalt  }
0x4e: {  	_ =	shalt  }
0x4f: {  	_ =	shalt  }
0x50: {  	_ =	shalt  }
0x51: {  	_ =	shalt  }
0x52: {  	_ =	shalt  }
0x53: {  	_ =	shalt  }
0x54: {  	_ =	shalt  }
0x55: {  	_ =	shalt  }
0x56: {  	_ =	shalt  }
0x57: {  	_ =	shalt  }
0x58: {  	_ =	shalt  }
0x59: {  	_ =	shalt  }
0x5a: {  	_ =	shalt  }
0x5b: {  	_ =	shalt  }
0x5c: {  	_ =	shalt  }
0x5d: {  	_ =	shalt  }
0x5e: {  	_ =	shalt  }
0x5f: {  	_ =	shalt  }
0x60: {  	_ =	shalt  }
0x61: {  	_ =	shalt  }
0x62: {  	_ =	shalt  }
0x63: {  	_ =	shalt  }
0x64: {  	_ =	shalt  }
0x65: {  	_ =	shalt  }
0x66: {  	_ =	shalt  }
0x67: {  	_ =	shalt  }
0x68: {  	_ =	shalt  }
0x69: {  	_ =	shalt  }
0x6a: {  	_ =	shalt  }
0x6b: {  	_ =	shalt  }
0x6c: {  	_ =	shalt  }
0x6d: {  	_ =	shalt  }
0x6e: {  	_ =	shalt  }
0x6f: {  	_ =	shalt  }
0x70: {  	_ =	shalt  }
0x71: {  	_ =	shalt  }
0x72: {  	_ =	shalt  }
0x73: {  	_ =	shalt  }
0x74: {  	_ =	shalt  }
0x75: {  	_ =	shalt  }
0x76: {  	_ =	shalt  }
0x77: {  	_ =	shalt  }
0x78: {  	_ =	shalt  }
0x79: {  	_ =	shalt  }
0x7a: {  	_ =	shalt  }
0x7b: {  	_ =	shalt  }
0x7c: {  	_ =	shalt  }
0x7d: {  	_ =	shalt  }
0x7e: {  	_ =	shalt  }
0x7f: {  	_ =	shalt  }
0x80: {  	_ =	shalt  }
0x81: {  	_ =	shalt  }
0x82: {  	_ =	shalt  }
0x83: {  	_ =	shalt  }
0x84: {  	_ =	shalt  }
0x85: {  	_ =	shalt  }
0x86: {  	_ =	shalt  }
0x87: {  	_ =	shalt  }
.Lfunc_end0:
.L_simem_size_0:
called_computation.1_lowered:
.L_overlay_start_0:
0x88: {  	s2 =	sld [smem:$0x3FD9]  }
0x89: {  	s3 =	sld [smem:$0x3FFE];
	_ =	sdelay $0x1  }
0x8a: {  	s1 =	srdreg.scid  }
0x8b: {  	s0 =	sand.u32 $0x1, s1  }
0x8c: {  	s17 =	sshll.u32 s0, $0xA;
	s2 =	sadd.s32 s3, s2  }
0x8d: {  	s2 =	sadd.s32 s2, s17  }
0x8e: {  	[smem:$0x3FC5] =	sst s2  }
0x8f: {  	_ = 	snop  }
0x90: {  	s2 =	sld [smem:$0x3FD0];
	(tm) =	ssettm $0x1  }
0x91: {  	s18 =	sld [smem:$0x3FFB];
	_ =	sdelay $0x3  }
0x92: {  	_ =	strace s18  }
0x93: {  	s3 =	sld [smem:$0x3FFC];
	_ =	sdelay $0x3  }
0x94: {  	_ =	strace s3  }
0x95: {  	s3 =	sld [smem:$0x3FFD];
	_ =	sdelay $0x3  }
0x96: {  	_ =	strace s3  }
0x97: {  	_ =	strace $0x8FFFFFFF  }
0x98: {  	s19 =	sld [smem:$0x3FDB];
	_ =	sdelay $0x1  }
0x99: {  	s4 =	simm.s32 $_scs_section_size  }
0x9a: {  	s5 =	simm.s32 $_size__tile_overlayer_lowered;
	s6 =	simm.s32 $_tile_overlayer_lowered  }
0x9b: {  	s22 =	simm.s32 $0x1BFF;
	s21 =	sshll.u32 s6, $0x1;
	s3 =	sadd.s32 s4, s19  }
0x9c: {  	s7 =	simm.s32 $0x0;
	s20 =	sshll.u32 s5, $0x1;
	s5 =	sadd.s32 s21, s3  }
0x9d: {  	[timem:s7], [sflag:s22] =	dma.local [hbm:s5], s20  }
0x9e: {  	_ =	swait.ge [sflag:s22], s20  }
0x9f: {  	s4 =	ssub.s32 $0x0, s20;
	[sflag:s22] =	ssyncset.done $0x0  }
0xa0: {  	[sflag:s22] =	ssyncadd.s32 s4;
	_ =	sdelay $0x1  }
0xa1: {  	s23 =	simm.s32 $0x1B8B  }
0xa2: {  	_ =	swait.ge [sflag:s23], $0x1  }
0xa3: {  	[sflag:s23] =	ssyncset.done $0x0  }
0xa4: {  	s25 =	simm.s32 $0x1B8E;
	s24 =	sld [smem:$0x3FFE];
	[sflag:s23] =	ssyncadd.s32 $0xFFFFFFFF  }
0xa5: {  	s26 =	simm.s32 $execute0_lowered;
	[smem:$0x3FD2] =	sst s25  }
0xa6: {  	s5 =	sshll.u32 s26, $0x1;
	_ =	strace $0x80000046;
	[dreg:$0x1] =	wrdreg $0xFFFFFFFF  }
0xa7: {  	s28 =	simm.s32 $_size_execute0_lowered;
	s3 =	sadd.s32 s3, s5;
	[dreg:$0x0] =	wrdreg $0x0  }
0xa8: {  	s5 =	sshll.u32 s28, $0x1;
	[dreg:$0x2] =	wrdreg s3  }
0xa9: {  	[dreg:$0x3] =	wrdreg s5  }
0xaa: {  	[dreg:$0x4] =	wrdreg $0xC0  }
0xab: {  	_ =	task [dreg:s7], $0x5FFFF  }
0xac: {  	[dreg:$0x1] =	wrdreg $0xFFFFFFFF  }
0xad: {  	[dreg:$0x0] =	wrdreg $0x60  }
0xae: {  	[dreg:$0x2] =	wrdreg s24  }
0xaf: {  	[dreg:$0x3] =	wrdreg s2  }
0xb0: {  	[dreg:$0x4] =	wrdreg $0x9  }
0xb1: {  	_ =	task.clear_ibuf [dreg:s7], $0x5FFFF;
	_ =	strace $0x90000046  }
0xb2: {  	s29 =	simm.s32 $0x9;
	_ =	strace $0x80000048  }
0xb3: {  	_ =	swait.ge [sflag:s29], $0x1  }
0xb4: {  	[sflag:s29] =	ssyncadd.s32 $0xFFFFFFFF  }
0xb5: {  	_ =	strace $0x90000048  }
0xb6: {  	_ =	sfence  }
0xb7: {  	s30 =	sld [smem:$0x0];
	_ =	sdelay $0x2  }
0xb8: {  	s31 =	sshll.u32 s1, $0xD;
	s1 =	sshrl.u32 s1, $0x2  }
0xb9: {  	s3 =	sand.u32 $0x4000, s31;
	s1 =	sadd.s32 s1, s30  }
0xba: {  	s0 =	sor.u32 s3, s0;
	s1 =	sshll.u32 s1, $0x11  }
0xbb: {  	s0 =	sor.u32 s1, s0  }
0xbc: {  	s0 =	sadd.s32 $0x8F2B, s0  }
0xbd: {  	[sflag:s0] =	ssyncadd.remote.s32 $0x1  }
0xbe: {  	_ =	sfence.sel $0xFFFF  }
0xbf: {  	[dreg:$0x0] =	wrdreg $0xFFFFFFFF;
	(pc) =	sbr.abs _section_cstart, $3  }
0xc0: {  	[dreg:$0x1] =	wrdreg $0xFFFFFFFF  }
0xc1: {  	_ =	task.clear_ibuf [dreg:s7], $0x2FFFF;
	_ =	strace $0x9FFFFFFF  }
0xc2: {  	(tm) =	ssettm $0x7FFFFFFF  }
0xc3: {  	_ =	shalt  }
tec
execute0_lowered:
.L_overlay_start_1:
0x0: {  	(tag) =	ssettag $0x1  }
0x1: {  	s0 =	srdreg.scid;
	s1 =	rddreg [dreg:$0x0]  }
0x2: {  	s3 =	stileid.u32;
	s2 =	rddreg [dreg:$0x1];
	s23 =	simm.s32 $0x0  }
0x3: {  	s15 =	simm.s32 $0x60;
	s16 =	simm.s32 $0x6400;
	s17 =	simm.s32 $0x68  }
0x4: {  	s21 =	simm.s32 $0x10600;
	s30 =	simm.s32 $0x11300;
	s14 =	simm.s32 $0x12C00  }
0x5: {  	s10 =	simm.s32 $0x15100;
	s11 =	simm.s32 $0x15E00;
	s12 =	simm.s32 $0x16A00  }
0x6: {  	s13 =	simm.s32 $0x17700;
	s18 =	simm.s32 $0x18300;
	s20 =	simm.s32 $0x1  }
0x7: {  	s22 =	simm.s32 $0x4;
	s29 =	simm.s32 $0x3;
	s0 =	sand.u32 $0x1, s0  }
0x8: {  	s31 =	simm.s32 $0x6;
	s3 =	sshll.u32 s3, $0x8;
	s4 =	sshll.u32 s0, $0x7  }
0x9: {  	[smem:$0x7FF] =	sst s23;
	s0 =	ssub.s32 $0x2, s0;
	s4 =	sor.u32 s4, s3  }
0xa: {  	s5 =	sadd.s32 $0xF43000, s1;
	s24 =	sshrl.u32 s0, $0x1;
	s3 =	smul.u32 $0x19, s4  }
0xb: {  	_ =	strace $0x80000047;
	s6 =	smul.u32 $0x1900, s4;
	s0 =	ssub.s32 s0, s24  }
0xc: {  	s8 =	sor.u32 $0x4, s4;
	s9 =	sor.u32 $0x8, s4;
	s24 =	simm.s32 $0x2  }
0xd: {  	s0 =	smax.u32 s0, $0x1;
	s3 =	sadd.s32 s3, s1;
	s1 =	sadd.s32 $0x19C00, s1  }
0xe: {  	s26 =	sshrl.u32 s6, $0x3;
	[dreg:$0x7] =	wrdreg s0;
	s0 =	simm.s32 $0xC800  }
0xf: {  	[dreg:$0x3] =	wrdreg s1;
	s25 =	sadd.s32 $0xC00, s3;
	s1 =	sadd.s32 s2, s26  }
0x10: {  	s6 =	simm.s32 $0x0;
	[dreg:$0x4] =	wrdreg s25;
	s28 =	sadd.s32 $0x17700, s1  }
0x11: {  	s26 =	simm.s32 $0x5;
	s1 =	sadd.s32 $0x18380, s1;
	[dreg:$0x5] =	wrdreg s28  }
0x12: {  	s25 =	simm.s32 $0x11F00;
	[dreg:$0x6] =	wrdreg s1;
	s1 =	simm.s32 $0xFA00  }
.LBB2_1:
0x13: {  	[dreg:$0x8] =	wrdreg s6  }
0x14: {  	s3 =	rddreg [dreg:$0x4];
	s19 =	simm.s32 $0x7  }
0x15: {  	[tilespmem:s23], [sflag:$0x7] =	stream.linear.gather [hbm4b:s3+s23], $0x6400, $0x38;
	[tilespmem:$0x1A900] =	vst v63  }
0x16: {  	_ =	swait.ge [sflag:s19], $0x6400  }
0x17: {  	[sflag:s19] =	ssyncset.done $0x0  }
0x18: {  	s7 =	simm.s32 $0x19000;
	s28 =	rddreg [dreg:$0x3];
	[sflag:s19] =	ssyncadd.s32 $0xFFFF9C00  }
0x19: {  	[tilespmem:s7], [sflag:$0x7] =	stream.linear.gather [hbm4b:s28+s23], $0x1900, $0x38;
	[tilespmem:$0x1A900] =	vst v63  }
0x1a: {  	_ =	swait.ge [sflag:s19], $0x1900  }
0x1b: {  	[sflag:s19] =	ssyncset.done $0x0  }
0x1c: {  	[sflag:s19] =	ssyncadd.s32 $0xFFFFE700  }
0x1d: {  	[tilespmem:s16], [sflag:$0x1] =	stream.indirect.gather [hbm4b:s5+s15], $0x20, s23, s15, $0xb8;
	[tilespmem:$0x1A900] =	vst v63  }
0x1e: {  	s19 =	simm.s32 $0x7000  }
0x1f: {  	[tilespmem:s19], [sflag:$0x1] =	stream.indirect.gather [hbm4b:s5+s17], $0x20, s15, s17, $0xb8;
	[tilespmem:$0x1A900] =	vst v63  }
0x20: {  	s28 =	simm.s32 $0x7D00;
	s23 =	simm.s32 $0xC8  }
0x21: {  	[tilespmem:s28], [sflag:$0x1] =	stream.indirect.gather [hbm4b:s5+s15], $0x20, s23, s15, $0xb8;
	[tilespmem:$0x1A900] =	vst v63  }
0x22: {  	s7 =	simm.s32 $0x128;
	s19 =	simm.s32 $0x8900  }
0x23: {  	[tilespmem:s19], [sflag:$0x1] =	stream.indirect.gather [hbm4b:s5+s17], $0x20, s7, s17, $0xb8;
	[tilespmem:$0x1A900] =	vst v63  }
0x24: {  	s23 =	simm.s32 $0x190;
	s28 =	simm.s32 $0x9600  }
0x25: {  	[tilespmem:s28], [sflag:$0x1] =	stream.indirect.gather [hbm4b:s5+s15], $0x20, s23, s15, $0xb8;
	[tilespmem:$0x1A900] =	vst v63  }
0x26: {  	s7 =	simm.s32 $0x1F0;
	s19 =	simm.s32 $0xA200  }
0x27: {  	[tilespmem:s19], [sflag:$0x1] =	stream.indirect.gather [hbm4b:s5+s17], $0x20, s7, s17, $0xb8;
	[tilespmem:$0x1A900] =	vst v63  }
0x28: {  	s23 =	simm.s32 $0x258;
	s28 =	simm.s32 $0xAF00  }
0x29: {  	[tilespmem:s28], [sflag:$0x1] =	stream.indirect.gather [hbm4b:s5+s15], $0x20, s23, s15, $0xb8;
	[tilespmem:$0x1A900] =	vst v63  }
0x2a: {  	s6 =	simm.s32 $0x2B8;
	s7 =	simm.s32 $0xBB00  }
0x2b: {  	[tilespmem:s7], [sflag:$0x1] =	stream.indirect.gather [hbm4b:s5+s17], $0x20, s6, s17, $0xb8;
	[tilespmem:$0x1A900] =	vst v63  }
0x2c: {  	s19 =	simm.s32 $0x320  }
0x2d: {  	[tilespmem:s0], [sflag:$0x2] =	stream.indirect.gather [hbm4b:s5+s15], $0x20, s19, s15, $0xb8;
	[tilespmem:$0x1A900] =	vst v63  }
0x2e: {  	s23 =	simm.s32 $0x380;
	s28 =	simm.s32 $0xD400  }
0x2f: {  	[tilespmem:s28], [sflag:$0x2] =	stream.indirect.gather [hbm4b:s5+s17], $0x20, s23, s17, $0xb8;
	[tilespmem:$0x1A900] =	vst v63  }
0x30: {  	s7 =	simm.s32 $0x3E8;
	s19 =	simm.s32 $0xE100  }
0x31: {  	[tilespmem:s19], [sflag:$0x2] =	stream.indirect.gather [hbm4b:s5+s15], $0x20, s7, s15, $0xb8;
	[tilespmem:$0x1A900] =	vst v63  }
0x32: {  	s23 =	simm.s32 $0x448;
	s28 =	simm.s32 $0xED00  }
0x33: {  	[tilespmem:s28], [sflag:$0x2] =	stream.indirect.gather [hbm4b:s5+s17], $0x20, s23, s17, $0xb8;
	[tilespmem:$0x1A900] =	vst v63  }
0x34: {  	s7 =	simm.s32 $0x4B0  }
0x35: {  	[tilespmem:s1], [sflag:$0x2] =	stream.indirect.gather [hbm4b:s5+s15], $0x20, s7, s15, $0xb8;
	[tilespmem:$0x1A900] =	vst v63  }
0x36: {  	s19 =	simm.s32 $0x510  }
0x37: {  	[tilespmem:s21], [sflag:$0x2] =	stream.indirect.gather [hbm4b:s5+s17], $0x20, s19, s17, $0xb8;
	[tilespmem:$0x1A900] =	vst v63  }
0x38: {  	s23 =	simm.s32 $0x578  }
0x39: {  	[tilespmem:s30], [sflag:$0x2] =	stream.indirect.gather [hbm4b:s5+s15], $0x20, s23, s15, $0xb8;
	[tilespmem:$0x1A900] =	vst v63  }
0x3a: {  	s28 =	simm.s32 $0x5D8  }
0x3b: {  	[tilespmem:s25], [sflag:$0x2] =	stream.indirect.gather [hbm4b:s5+s17], $0x20, s28, s17, $0xb8;
	[tilespmem:$0x1A900] =	vst v63  }
0x3c: {  	s6 =	simm.s32 $0x640  }
0x3d: {  	[tilespmem:s14], [sflag:$0x3] =	stream.indirect.gather [hbm4b:s5+s15], $0x20, s6, s15, $0xb8;
	[tilespmem:$0x1A900] =	vst v63  }
0x3e: {  	s7 =	simm.s32 $0x6A0;
	s19 =	simm.s32 $0x13800  }
0x3f: {  	[tilespmem:s19], [sflag:$0x3] =	stream.indirect.gather [hbm4b:s5+s17], $0x20, s7, s17, $0xb8;
	[tilespmem:$0x1A900] =	vst v63  }
0x40: {  	s23 =	simm.s32 $0x708;
	s28 =	simm.s32 $0x14500  }
0x41: {  	[tilespmem:s28], [sflag:$0x3] =	stream.indirect.gather [hbm4b:s5+s15], $0x20, s23, s15, $0xb8;
	[tilespmem:$0x1A900] =	vst v63  }
0x42: {  	s6 =	simm.s32 $0x768  }
0x43: {  	[tilespmem:s10], [sflag:$0x3] =	stream.indirect.gather [hbm4b:s5+s17], $0x20, s6, s17, $0xb8;
	[tilespmem:$0x1A900] =	vst v63  }
0x44: {  	s7 =	simm.s32 $0x7D0  }
0x45: {  	[tilespmem:s11], [sflag:$0x3] =	stream.indirect.gather [hbm4b:s5+s15], $0x20, s7, s15, $0xb8;
	[tilespmem:$0x1A900] =	vst v63  }
0x46: {  	s19 =	simm.s32 $0x830  }
0x47: {  	[tilespmem:s12], [sflag:$0x3] =	stream.indirect.gather [hbm4b:s5+s17], $0x20, s19, s17, $0xb8;
	[tilespmem:$0x1A900] =	vst v63  }
0x48: {  	s23 =	simm.s32 $0x898  }
0x49: {  	[tilespmem:s13], [sflag:$0x3] =	stream.indirect.gather [hbm4b:s5+s15], $0x20, s23, s15, $0xb8;
	[tilespmem:$0x1A900] =	vst v63  }
0x4a: {  	s28 =	simm.s32 $0x8F8;
	s19 =	simm.s32 $0x0  }
0x4b: {  	[tilespmem:s18], [sflag:$0x3] =	stream.indirect.gather [hbm4b:s5+s17], $0x20, s28, s17, $0xb8;
	[tilespmem:$0x1A900] =	vst v63  }
.LBB2_2:
0x4c: {  	_ =	swait.ge [sflag:s20], $0x6400  }
0x4d: {  	[sflag:s20] =	ssyncset.done $0x0  }
0x4e: {  	s6 =	simm.s32 $0x0;
	[sflag:s20] =	ssyncadd.s32 $0xFFFF9C00  }
0x4f: {  	v0 =	vld [tilespmem:s6+$0x19010]  }
0x50: {  	v1 =	vld [tilespmem:s6+$0x19000];
	_ =	sdelay $0x3  }
0x51: {  	[tilespmem:s6+$0xAF10] =	vst.add.f32.msk $0xffff, v0  }
0x52: {  	[tilespmem:s6+$0x6400] =	vst.add.f32.msk $0xffff, v1  }
0x53: {  	[tilespmem:s6+$0x6410] =	vst.add.f32.msk $0xffff, v0  }
0x54: {  	[tilespmem:s6+$0x7D00] =	vst.add.f32.msk $0xffff, v1  }
0x55: {  	s3 =	simm.s32 $0x20;
	s7 =	simm.s32 $0x100;
	[tilespmem:s6+$0x7D10] =	vst.add.f32.msk $0xffff, v0  }
.LBB2_3:
0x56: {  	p0 =	sne.s32 s7, $0x6380;
	v2 =	vld [tilespmem:s3+$0x19010]  }
0x57: {  	v3 =	vld [tilespmem:s3+$0x19000]  }
0x58: {  	[tilespmem:s6+$0x9600] =	vst.add.f32.msk $0xffff, v1  }
0x59: {  	[tilespmem:s6+$0x9610] =	vst.add.f32.msk $0xffff, v0  }
0x5a: {  	[tilespmem:s6+$0xAF00] =	vst.add.f32.msk $0xffff, v1;
	s6 =	smov.u32 s3  }
.Ltmp0:
0x5b: {  	[tilespmem:s6+$0xAF10] =	vst.add.f32.msk $0xffff, v2;
	v0 =	vmov v2;
	(pc) =	sbr.rel @p0 .LBB2_3-.Ltmp0, $4  }
0x5c: {  	[tilespmem:s6+$0x6400] =	vst.add.f32.msk $0xffff, v3;
	v1 =	vmov v3  }
0x5d: {  	[tilespmem:s6+$0x6410] =	vst.add.f32.msk $0xffff, v0  }
0x5e: {  	[tilespmem:s6+$0x7D00] =	vst.add.f32.msk $0xffff, v1  }
0x5f: {  	s3 =	sshra.s32 s7, $0x2;
	s7 =	sadd.s32 $0x80, s7;
	[tilespmem:s6+$0x7D10] =	vst.add.f32.msk $0xffff, v0  }
0x60: {  	v2 =	vld [tilespmem:s3+$0x19010]  }
0x61: {  	v3 =	vld [tilespmem:s3+$0x19000]  }
0x62: {  	[tilespmem:s6+$0x9600] =	vst.add.f32.msk $0xffff, v1  }
0x63: {  	[tilespmem:s6+$0x9610] =	vst.add.f32.msk $0xffff, v0  }
0x64: {  	[tilespmem:s6+$0xAF00] =	vst.add.f32.msk $0xffff, v1  }
0x65: {  	[tilespmem:s3+$0xAF10] =	vst.add.f32.msk $0xffff, v2  }
0x66: {  	[tilespmem:s3+$0x6400] =	vst.add.f32.msk $0xffff, v3  }
0x67: {  	s23 =	smul.u32 $0xC, s19;
	[tilespmem:s3+$0x6410] =	vst.add.f32.msk $0xffff, v2  }
0x68: {  	[tilespmem:s3+$0x7D00] =	vst.add.f32.msk $0xffff, v3  }
0x69: {  	s7 =	sadd.s32 s4, s23;
	[tilespmem:s3+$0x7D10] =	vst.add.f32.msk $0xffff, v2  }
0x6a: {  	s6 =	smul.u32 $0x320, s7;
	[tilespmem:s3+$0x9600] =	vst.add.f32.msk $0xffff, v3  }
0x6b: {  	[tilespmem:s3+$0x9610] =	vst.add.f32.msk $0xffff, v2  }
0x6c: {  	s7 =	simm.s32 $0x0;
	[tilespmem:s3+$0xAF00] =	vst.add.f32.msk $0xffff, v3;
	s6 =	sadd.s32 s2, s6  }
0x6d: {  	[hbm4b:s6+s7] =	stream.linear.scatter [tilespmem:s16], [sflag:$0x4], $0x6400, $0x38;
	[tilespmem:$0x1A900] =	vst v63  }
0x6e: {  	s7 =	smul.u32 $0x2580, s19  }
0x6f: {  	_ =	swait.ge [sflag:s22], $0x6400  }
0x70: {  	[sflag:s22] =	ssyncset.done $0x0;
	s6 =	sshra.s32 s7, $0x2  }
0x71: {  	[sflag:s22] =	ssyncadd.s32 $0xFFFF9C00;
	s3 =	sadd.s32 $0x960, s6  }
0x72: {  	[tilespmem:s16], [sflag:$0x1] =	stream.indirect.gather [hbm4b:s5+s15], $0x20, s3, s15, $0xb8;
	[tilespmem:$0x1A900] =	vst v63  }
0x73: {  	s7 =	simm.s32 $0x7000;
	s3 =	sadd.s32 $0x9C0, s6  }
0x74: {  	[tilespmem:s7], [sflag:$0x1] =	stream.indirect.gather [hbm4b:s5+s17], $0x20, s3, s17, $0xb8;
	[tilespmem:$0x1A900] =	vst v63  }
0x75: {  	s3 =	sadd.s32 $0xA28, s6;
	s7 =	simm.s32 $0x7D00  }
0x76: {  	[tilespmem:s7], [sflag:$0x1] =	stream.indirect.gather [hbm4b:s5+s15], $0x20, s3, s15, $0xb8;
	[tilespmem:$0x1A900] =	vst v63  }
0x77: {  	s3 =	sadd.s32 $0xA88, s6;
	s7 =	simm.s32 $0x8900  }
0x78: {  	[tilespmem:s7], [sflag:$0x1] =	stream.indirect.gather [hbm4b:s5+s17], $0x20, s3, s17, $0xb8;
	[tilespmem:$0x1A900] =	vst v63  }
0x79: {  	s3 =	sadd.s32 $0xAF0, s6;
	s7 =	simm.s32 $0x9600  }
0x7a: {  	[tilespmem:s7], [sflag:$0x1] =	stream.indirect.gather [hbm4b:s5+s15], $0x20, s3, s15, $0xb8;
	[tilespmem:$0x1A900] =	vst v63  }
0x7b: {  	s3 =	sadd.s32 $0xB50, s6;
	s7 =	simm.s32 $0xA200  }
0x7c: {  	[tilespmem:s7], [sflag:$0x1] =	stream.indirect.gather [hbm4b:s5+s17], $0x20, s3, s17, $0xb8;
	[tilespmem:$0x1A900] =	vst v63  }
0x7d: {  	s3 =	sadd.s32 $0xBB8, s6;
	s7 =	simm.s32 $0xAF00  }
0x7e: {  	[tilespmem:s7], [sflag:$0x1] =	stream.indirect.gather [hbm4b:s5+s15], $0x20, s3, s15, $0xb8;
	[tilespmem:$0x1A900] =	vst v63  }
0x7f: {  	s3 =	sadd.s32 $0xC18, s6;
	s7 =	simm.s32 $0xBB00  }
0x80: {  	[tilespmem:s7], [sflag:$0x1] =	stream.indirect.gather [hbm4b:s5+s17], $0x20, s3, s17, $0xb8;
	[tilespmem:$0x1A900] =	vst v63  }
0x81: {  	_ =	swait.ge [sflag:s24], $0x6400  }
0x82: {  	[sflag:s24] =	ssyncset.done $0x0  }
0x83: {  	s3 =	simm.s32 $0x0;
	[sflag:s24] =	ssyncadd.s32 $0xFFFF9C00  }
0x84: {  	v0 =	vld [tilespmem:s3+$0x19010]  }
0x85: {  	v1 =	vld [tilespmem:s3+$0x19000];
	_ =	sdelay $0x3  }
0x86: {  	[tilespmem:s3+$0x11310] =	vst.add.f32.msk $0xffff, v0  }
0x87: {  	[tilespmem:s3+$0xC800] =	vst.add.f32.msk $0xffff, v1  }
0x88: {  	[tilespmem:s3+$0xC810] =	vst.add.f32.msk $0xffff, v0  }
0x89: {  	[tilespmem:s3+$0xE100] =	vst.add.f32.msk $0xffff, v1  }
0x8a: {  	s28 =	simm.s32 $0x100;
	s7 =	simm.s32 $0x20;
	[tilespmem:s3+$0xE110] =	vst.add.f32.msk $0xffff, v0  }
.LBB2_5:
0x8b: {  	p0 =	sne.s32 s28, $0x6380;
	v2 =	vld [tilespmem:s7+$0x19010]  }
0x8c: {  	v3 =	vld [tilespmem:s7+$0x19000]  }
0x8d: {  	[tilespmem:s3+$0xFA00] =	vst.add.f32.msk $0xffff, v1  }
0x8e: {  	[tilespmem:s3+$0xFA10] =	vst.add.f32.msk $0xffff, v0  }
0x8f: {  	[tilespmem:s3+$0x11300] =	vst.add.f32.msk $0xffff, v1;
	s3 =	smov.u32 s7  }
.Ltmp1:
0x90: {  	[tilespmem:s3+$0x11310] =	vst.add.f32.msk $0xffff, v2;
	v0 =	vmov v2;
	(pc) =	sbr.rel @p0 .LBB2_5-.Ltmp1, $4  }
0x91: {  	[tilespmem:s3+$0xC800] =	vst.add.f32.msk $0xffff, v3;
	v1 =	vmov v3  }
0x92: {  	[tilespmem:s3+$0xC810] =	vst.add.f32.msk $0xffff, v0  }
0x93: {  	[tilespmem:s3+$0xE100] =	vst.add.f32.msk $0xffff, v1  }
0x94: {  	s7 =	sshra.s32 s28, $0x2;
	s28 =	sadd.s32 $0x80, s28;
	[tilespmem:s3+$0xE110] =	vst.add.f32.msk $0xffff, v0  }
0x95: {  	v2 =	vld [tilespmem:s7+$0x19010]  }
0x96: {  	v3 =	vld [tilespmem:s7+$0x19000]  }
0x97: {  	[tilespmem:s3+$0xFA00] =	vst.add.f32.msk $0xffff, v1  }
0x98: {  	[tilespmem:s3+$0xFA10] =	vst.add.f32.msk $0xffff, v0  }
0x99: {  	[tilespmem:s3+$0x11300] =	vst.add.f32.msk $0xffff, v1  }
0x9a: {  	[tilespmem:s7+$0x11310] =	vst.add.f32.msk $0xffff, v2  }
0x9b: {  	[tilespmem:s7+$0xC800] =	vst.add.f32.msk $0xffff, v3  }
0x9c: {  	[tilespmem:s7+$0xC810] =	vst.add.f32.msk $0xffff, v2  }
0x9d: {  	[tilespmem:s7+$0xE100] =	vst.add.f32.msk $0xffff, v3  }
0x9e: {  	s3 =	sadd.s32 s23, s8;
	[tilespmem:s7+$0xE110] =	vst.add.f32.msk $0xffff, v2  }
0x9f: {  	s3 =	smul.u32 $0x320, s3;
	[tilespmem:s7+$0xFA00] =	vst.add.f32.msk $0xffff, v3  }
0xa0: {  	[tilespmem:s7+$0xFA10] =	vst.add.f32.msk $0xffff, v2  }
0xa1: {  	s3 =	sadd.s32 s2, s3;
	[tilespmem:s7+$0x11300] =	vst.add.f32.msk $0xffff, v3;
	s7 =	simm.s32 $0x0  }
0xa2: {  	[hbm4b:s3+s7] =	stream.linear.scatter [tilespmem:s0], [sflag:$0x5], $0x6400, $0x38;
	[tilespmem:$0x1A900] =	vst v63  }
0xa3: {  	_ =	swait.ge [sflag:s26], $0x6400  }
0xa4: {  	[sflag:s26] =	ssyncset.done $0x0  }
0xa5: {  	s7 =	sadd.s32 $0xC80, s6;
	[sflag:s26] =	ssyncadd.s32 $0xFFFF9C00  }
0xa6: {  	[tilespmem:s0], [sflag:$0x2] =	stream.indirect.gather [hbm4b:s5+s15], $0x20, s7, s15, $0xb8;
	[tilespmem:$0x1A900] =	vst v63  }
0xa7: {  	s3 =	sadd.s32 $0xCE0, s6;
	s7 =	simm.s32 $0xD400  }
0xa8: {  	[tilespmem:s7], [sflag:$0x2] =	stream.indirect.gather [hbm4b:s5+s17], $0x20, s3, s17, $0xb8;
	[tilespmem:$0x1A900] =	vst v63  }
0xa9: {  	s3 =	sadd.s32 $0xD48, s6;
	s7 =	simm.s32 $0xE100  }
0xaa: {  	[tilespmem:s7], [sflag:$0x2] =	stream.indirect.gather [hbm4b:s5+s15], $0x20, s3, s15, $0xb8;
	[tilespmem:$0x1A900] =	vst v63  }
0xab: {  	s3 =	sadd.s32 $0xDA8, s6;
	s7 =	simm.s32 $0xED00  }
0xac: {  	[tilespmem:s7], [sflag:$0x2] =	stream.indirect.gather [hbm4b:s5+s17], $0x20, s3, s17, $0xb8;
	[tilespmem:$0x1A900] =	vst v63  }
0xad: {  	s7 =	sadd.s32 $0xE10, s6  }
0xae: {  	[tilespmem:s1], [sflag:$0x2] =	stream.indirect.gather [hbm4b:s5+s15], $0x20, s7, s15, $0xb8;
	[tilespmem:$0x1A900] =	vst v63  }
0xaf: {  	s7 =	sadd.s32 $0xE70, s6  }
0xb0: {  	[tilespmem:s21], [sflag:$0x2] =	stream.indirect.gather [hbm4b:s5+s17], $0x20, s7, s17, $0xb8;
	[tilespmem:$0x1A900] =	vst v63  }
0xb1: {  	s7 =	sadd.s32 $0xED8, s6  }
0xb2: {  	[tilespmem:s30], [sflag:$0x2] =	stream.indirect.gather [hbm4b:s5+s15], $0x20, s7, s15, $0xb8;
	[tilespmem:$0x1A900] =	vst v63  }
0xb3: {  	s7 =	sadd.s32 $0xF38, s6  }
0xb4: {  	[tilespmem:s25], [sflag:$0x2] =	stream.indirect.gather [hbm4b:s5+s17], $0x20, s7, s17, $0xb8;
	[tilespmem:$0x1A900] =	vst v63  }
0xb5: {  	_ =	swait.ge [sflag:s29], $0x6400  }
0xb6: {  	[sflag:s29] =	ssyncset.done $0x0  }
0xb7: {  	s3 =	simm.s32 $0x0;
	[sflag:s29] =	ssyncadd.s32 $0xFFFF9C00  }
0xb8: {  	v0 =	vld [tilespmem:s3+$0x19010]  }
0xb9: {  	v1 =	vld [tilespmem:s3+$0x19000];
	_ =	sdelay $0x3  }
0xba: {  	[tilespmem:s3+$0x17710] =	vst.add.f32.msk $0xffff, v0  }
0xbb: {  	[tilespmem:s3+$0x12C00] =	vst.add.f32.msk $0xffff, v1  }
0xbc: {  	[tilespmem:s3+$0x12C10] =	vst.add.f32.msk $0xffff, v0  }
0xbd: {  	[tilespmem:s3+$0x14500] =	vst.add.f32.msk $0xffff, v1  }
0xbe: {  	s28 =	simm.s32 $0x100;
	s7 =	simm.s32 $0x20;
	[tilespmem:s3+$0x14510] =	vst.add.f32.msk $0xffff, v0  }
.LBB2_7:
0xbf: {  	p0 =	sne.s32 s28, $0x6380;
	v2 =	vld [tilespmem:s7+$0x19010]  }
0xc0: {  	v3 =	vld [tilespmem:s7+$0x19000]  }
0xc1: {  	[tilespmem:s3+$0x15E00] =	vst.add.f32.msk $0xffff, v1  }
0xc2: {  	[tilespmem:s3+$0x15E10] =	vst.add.f32.msk $0xffff, v0  }
0xc3: {  	[tilespmem:s3+$0x17700] =	vst.add.f32.msk $0xffff, v1;
	s3 =	smov.u32 s7  }
.Ltmp2:
0xc4: {  	[tilespmem:s3+$0x17710] =	vst.add.f32.msk $0xffff, v2;
	v0 =	vmov v2;
	(pc) =	sbr.rel @p0 .LBB2_7-.Ltmp2, $4  }
0xc5: {  	[tilespmem:s3+$0x12C00] =	vst.add.f32.msk $0xffff, v3;
	v1 =	vmov v3  }
0xc6: {  	[tilespmem:s3+$0x12C10] =	vst.add.f32.msk $0xffff, v0  }
0xc7: {  	[tilespmem:s3+$0x14500] =	vst.add.f32.msk $0xffff, v1  }
0xc8: {  	s7 =	sshra.s32 s28, $0x2;
	s28 =	sadd.s32 $0x80, s28;
	[tilespmem:s3+$0x14510] =	vst.add.f32.msk $0xffff, v0  }
0xc9: {  	v2 =	vld [tilespmem:s7+$0x19010]  }
0xca: {  	v3 =	vld [tilespmem:s7+$0x19000]  }
0xcb: {  	[tilespmem:s3+$0x15E00] =	vst.add.f32.msk $0xffff, v1  }
0xcc: {  	[tilespmem:s3+$0x15E10] =	vst.add.f32.msk $0xffff, v0  }
0xcd: {  	[tilespmem:s3+$0x17700] =	vst.add.f32.msk $0xffff, v1  }
0xce: {  	[tilespmem:s7+$0x17710] =	vst.add.f32.msk $0xffff, v2  }
0xcf: {  	[tilespmem:s7+$0x12C00] =	vst.add.f32.msk $0xffff, v3  }
0xd0: {  	[tilespmem:s7+$0x12C10] =	vst.add.f32.msk $0xffff, v2  }
0xd1: {  	p0 =	seq.s32 s19, $0x9;
	[tilespmem:s7+$0x14500] =	vst.add.f32.msk $0xffff, v3  }
.Ltmp3:
0xd2: {  	s28 =	sadd.s32 s23, s9;
	[tilespmem:s7+$0x14510] =	vst.add.f32.msk $0xffff, v2;
	(pc) =	sbr.rel @p0 .LBB2_10-.Ltmp3, $4  }
0xd3: {  	s3 =	smul.u32 $0x320, s28;
	[tilespmem:s7+$0x15E00] =	vst.add.f32.msk $0xffff, v3  }
0xd4: {  	[tilespmem:s7+$0x15E10] =	vst.add.f32.msk $0xffff, v2  }
0xd5: {  	s23 =	simm.s32 $0x0;
	s3 =	sadd.s32 s2, s3;
	[tilespmem:s7+$0x17700] =	vst.add.f32.msk $0xffff, v3  }
0xd6: {  	[hbm4b:s3+s23] =	stream.linear.scatter [tilespmem:s14], [sflag:$0x6], $0x6400, $0x38;
	[tilespmem:$0x1A900] =	vst v63  }
0xd7: {  	_ =	swait.ge [sflag:s31], $0x6400  }
0xd8: {  	[sflag:s31] =	ssyncset.done $0x0  }
0xd9: {  	s3 =	sadd.s32 $0xFA0, s6;
	[sflag:s31] =	ssyncadd.s32 $0xFFFF9C00  }
0xda: {  	[tilespmem:s14], [sflag:$0x3] =	stream.indirect.gather [hbm4b:s5+s15], $0x20, s3, s15, $0xb8;
	[tilespmem:$0x1A900] =	vst v63  }
0xdb: {  	s28 =	sadd.s32 $0x1000, s6;
	s7 =	simm.s32 $0x13800  }
0xdc: {  	[tilespmem:s7], [sflag:$0x3] =	stream.indirect.gather [hbm4b:s5+s17], $0x20, s28, s17, $0xb8;
	[tilespmem:$0x1A900] =	vst v63  }
0xdd: {  	s23 =	sadd.s32 $0x1068, s6;
	s28 =	simm.s32 $0x14500  }
0xde: {  	[tilespmem:s28], [sflag:$0x3] =	stream.indirect.gather [hbm4b:s5+s15], $0x20, s23, s15, $0xb8;
	[tilespmem:$0x1A900] =	vst v63  }
0xdf: {  	s23 =	sadd.s32 $0x10C8, s6  }
0xe0: {  	[tilespmem:s10], [sflag:$0x3] =	stream.indirect.gather [hbm4b:s5+s17], $0x20, s23, s17, $0xb8;
	[tilespmem:$0x1A900] =	vst v63  }
0xe1: {  	s28 =	sadd.s32 $0x1130, s6  }
0xe2: {  	[tilespmem:s11], [sflag:$0x3] =	stream.indirect.gather [hbm4b:s5+s15], $0x20, s28, s15, $0xb8;
	[tilespmem:$0x1A900] =	vst v63  }
0xe3: {  	s7 =	sadd.s32 $0x1190, s6  }
0xe4: {  	[tilespmem:s12], [sflag:$0x3] =	stream.indirect.gather [hbm4b:s5+s17], $0x20, s7, s17, $0xb8;
	[tilespmem:$0x1A900] =	vst v63  }
.Ltmp4:
0xe5: {  	_ = 	snop;
	(pc) =	sbr.rel .LBB2_2-.Ltmp4, $4  }
0xe6: {  	s23 =	sadd.s32 $0x11F8, s6  }
0xe7: {  	[tilespmem:s13], [sflag:$0x3] =	stream.indirect.gather [hbm4b:s5+s15], $0x20, s23, s15, $0xb8;
	[tilespmem:$0x1A900] =	vst v63  }
0xe8: {  	s19 =	sadd.s32 $0x1, s19;
	s28 =	sadd.s32 $0x1258, s6  }
0xe9: {  	[tilespmem:s18], [sflag:$0x3] =	stream.indirect.gather [hbm4b:s5+s17], $0x20, s28, s17, $0xb8;
	[tilespmem:$0x1A900] =	vst v63  }
.LBB2_10:
0xea: {  	_ =	swait.ge [sflag:s20], $0x6400  }
0xeb: {  	[sflag:s20] =	ssyncset.done $0x0  }
0xec: {  	s3 =	simm.s32 $0x0;
	[sflag:s20] =	ssyncadd.s32 $0xFFFF9C00  }
0xed: {  	v0 =	vld [tilespmem:s3+$0x19010]  }
0xee: {  	v1 =	vld [tilespmem:s3+$0x19000];
	_ =	sdelay $0x3  }
0xef: {  	[tilespmem:s3+$0xAF10] =	vst.add.f32.msk $0xffff, v0  }
0xf0: {  	[tilespmem:s3+$0x6400] =	vst.add.f32.msk $0xffff, v1  }
0xf1: {  	[tilespmem:s3+$0x6410] =	vst.add.f32.msk $0xffff, v0  }
0xf2: {  	[tilespmem:s3+$0x7D00] =	vst.add.f32.msk $0xffff, v1  }
0xf3: {  	s6 =	simm.s32 $0x20;
	s7 =	simm.s32 $0x100;
	[tilespmem:s3+$0x7D10] =	vst.add.f32.msk $0xffff, v0  }
.LBB2_11:
0xf4: {  	p0 =	sne.s32 s7, $0x6380;
	v2 =	vld [tilespmem:s6+$0x19010]  }
0xf5: {  	v3 =	vld [tilespmem:s6+$0x19000]  }
0xf6: {  	[tilespmem:s3+$0x9600] =	vst.add.f32.msk $0xffff, v1  }
0xf7: {  	[tilespmem:s3+$0x9610] =	vst.add.f32.msk $0xffff, v0  }
0xf8: {  	[tilespmem:s3+$0xAF00] =	vst.add.f32.msk $0xffff, v1;
	s3 =	smov.u32 s6  }
.Ltmp5:
0xf9: {  	[tilespmem:s3+$0xAF10] =	vst.add.f32.msk $0xffff, v2;
	v0 =	vmov v2;
	(pc) =	sbr.rel @p0 .LBB2_11-.Ltmp5, $4  }
0xfa: {  	[tilespmem:s3+$0x6400] =	vst.add.f32.msk $0xffff, v3;
	v1 =	vmov v3  }
0xfb: {  	[tilespmem:s3+$0x6410] =	vst.add.f32.msk $0xffff, v0  }
0xfc: {  	[tilespmem:s3+$0x7D00] =	vst.add.f32.msk $0xffff, v1  }
0xfd: {  	s6 =	sshra.s32 s7, $0x2;
	s7 =	sadd.s32 $0x80, s7;
	[tilespmem:s3+$0x7D10] =	vst.add.f32.msk $0xffff, v0  }
0xfe: {  	v2 =	vld [tilespmem:s6+$0x19010]  }
0xff: {  	v3 =	vld [tilespmem:s6+$0x19000]  }
0x100: {  	[tilespmem:s3+$0x9600] =	vst.add.f32.msk $0xffff, v1  }
0x101: {  	[tilespmem:s3+$0x9610] =	vst.add.f32.msk $0xffff, v0  }
0x102: {  	[tilespmem:s3+$0xAF00] =	vst.add.f32.msk $0xffff, v1  }
0x103: {  	[tilespmem:s6+$0xAF10] =	vst.add.f32.msk $0xffff, v2  }
0x104: {  	[tilespmem:s6+$0x6400] =	vst.add.f32.msk $0xffff, v3  }
0x105: {  	[tilespmem:s6+$0x6410] =	vst.add.f32.msk $0xffff, v2  }
0x106: {  	[tilespmem:s6+$0x7D00] =	vst.add.f32.msk $0xffff, v3  }
0x107: {  	[tilespmem:s6+$0x7D10] =	vst.add.f32.msk $0xffff, v2  }
0x108: {  	[tilespmem:s6+$0x9600] =	vst.add.f32.msk $0xffff, v3  }
0x109: {  	[tilespmem:s6+$0x9610] =	vst.add.f32.msk $0xffff, v2  }
0x10a: {  	s19 =	simm.s32 $0x0;
	s28 =	rddreg [dreg:$0x5];
	[tilespmem:s6+$0xAF00] =	vst.add.f32.msk $0xffff, v3  }
0x10b: {  	[hbm4b:s28+s19] =	stream.linear.scatter [tilespmem:s16], [sflag:$0x4], $0x6400, $0x38;
	[tilespmem:$0x1A900] =	vst v63  }
0x10c: {  	_ =	swait.ge [sflag:s24], $0x6400  }
0x10d: {  	[sflag:s24] =	ssyncset.done $0x0  }
0x10e: {  	s3 =	simm.s32 $0x0;
	[sflag:s24] =	ssyncadd.s32 $0xFFFF9C00  }
0x10f: {  	v0 =	vld [tilespmem:s3+$0x19010]  }
0x110: {  	v1 =	vld [tilespmem:s3+$0x19000];
	_ =	sdelay $0x3  }
0x111: {  	[tilespmem:s3+$0x11310] =	vst.add.f32.msk $0xffff, v0  }
0x112: {  	[tilespmem:s3+$0xC800] =	vst.add.f32.msk $0xffff, v1  }
0x113: {  	[tilespmem:s3+$0xC810] =	vst.add.f32.msk $0xffff, v0  }
0x114: {  	[tilespmem:s3+$0xE100] =	vst.add.f32.msk $0xffff, v1  }
0x115: {  	s7 =	simm.s32 $0x100;
	s6 =	simm.s32 $0x20;
	[tilespmem:s3+$0xE110] =	vst.add.f32.msk $0xffff, v0  }
.LBB2_13:
0x116: {  	p0 =	sne.s32 s7, $0x6380;
	v2 =	vld [tilespmem:s6+$0x19010]  }
0x117: {  	v3 =	vld [tilespmem:s6+$0x19000]  }
0x118: {  	[tilespmem:s3+$0xFA00] =	vst.add.f32.msk $0xffff, v1  }
0x119: {  	[tilespmem:s3+$0xFA10] =	vst.add.f32.msk $0xffff, v0  }
0x11a: {  	[tilespmem:s3+$0x11300] =	vst.add.f32.msk $0xffff, v1;
	s3 =	smov.u32 s6  }
.Ltmp6:
0x11b: {  	[tilespmem:s3+$0x11310] =	vst.add.f32.msk $0xffff, v2;
	v0 =	vmov v2;
	(pc) =	sbr.rel @p0 .LBB2_13-.Ltmp6, $4  }
0x11c: {  	[tilespmem:s3+$0xC800] =	vst.add.f32.msk $0xffff, v3;
	v1 =	vmov v3  }
0x11d: {  	[tilespmem:s3+$0xC810] =	vst.add.f32.msk $0xffff, v0  }
0x11e: {  	[tilespmem:s3+$0xE100] =	vst.add.f32.msk $0xffff, v1  }
0x11f: {  	s6 =	sshra.s32 s7, $0x2;
	s7 =	sadd.s32 $0x80, s7;
	[tilespmem:s3+$0xE110] =	vst.add.f32.msk $0xffff, v0  }
0x120: {  	v2 =	vld [tilespmem:s6+$0x19010]  }
0x121: {  	v3 =	vld [tilespmem:s6+$0x19000]  }
0x122: {  	[tilespmem:s3+$0xFA00] =	vst.add.f32.msk $0xffff, v1  }
0x123: {  	[tilespmem:s3+$0xFA10] =	vst.add.f32.msk $0xffff, v0  }
0x124: {  	[tilespmem:s3+$0x11300] =	vst.add.f32.msk $0xffff, v1  }
0x125: {  	[tilespmem:s6+$0x11310] =	vst.add.f32.msk $0xffff, v2  }
0x126: {  	[tilespmem:s6+$0xC800] =	vst.add.f32.msk $0xffff, v3  }
0x127: {  	[tilespmem:s6+$0xC810] =	vst.add.f32.msk $0xffff, v2  }
0x128: {  	[tilespmem:s6+$0xE100] =	vst.add.f32.msk $0xffff, v3  }
0x129: {  	[tilespmem:s6+$0xE110] =	vst.add.f32.msk $0xffff, v2  }
0x12a: {  	[tilespmem:s6+$0xFA00] =	vst.add.f32.msk $0xffff, v3  }
0x12b: {  	[tilespmem:s6+$0xFA10] =	vst.add.f32.msk $0xffff, v2  }
0x12c: {  	s7 =	rddreg [dreg:$0x6];
	[tilespmem:s6+$0x11300] =	vst.add.f32.msk $0xffff, v3  }
0x12d: {  	[hbm4b:s7+s23] =	stream.linear.scatter [tilespmem:s0], [sflag:$0x5], $0x6400, $0x38;
	[tilespmem:$0x1A900] =	vst v63  }
0x12e: {  	_ =	swait.ge [sflag:s22], $0x6400  }
0x12f: {  	[sflag:s22] =	ssyncset.done $0x0  }
0x130: {  	[sflag:s22] =	ssyncadd.s32 $0xFFFF9C00  }
0x131: {  	_ =	swait.ge [sflag:s26], $0x6400  }
0x132: {  	[sflag:s26] =	ssyncset.done $0x0  }
0x133: {  	[sflag:s26] =	ssyncadd.s32 $0xFFFF9C00  }
0x134: {  	_ =	swait.ge [sflag:s31], $0x6400  }
0x135: {  	s19 =	rddreg [dreg:$0x8]  }
0x136: {  	s28 =	rddreg [dreg:$0x7];
	s6 =	sadd.s32 $0x1, s19  }
0x137: {  	p0 =	sne.s32 s6, s28  }
.Ltmp7:
0x138: {  	_ = 	snop;
	(pc) =	sbr.rel @p0 .LBB2_1-.Ltmp7, $3  }
0x139: {  	_ =	sdelay $0x1  }
0x13a: {  	[sflag:s31] =	ssyncset.done $0x0  }
0x13b: {  	[sflag:s31] =	ssyncadd.s32 $0xFFFF9C00  }
0x13c: {  	_ =	sfence.sel $0x180000  }
0x13d: {  	[bflag:$0x0] =	sbarrier.arrive $0xFFFF  }
0x13e: {  	_ =	strace $0x90000047  }
0x13f: {  	s0 =	stileid.u32;
	[bflag:$0x2] =	sbarrier.arrive $0xFFFF  }
0x140: {  	p0 =	sne.s32 s0, $0x0;
	s0 =	rddreg [dreg:$0x2]  }
0x141: {  	s0 =	sadd.s32 @!p0 $0x100000, s0  }
0x142: {  	[sflag:s0] =	ssyncadd.tile.s32 @!p0 $0x1;
	_ =	shalt  }
.Lfunc_end2:
_tile_overlayer_lowered:
.L_overlay_start_2:
0x143: {  	(tag) =	ssettag $0x2  }
0x144: {  	s0 =	rddreg [dreg:$0x0];
	s2 =	stileid.u32  }
0x145: {  	s1 =	rddreg [dreg:$0x1];
	p0 =	sne.s32 s2, $0x0  }
0x146: {  	s3 =	rddreg [dreg:$0x2];
	[bflag:$0x3] =	sbarrier.arrive $0xFFFF;
	s2 =	simm.s32 @!p0 $0x1C07  }
0x147: {  	[timem:s3], [sflag:s2] =	dma.local @!p0 [hbm:s0], s1  }
0x148: {  	s0 =	simm.s32 @!p0 $0x7  }
0x149: {  	_ =	swait.ge @!p0 [sflag:s0], s1  }
0x14a: {  	s1 =	ssub.s32 @!p0 $0x0, s1;
	[sflag:s0] =	ssyncset.done @!p0 $0x0  }
0x14b: {  	[sflag:s0] =	ssyncadd.s32 @!p0 s1  }
0x14c: {  	[bflag:$0x3] =	sbarrier.arrive $0xFFFF  }
0x14d: {  	_ =	shalt  }

// kernel: sparse-core-data-format-call.cloned.1.call-start
scs
called_computation_lowered:
.L_overlay_start_0:
0x0: {  	s2 =	sld [smem:$0x3FD9]  }
0x1: {  	s3 =	sld [smem:$0x3FFE];
	_ =	sdelay $0x1  }
0x2: {  	s1 =	srdreg.scid  }
0x3: {  	s0 =	sand.u32 $0x1, s1  }
0x4: {  	s18 =	sshll.u32 s0, $0xA;
	s2 =	sadd.s32 s3, s2  }
0x5: {  	s2 =	sadd.s32 s2, s18  }
0x6: {  	[smem:$0x3FC5] =	sst s2  }
0x7: {  	_ = 	snop  }
0x8: {  	s2 =	sld [smem:$0x3FD0];
	(tm) =	ssettm $0x1  }
0x9: {  	s19 =	sld [smem:$0x3FFB];
	_ =	sdelay $0x3  }
0xa: {  	_ =	strace s19  }
0xb: {  	s3 =	sld [smem:$0x3FFC];
	_ =	sdelay $0x3  }
0xc: {  	_ =	strace s3  }
0xd: {  	s3 =	sld [smem:$0x3FFD];
	_ =	sdelay $0x3  }
0xe: {  	_ =	strace s3  }
0xf: {  	_ =	strace $0x8FFFFFFF  }
0x10: {  	s20 =	sld [smem:$0x3FDB];
	_ =	sdelay $0x1  }
0x11: {  	s4 =	simm.s32 $_scs_section_size  }
0x12: {  	s5 =	simm.s32 $_size__tile_overlayer_lowered;
	s6 =	simm.s32 $_tile_overlayer_lowered  }
0x13: {  	s23 =	simm.s32 $0x1BFF;
	s22 =	sshll.u32 s6, $0x1;
	s3 =	sadd.s32 s4, s20  }
0x14: {  	s7 =	simm.s32 $0x0;
	s21 =	sshll.u32 s5, $0x1;
	s5 =	sadd.s32 s22, s3  }
0x15: {  	[timem:s7], [sflag:s23] =	dma.local [hbm:s5], s21  }
0x16: {  	_ =	swait.ge [sflag:s23], s21  }
0x17: {  	s4 =	ssub.s32 $0x0, s21;
	[sflag:s23] =	ssyncset.done $0x0  }
0x18: {  	[sflag:s23] =	ssyncadd.s32 s4;
	_ =	sdelay $0x1  }
0x19: {  	s24 =	simm.s32 $0x1B8B  }
0x1a: {  	_ =	swait.ge [sflag:s24], $0x1  }
0x1b: {  	[sflag:s24] =	ssyncset.done $0x0  }
0x1c: {  	s26 =	simm.s32 $0x1B8E;
	s25 =	sld [smem:$0x3FFE];
	[sflag:s24] =	ssyncadd.s32 $0xFFFFFFFF  }
0x1d: {  	s27 =	simm.s32 $execute0_lowered;
	[smem:$0x3FD2] =	sst s26  }
0x1e: {  	s5 =	sshll.u32 s27, $0x1;
	_ =	strace $0x80000049;
	[dreg:$0x1] =	wrdreg $0xFFFFFFFF  }
0x1f: {  	s28 =	simm.s32 $_size_execute0_lowered;
	s3 =	sadd.s32 s3, s5;
	[dreg:$0x0] =	wrdreg $0x0  }
0x20: {  	s5 =	sshll.u32 s28, $0x1;
	[dreg:$0x2] =	wrdreg s3  }
0x21: {  	[dreg:$0x3] =	wrdreg s5  }
0x22: {  	[dreg:$0x4] =	wrdreg $0xC0  }
0x23: {  	_ =	task [dreg:s7], $0x5FFFF  }
0x24: {  	[dreg:$0x1] =	wrdreg $0xFFFFFFFF  }
0x25: {  	[dreg:$0x0] =	wrdreg $0x60  }
0x26: {  	[dreg:$0x2] =	wrdreg s25  }
0x27: {  	[dreg:$0x3] =	wrdreg s2  }
0x28: {  	[dreg:$0x4] =	wrdreg $0x9  }
0x29: {  	_ =	task.clear_ibuf [dreg:s7], $0x5FFFF;
	_ =	strace $0x90000049  }
0x2a: {  	s29 =	simm.s32 $0x9;
	_ =	strace $0x8000004B  }
0x2b: {  	_ =	swait.ge [sflag:s29], $0x1  }
0x2c: {  	[sflag:s29] =	ssyncadd.s32 $0xFFFFFFFF  }
0x2d: {  	_ =	strace $0x9000004B  }
0x2e: {  	_ =	sfence  }
0x2f: {  	s30 =	sld [smem:$0x0];
	_ =	sdelay $0x2  }
0x30: {  	s31 =	sshll.u32 s1, $0xD;
	s1 =	sshrl.u32 s1, $0x2  }
0x31: {  	s3 =	sand.u32 $0x4000, s31;
	s1 =	sadd.s32 s1, s30  }
0x32: {  	s0 =	sor.u32 s3, s0;
	s1 =	sshll.u32 s1, $0x11  }
0x33: {  	s0 =	sor.u32 s1, s0  }
0x34: {  	s0 =	sadd.s32 $0x8F2B, s0  }
0x35: {  	[sflag:s0] =	ssyncadd.remote.s32 $0x1  }
0x36: {  	_ =	sfence.sel $0xFFFF  }
0x37: {  	[dreg:$0x0] =	wrdreg $0xFFFFFFFF;
	(pc) =	sbr.abs _section_cstart, $3  }
0x38: {  	[dreg:$0x1] =	wrdreg $0xFFFFFFFF  }
0x39: {  	_ =	task.clear_ibuf [dreg:s7], $0x2FFFF;
	_ =	strace $0x9FFFFFFF  }
0x3a: {  	(tm) =	ssettm $0x7FFFFFFF  }
0x3b: {  	_ =	shalt  }
tec
execute0_lowered:
.L_overlay_start_1:
0x0: {  	(tag) =	ssettag $0x1  }
0x1: {  	s0 =	srdreg.scid  }
0x2: {  	s1 =	sshll.u32 s0, $0x4  }
0x3: {  	s0 =	stileid.u32;
	s1 =	sand.u32 $0x10, s1  }
0x4: {  	s1 =	sor.u32 s0, s1  }
0x5: {  	s6 =	rddreg [dreg:$0x0];
	s4 =	simm.s32 $0x1;
	s2 =	sshll.u32 s1, $0x7  }
0x6: {  	s7 =	simm.s32 $0x2;
	s12 =	simm.s32 $0x0;
	s1 =	ssub.s32 $0x1000, s2  }
0x7: {  	s8 =	simm.s32 $0x8000;
	s13 =	simm.s32 $0x0;
	s3 =	sand.u32 $0xF80, s1  }
0x8: {  	s9 =	simm.s32 $0x0;
	s5 =	sshrl.u32 s1, $0xC;
	p0 =	sne.s32 s3, $0x0  }
.Ltmp0:
0x9: {  	s1 =	rddreg [dreg:$0x2];
	s4 =	simm.s32 @!p0 $0x0;
	(pc) =	sbr.rel .LBB1_1-.Ltmp0, $4  }
0xa: {  	s11 =	simm.s32 $0x0;
	s3 =	rddreg [dreg:$0x1];
	s5 =	sadd.s32 s4, s5  }
0xb: {  	_ =	strace $0x8000004A;
	s4 =	simm.s32 $0x1;
	s5 =	smul.u32 $0xC8, s5  }
0xc: {  	s6 =	sadd.s32 $0xC00, s6;
	s10 =	smov.u32 s2;
	[sflag:s4] =	ssyncpa.u1 $0x0  }
0xd: {  	p0 =	por $0x0, $0x0;
	[sflag:s7] =	ssyncpa.u1 $0x0;
	s7 =	sor.u32 $0x1, s5  }
.LBB1_4:
0xe: {  	s16 =	sshll.u32 s13, $0x3;
	s17 =	sand.u32 $0x78, s13  }
0xf: {  	s30 =	sand.u32 $0x3E00, s13;
	s12 =	sshll.u32 s12, $0xE;
	s16 =	sand.u32 $0xC00, s16  }
0x10: {  	s31 =	sand.u32 $0x7, s13;
	s16 =	sor.u32 s17, s16;
	s17 =	sadd.s32 s3, s30  }
0x11: {  	s13 =	sshll.u32 s31, $0x12;
	s16 =	sshrl.u32 s16, $0x3;
	s12 =	sadd.s32 s12, s17  }
0x12: {  	[tilespmem:s15+$0x0 ss:$0x81] =	vst.msk $0xffff, v0;
	s13 =	sor.u32 $0x400, s13;
	s12 =	sadd.s32 s16, s12  }
0x13: {  	[hbm4b:s12+s13] =	stream.strided.scatter [tilespmem:s14], [sflag:$0x2], $0x1000, s8, s13, $0x20;
	[tilespmem:$0x4040] =	vst v63  }
.LBB1_5:
0x14: {  	s14 =	sadd.s32 $0x1, s9  }
0x15: {  	s12 =	sadd.s32 $0x1000, s10;
	s16 =	smov.u32 s10;
	p2 =	sgt.s32 s14, $0xC7  }
0x16: {  	s16 =	smov.u32 @p2 s12  }
0x17: {  	s14 =	simm.s32 @p2 $0x0;
	p2 =	sgt.s32 s16, $0xFFF  }
0x18: {  	s16 =	smov.u32 @p2 s2;
	p2 =	sne.s32 s11, s7  }
.Ltmp1:
0x19: {  	p1 =	slt.u32 s11, $0x2;
	(pc) =	sbr.rel @!p2 .LBB1_6-.Ltmp1, $4  }
0x1a: {  	s15 =	simm.s32 @!p1 $0x2  }
0x1b: {  	s13 =	smov.u32 s10;
	p0 =	por !p0, !p0;
	_ =	swait.ge @!p1 [sflag:s15], $0x1000  }
0x1c: {  	s12 =	smov.u32 s9;
	[sflag:s15] =	ssyncset.done @!p1 $0x0;
	s9 =	smov.u32 s14  }
0x1d: {  	s11 =	sadd.s32 $0x1, s11;
	[sflag:s15] =	ssyncadd.s32 @!p1 $0xFFFFF000;
	s10 =	smov.u32 s16  }
.LBB1_1:
0x1e: {  	p1 =	sge.u32 s11, s5  }
0x1f: {  	s14 =	sand.u32 @!p1 $0x1FFFFFF, s9  }
0x20: {  	s15 =	smulhi.u32 @!p1 $0x147AE15, s14;
	_ =	sdelay $0x1  }
0x21: {  	s15 =	smul.u32 @!p1 $0xC8, s15  }
0x22: {  	s16 =	sxor.u32 @!p1 $0xFFFFFFFF, s11;
	s17 =	smul.u32 @!p1 $0xC80, s10  }
0x23: {  	s31 =	sadd.s32 $0xFFFFFFFF, s11;
	s16 =	sshll.u32 @!p1 s16, $0xC;
	s14 =	ssub.s32 @!p1 s14, s15  }
0x24: {  	s15 =	sand.u32 @!p1 $0x1000, s16;
	s16 =	sadd.s32 @!p1 s6, s17;
	s14 =	sshll.u32 @!p1 s14, $0x4  }
0x25: {  	s17 =	simm.s32 @!p1 $0x6400;
	s14 =	sadd.s32 @!p1 s14, s16;
	s16 =	simm.s32 @!p1 $0x20  }
0x26: {  	[tilespmem:s15], [sflag:$0x1] =	stream.strided.gather @!p1 [hbm4b:s14+s16], $0x1000, s17, s16, $0x38;
	[tilespmem:$0x4040] =	vst v63  }
0x27: {  	p1 =	sge.u32 s31, s5  }
.Ltmp2:
0x28: {  	_ = 	snop;
	(pc) =	sbr.rel @p1 .LBB1_5-.Ltmp2, $1  }
0x29: {  	_ =	sdelay $0x3  }
0x2a: {  	s14 =	simm.s32 $0x1  }
0x2b: {  	_ =	swait.ge [sflag:s4], $0x1000;
	s14 =	simm.s32 @!p0 $0x0  }
0x2c: {  	[sflag:s4] =	ssyncset.done $0x0;
	s15 =	sshll.u32 s14, $0xC  }
0x2d: {  	[sflag:s4] =	ssyncadd.s32 $0xFFFFF000;
	s18 =	sor.u32 $0x10, s15  }
0x2e: {  	s14 =	smul.u32 $0x4080, s14;
	v1 =	vld [tilespmem:s18+$0x0]  }
0x2f: {  	s30 =	sand.u32 $0x1, s11;
	v0 =	vld [tilespmem:s18+$0xFFFFFFF0]  }
0x30: {  	s15 =	smul.u32 $0x4080, s30;
	s14 =	sshrl.u32 s14, $0x2  }
0x31: {  	s16 =	sor.u32 $0x2000, s14  }
0x32: {  	s31 =	sshrl.u32 s15, $0x2;
	s15 =	sadd.s32 $0x0, s16  }
0x33: {  	s17 =	simm.s32 $0x4;
	s18 =	sadd.s32 $0x20, s18;
	s14 =	sor.u32 $0x2000, s31;
	[tilespmem:s15+$0x810 ss:$0x81] =	vst.msk $0xffff, v1  }
.LBB1_3:
0x34: {  	v1 =	vld [tilespmem:s18+$0x0];
	p1 =	sne.s32 s17, $0x1FC;
	[tilespmem:s15+$0x0 ss:$0x81] =	vst.msk $0xffff, v0;
	s15 =	smov.u32 s17;
	s17 =	sadd.s32 $0x4, s17  }
.Ltmp3:
0x35: {  	v0 =	vld [tilespmem:s18+$0xFFFFFFF0];
	(pc) =	sbr.rel @p1 .LBB1_3-.Ltmp3, $4  }
0x36: {  	_ = 	snop  }
0x37: {  	s15 =	sshra.s32 s15, $0x2  }
0x38: {  	s15 =	sadd.s32 s15, s16  }
0x39: {  	s18 =	sadd.s32 $0x20, s18;
	[tilespmem:s15+$0x810 ss:$0x81] =	vst.msk $0xffff, v1  }
.Ltmp4:
0x3a: {  	_ = 	snop;
	(pc) =	sbr.rel .LBB1_4-.Ltmp4, $1  }
0x3b: {  	_ =	sdelay $0x3  }
.LBB1_6:
0x3c: {  	_ =	sfence.sel $0x180000  }
0x3d: {  	s2 =	simm.s32 $0x1;
	[bflag:$0x0] =	sbarrier.arrive $0xFFFF  }
0x3e: {  	s31 =	simm.s32 $0x2;
	[sflag:s2] =	ssyncpa.u1 $0x1  }
0x3f: {  	[sflag:s31] =	ssyncpa.u1 $0x1  }
0x40: {  	p0 =	sne.s32 s0, $0x0;
	_ =	strace $0x9000004A  }
0x41: {  	s0 =	sadd.s32 @!p0 $0x100000, s1;
	[bflag:$0x2] =	sbarrier.arrive $0xFFFF  }
0x42: {  	[sflag:s0] =	ssyncadd.tile.s32 @!p0 $0x1;
	_ =	shalt  }
.Lfunc_end1:
_tile_overlayer_lowered:
.L_overlay_start_2:
0x43: {  	(tag) =	ssettag $0x2  }
0x44: {  	s0 =	rddreg [dreg:$0x0];
	s2 =	stileid.u32  }
0x45: {  	s1 =	rddreg [dreg:$0x1];
	p0 =	sne.s32 s2, $0x0  }
0x46: {  	s3 =	rddreg [dreg:$0x2];
	[bflag:$0x3] =	sbarrier.arrive $0xFFFF;
	s2 =	simm.s32 @!p0 $0x1C01  }
0x47: {  	[timem:s3], [sflag:s2] =	dma.local @!p0 [hbm:s0], s1  }
0x48: {  	s0 =	simm.s32 @!p0 $0x1  }
0x49: {  	_ =	swait.ge @!p0 [sflag:s0], s1  }
0x4a: {  	s1 =	ssub.s32 @!p0 $0x0, s1;
	[sflag:s0] =	ssyncset.done @!p0 $0x0  }
0x4b: {  	[sflag:s0] =	ssyncadd.s32 @!p0 s1  }
0x4c: {  	[bflag:$0x3] =	sbarrier.arrive $0xFFFF  }
0x4d: {  	_ =	shalt  }

</sc_bundles>
